<compile_context>
chip_gen: v7x
topology: tpu7x:2x2x1
jax: 0.10.2.dev20260603
libtpu: 0.0.44.dev20260713+nightly
codegen_flags: <defaults>
</compile_context>

<pallas_src>
import functools

import jax
import jax.numpy as jnp
from jax import lax
from jax.experimental import pallas as pl
from jax.experimental.pallas import tpu as pltpu
from jax.experimental.pallas import tpu_sc as plsc

N_NODES = 10000
D = 128
NC = 2
NS = 16
NW = NC * NS
NP = 10240
NPS = NP // NS
CHUNK = 128


def _cdiv(a, b):
    return (a + b - 1) // b


def _tc_prep_body(x_ref, w_ref, as_ref, ad_ref, h_ref, a_ref, b_ref, u_ref):
    h = jnp.dot(x_ref[...], w_ref[...], preferred_element_type=jnp.float32)
    h_ref[...] = h
    a = jnp.sum(h * as_ref[...], axis=1)
    b = jnp.sum(h * ad_ref[...], axis=1)
    a_ref[...] = a
    b_ref[...] = b
    u_ref[...] = jnp.full((16,), jnp.max(a) + jnp.max(b), jnp.float32)


def _tc_prep(x_p, W, att_src, att_dst):
    return pl.pallas_call(
        _tc_prep_body,
        out_shape=(
            jax.ShapeDtypeStruct((NP, D), jnp.float32),
            jax.ShapeDtypeStruct((NP,), jnp.float32),
            jax.ShapeDtypeStruct((NP,), jnp.float32),
            jax.ShapeDtypeStruct((16,), jnp.float32),
        ),
    )(x_p, W, att_src, att_dst)


def _tc_finish_body(p_ref, bias_ref, gamma_ref, beta_ref, o_ref):
    o = p_ref[0] + p_ref[1] + bias_ref[...]
    o = jnp.maximum(o, 0.0)
    scale = gamma_ref[...] / jnp.sqrt(jnp.float32(1.0 + 1e-5))
    o_ref[...] = o * scale + beta_ref[...]


def _tc_finish(outp, bias, gamma, beta):
    return pl.pallas_call(
        _tc_finish_body,
        out_shape=jax.ShapeDtypeStruct((NP, D), jnp.float32),
    )(outp, bias, gamma, beta)


@functools.lru_cache(maxsize=None)
def _make_sc_alpha(T, E_TOT):
    mesh = plsc.VectorSubcoreMesh(core_axis_name="c", subcore_axis_name="s", num_cores=NC, num_subcores=NS)
    EP = NW * T

    @functools.partial(
        pl.kernel,
        out_type=(
            jax.ShapeDtypeStruct((EP,), jnp.float32),
            jax.ShapeDtypeStruct((NC, NP), jnp.float32),
        ),
        mesh=mesh,
        compiler_params=pltpu.CompilerParams(needs_layout_passes=False),
        scratch_types=[
            pltpu.VMEM((NP,), jnp.float32),
            pltpu.VMEM((NP,), jnp.float32),
            pltpu.VMEM((T,), jnp.int32),
            pltpu.VMEM((T,), jnp.int32),
            pltpu.VMEM((T,), jnp.float32),
            pltpu.VMEM((NP,), jnp.float32),
            pltpu.VMEM((16,), jnp.float32),
            pltpu.VMEM((NS, NPS), jnp.float32),
            pltpu.VMEM_SHARED((NS, NP), jnp.float32),
        ],
    )
    def sc_alpha(se_hbm, de_hbm, asrc_hbm, adst_hbm, u_hbm,
                 ex_hbm, den_hbm,
                 asrc_v, adst_v, se_v, de_v, ex_v, den_v, u_v, red_v, den_sh):
        cid = lax.axis_index("c")
        sid = lax.axis_index("s")
        wid = sid * NC + cid
        base = wid * T
        pltpu.sync_copy(asrc_hbm, asrc_v)
        pltpu.sync_copy(adst_hbm, adst_v)
        pltpu.sync_copy(se_hbm.at[pl.ds(base, T)], se_v)
        pltpu.sync_copy(de_hbm.at[pl.ds(base, T)], de_v)
        pltpu.sync_copy(u_hbm, u_v)
        uvec = plsc.load_gather(u_v, [jnp.zeros((16,), jnp.int32)])
        zeros16 = jnp.zeros((16,), jnp.float32)

        @pl.loop(0, NP // 16)
        def _zero(i):
            den_v[pl.ds(i * 16, 16)] = zeros16

        @pl.loop(0, T // 16)
        def _edges(i):
            e = i * 16
            sidx = se_v[pl.ds(e, 16)]
            didx = de_v[pl.ds(e, 16)]
            av = plsc.load_gather(asrc_v, [sidx])
            bv = plsc.load_gather(adst_v, [didx])
            al = av + bv
            al = jnp.where(al > 0, al, al * jnp.float32(0.2))
            exv = jnp.exp(al - uvec)
            eid = base + e + lax.iota(jnp.int32, 16)
            exv = jnp.where(eid < E_TOT, exv, jnp.float32(0.0))
            ex_v[pl.ds(e, 16)] = exv
            plsc.addupdate_scatter(den_v, [didx], exv)

        pltpu.sync_copy(ex_v, ex_hbm.at[pl.ds(base, T)])
        pltpu.sync_copy(den_v, den_sh.at[sid])
        plsc.subcore_barrier()
        col0 = sid * NPS
        pltpu.sync_copy(den_sh.at[:, pl.ds(col0, NPS)], red_v)

        @pl.loop(0, NPS // 16)
        def _red(ci):
            c = ci * 16
            acc = red_v[0, pl.ds(c, 16)]
            for r in range(1, NS):
                acc = acc + red_v[r, pl.ds(c, 16)]
            den_v[pl.ds(c, 16)] = acc

        pltpu.sync_copy(den_v.at[pl.ds(0, NPS)], den_hbm.at[cid, pl.ds(col0, NPS)])

    return sc_alpha


@functools.lru_cache(maxsize=None)
def _make_sc_agg(T):
    mesh = plsc.VectorSubcoreMesh(core_axis_name="c", subcore_axis_name="s", num_cores=NC, num_subcores=NS)
    NCH = T // CHUNK

    @functools.partial(
        pl.kernel,
        out_type=jax.ShapeDtypeStruct((NC, NP, D), jnp.float32),
        mesh=mesh,
        compiler_params=pltpu.CompilerParams(needs_layout_passes=False),
        scratch_types=[
            pltpu.VMEM((2, CHUNK), jnp.int32),
            pltpu.VMEM((2, CHUNK), jnp.int32),
            pltpu.VMEM((CHUNK,), jnp.int32),
            pltpu.VMEM((CHUNK,), jnp.int32),
            pltpu.VMEM((CHUNK,), jnp.float32),
            pltpu.VMEM((CHUNK,), jnp.float32),
            pltpu.VMEM((CHUNK, D), jnp.float32),
            pltpu.VMEM((CHUNK, D), jnp.float32),
            pltpu.VMEM((NP,), jnp.float32),
            pltpu.VMEM((2048,), jnp.float32),
            pltpu.VMEM_SHARED((NP, D), jnp.float32),
            pltpu.SemaphoreType.DMA,
            pltpu.SemaphoreType.DMA,
            pltpu.SemaphoreType.DMA,
            pltpu.SemaphoreType.DMA,
            pltpu.SemaphoreType.DMA,
            pltpu.SemaphoreType.DMA,
            pltpu.SemaphoreType.DMA,
            pltpu.SemaphoreType.DMA,
        ],
    )
    def sc_agg(pk2_hbm, ex2_hbm, den_hbm, h_hbm,
               out_hbm,
               pk0, pk1, ds0, ds1, ex0, ex1, r0, r1, d_v, d2s, acc_sh,
               sem_pk0, sem_pk1, sem_ex0, sem_ex1,
               sem_g0, sem_g1, sem_s0, sem_s1):
        cid = lax.axis_index("c")
        sid = lax.axis_index("s")
        wid = sid * NC + cid
        zeros16 = jnp.zeros((16,), jnp.float32)
        bufs = [
            (pk0, ds0, ex0, r0, sem_pk0, sem_ex0, sem_g0, sem_s0),
            (pk1, ds1, ex1, r1, sem_pk1, sem_ex1, sem_g1, sem_s1),
        ]

        pltpu.sync_copy(den_hbm.at[0], d_v)

        @pl.loop(0, NP // 2048)
        def _dsum(b):
            pltpu.sync_copy(den_hbm.at[1, pl.ds(b * 2048, 2048)], d2s)

            @pl.loop(0, 2048 // 16)
            def _dadd(i):
                o = i * 16
                d_v[pl.ds(b * 2048 + o, 16)] = (
                    d_v[pl.ds(b * 2048 + o, 16)] + d2s[pl.ds(o, 16)])

        @pl.loop(0, CHUNK)
        def _zr(r):
            for c in range(D // 16):
                r0[r, pl.ds(c * 16, 16)] = zeros16

        @pl.loop(0, NPS // CHUNK)
        def _zacc(b):
            pltpu.sync_copy(r0, acc_sh.at[pl.ds(sid * NPS + b * CHUNK, CHUNK)])

        plsc.subcore_barrier()

        def body(j, cur, nxt):
            cpk, cds, cex, cr, csem_pk, csem_ex, csem_g, csem_s = cur
            npk, nds, nex, nr, nsem_pk, nsem_ex, nsem_g, nsem_s = nxt

            pltpu.make_async_copy(ex2_hbm.at[wid, j], cex, csem_ex).wait()

            @pl.loop(0, CHUNK // 16, unroll=2)
            def _coef(i):
                e = i * 16
                didx = cpk[1, pl.ds(e, 16)]
                cds[pl.ds(e, 16)] = didx
                dv = plsc.load_gather(d_v, [didx])
                cex[pl.ds(e, 16)] = (
                    cex[pl.ds(e, 16)] / (dv + jnp.float32(1e-16)))

            pltpu.make_async_copy(h_hbm.at[cpk.at[0]], cr, csem_g).wait()

            @pl.when(j + 2 < NCH)
            def _():
                pltpu.async_copy(pk2_hbm.at[wid, j + 2], cpk, csem_pk)

            @pl.when(j > 0)
            def _():
                pltpu.make_async_copy(nr, acc_sh.at[nds], nsem_s).wait()

            @pl.when(j + 1 < NCH)
            def _():
                pltpu.make_async_copy(
                    pk2_hbm.at[wid, j + 1], npk, nsem_pk).wait()
                pltpu.async_copy(h_hbm.at[npk.at[0]], nr, nsem_g)
                pltpu.async_copy(ex2_hbm.at[wid, j + 1], nex, nsem_ex)

            @pl.loop(0, CHUNK, unroll=4)
            def _scale(r):
                cj = plsc.load_gather(cex, [jnp.full((16,), r, jnp.int32)])
                for c in range(D // 16):
                    cr[r, pl.ds(c * 16, 16)] = cr[r, pl.ds(c * 16, 16)] * cj

            pltpu.async_copy(cr, acc_sh.at[cds], csem_s, add=True)

        pltpu.async_copy(pk2_hbm.at[wid, 0], pk0, sem_pk0)
        pltpu.async_copy(ex2_hbm.at[wid, 0], ex0, sem_ex0)
        pltpu.async_copy(pk2_hbm.at[wid, 1], pk1, sem_pk1)
        pltpu.make_async_copy(pk2_hbm.at[wid, 0], pk0, sem_pk0).wait()
        pltpu.async_copy(h_hbm.at[pk0.at[0]], r0, sem_g0)

        @pl.loop(0, NCH)
        def _chunk(j):
            @pl.when(j % 2 == 0)
            def _():
                body(j, bufs[0], bufs[1])

            @pl.when(j % 2 == 1)
            def _():
                body(j, bufs[1], bufs[0])

        _, lds, _, lr, _, _, _, lsem_s = bufs[(NCH - 1) % 2]
        pltpu.make_async_copy(lr, acc_sh.at[lds], lsem_s).wait()

        plsc.subcore_barrier()
        row0 = sid * NPS
        pltpu.sync_copy(acc_sh.at[pl.ds(row0, NPS)],
                        out_hbm.at[cid, pl.ds(row0, NPS)])

    return sc_agg


def kernel(x, edge_index, W, att_src, att_dst, bias, gamma, beta):
    N = x.shape[0]
    E = edge_index.shape[1]
    E_TOT = E + N
    NCH = _cdiv(E_TOT, NW * CHUNK)
    T = NCH * CHUNK
    EP = NW * T
    PAD = EP - E_TOT

    loops = jnp.arange(N, dtype=jnp.int32)
    src = jnp.concatenate([
        edge_index[0].astype(jnp.int32), loops,
        jnp.zeros((PAD,), jnp.int32)])
    dst = jnp.concatenate([
        edge_index[1].astype(jnp.int32), loops,
        jnp.full((PAD,), N, jnp.int32)])

    x_p = jnp.pad(x, ((0, NP - N), (0, 0)))
    h, a_src_n, a_dst_n, u = _tc_prep(
        x_p, W, att_src.reshape(1, D), att_dst.reshape(1, D))

    ex, den = _make_sc_alpha(T, E_TOT)(src, dst, a_src_n, a_dst_n, u)

    pk = jnp.stack(
        [src.reshape(NW, NCH, CHUNK), dst.reshape(NW, NCH, CHUNK)], axis=2)
    outp = _make_sc_agg(T)(pk, ex.reshape(NW, NCH, CHUNK), den, h)

    out_full = _tc_finish(outp, bias.reshape(1, D), gamma.reshape(1, D),
                          beta.reshape(1, D))
    return out_full[:N]

# --- scband reference (transcript-rebuilt; emitter-appended) ---
"""Pipeline reference for scband-gat-38740605010063 (READ-ONLY COPY).

The authoritative reference and input builder live on the scoring server;
editing this copy changes nothing except your own understanding.
"""

import jax, jax.numpy as jnp
import numpy as np

N_NODES = 10000
N_EDGES = 320000
D_FEAT = 128
N_HID = 128


def setup_inputs(seed: int = 0) -> dict:
    key = jax.random.key(seed)
    k = jax.random.split(key, 8)
    x = jax.random.normal(k[0], (N_NODES, D_FEAT), dtype=jnp.float32)
    edge_index = jax.random.randint(k[1], (2, N_EDGES), 0, N_NODES, dtype=jnp.int64)
    # GATConv linear weight (xavier uniform)
    limit = float(np.sqrt(6.0 / (D_FEAT + N_HID)))
    W = jax.random.uniform(k[2], (D_FEAT, N_HID), dtype=jnp.float32, minval=-limit, maxval=limit)
    att_src = jax.random.normal(k[3], (N_HID,), dtype=jnp.float32) * 0.1
    att_dst = jax.random.normal(k[4], (N_HID,), dtype=jnp.float32) * 0.1
    bias = jnp.zeros((N_HID,), dtype=jnp.float32)
    gamma = jnp.ones((N_HID,), dtype=jnp.float32)
    beta = jnp.zeros((N_HID,), dtype=jnp.float32)
    return {"x": x, "edge_index": edge_index, "W": W, "att_src": att_src,
            "att_dst": att_dst, "bias": bias, "gamma": gamma, "beta": beta}


def reference(x, edge_index, W, att_src, att_dst, bias, gamma, beta):
    N = x.shape[0]
    # GATConv adds self-loops by default
    loops = jnp.arange(N, dtype=edge_index.dtype)
    ei = jnp.concatenate([edge_index, jnp.stack([loops, loops])], axis=1)
    src, dst = ei[0], ei[1]
    # linear projection (heads=1)
    h = x @ W  # [N, C]
    a_src = (h * att_src).sum(-1)  # [N]
    a_dst = (h * att_dst).sum(-1)  # [N]
    alpha = a_src[src] + a_dst[dst]  # [E]
    alpha = jax.nn.leaky_relu(alpha, negative_slope=0.2)
    # softmax over incoming edges per destination node
    amax = jax.ops.segment_max(alpha, dst, num_segments=N)
    amax = jnp.where(jnp.isfinite(amax), amax, 0.0)
    ex = jnp.exp(alpha - amax[dst])
    denom = jax.ops.segment_sum(ex, dst, num_segments=N)
    coef = ex / (denom[dst] + 1e-16)
    # weighted aggregation (scatter-add by dst)
    out = jax.ops.segment_sum(h[src] * coef[:, None], dst, num_segments=N)
    out = out + bias
    # flatten heads (heads=1 -> no-op) then transition: ReLU, BatchNorm1d (eval), Dropout (eval=identity)
    out = jax.nn.relu(out)
    eps = 1e-5
    out = out * (gamma / jnp.sqrt(1.0 + eps)) + beta  # running_mean=0, running_var=1
    return out

if __name__ == "__main__":
    import jax
    _d = setup_inputs()
    print(jax.jit(kernel)(*tuple(_d.values())))

</pallas_src>

<mosaic_0001>
#map = affine_map<(d0, d1) -> (0, 0, 0, 0)>
#map1 = affine_map<(d0, d1) -> (0, 0, 0)>
#map2 = affine_map<(d0, d1) -> (0, 0)>
module attributes {stable_mosaic.version = 14 : i64} {
  func.func @sc_agg(%arg0: i32, %arg1: i32, %arg2: memref<32x81x2x128xi32, #tpu.memory_space<hbm>>, %arg3: memref<32x81x128xf32, #tpu.memory_space<hbm>>, %arg4: memref<2x10240xf32, #tpu.memory_space<hbm>>, %arg5: memref<10240x128xf32, #tpu.memory_space<hbm>>, %arg6: memref<2x10240x128xf32, #tpu.memory_space<hbm>>, %arg7: memref<2x128xi32, #tpu.memory_space<vmem>>, %arg8: memref<2x128xi32, #tpu.memory_space<vmem>>, %arg9: memref<128xi32, #tpu.memory_space<vmem>>, %arg10: memref<128xi32, #tpu.memory_space<vmem>>, %arg11: memref<128xf32, #tpu.memory_space<vmem>>, %arg12: memref<128xf32, #tpu.memory_space<vmem>>, %arg13: memref<128x128xf32, #tpu.memory_space<vmem>>, %arg14: memref<128x128xf32, #tpu.memory_space<vmem>>, %arg15: memref<10240xf32, #tpu.memory_space<vmem>>, %arg16: memref<2048xf32, #tpu.memory_space<vmem>>, %arg17: memref<10240x128xf32, #tpu.memory_space<vmem_shared>>, %arg18: memref<!tpu.dma_semaphore, #tpu.memory_space<semaphore_mem>>, %arg19: memref<!tpu.dma_semaphore, #tpu.memory_space<semaphore_mem>>, %arg20: memref<!tpu.dma_semaphore, #tpu.memory_space<semaphore_mem>>, %arg21: memref<!tpu.dma_semaphore, #tpu.memory_space<semaphore_mem>>, %arg22: memref<!tpu.dma_semaphore, #tpu.memory_space<semaphore_mem>>, %arg23: memref<!tpu.dma_semaphore, #tpu.memory_space<semaphore_mem>>, %arg24: memref<!tpu.dma_semaphore, #tpu.memory_space<semaphore_mem>>, %arg25: memref<!tpu.dma_semaphore, #tpu.memory_space<semaphore_mem>>) attributes {dimension_semantics = [#tpu.dimension_semantics<core_parallel>, #tpu.dimension_semantics<subcore_parallel>], iteration_bounds = array<i64: 2, 16>, scalar_prefetch = 0 : i64, scratch_operands = 19 : i64, tpu.core_type = #tpu.core_type<sc_vector_subcore>, window_params = [{transform_indices = #map}, {transform_indices = #map1}, {transform_indices = #map2}, {transform_indices = #map2}, {transform_indices = #map1}]} {
    %mul3A = arith.constant 2 : i32
    %mul3A_0 = arith.muli %arg1, %mul3A : i32
    %add3A = arith.addi %mul3A_0, %arg0 : i32
    %broadcast_in_dim3A = arith.constant 0.000000e+00 : f32
    %broadcast_in_dim3A_1 = vector.broadcast %broadcast_in_dim3A : f32 to vector<16xf32>
    %run_scoped3A = arith.constant 0 : i32
    "tpu.region"() ({
      %run_scoped3A_66 = tpu.sem_alloc : memref<!tpu.dma_semaphore, #tpu.memory_space<semaphore_mem>>
      %dma_start3A_67 = arith.constant 0 : i32
      %dma_start3A_68 = tpu.memref_slice %arg4[%run_scoped3A, %dma_start3A_67] : memref<2x10240xf32, #tpu.memory_space<hbm>> -> memref<1x10240xf32, #tpu.memory_space<hbm>>
      %dma_start3A_69 = tpu.memref_squeeze %dma_start3A_68 : memref<1x10240xf32, #tpu.memory_space<hbm>> -> memref<10240xf32, #tpu.memory_space<hbm>>
      %dma_start3A_70 = arith.constant 0 : i32
      %dma_start3A_71 = tpu.memref_slice %arg4[%run_scoped3A, %dma_start3A_70] : memref<2x10240xf32, #tpu.memory_space<hbm>> -> memref<1x10240xf32, #tpu.memory_space<hbm>>
      %dma_start3A_72 = tpu.memref_squeeze %dma_start3A_71 : memref<1x10240xf32, #tpu.memory_space<hbm>> -> memref<10240xf32, #tpu.memory_space<hbm>>
      tpu.enqueue_dma source(%dma_start3A_72 : memref<10240xf32, #tpu.memory_space<hbm>>) target(%arg15 : memref<10240xf32, #tpu.memory_space<vmem>>) target_semaphore(%run_scoped3A_66 : memref<!tpu.dma_semaphore, #tpu.memory_space<semaphore_mem>>)
      %dma_wait3A_73 = arith.constant 0 : i32
      %dma_wait3A_74 = tpu.memref_slice %arg4[%run_scoped3A, %dma_wait3A_73] : memref<2x10240xf32, #tpu.memory_space<hbm>> -> memref<1x10240xf32, #tpu.memory_space<hbm>>
      %dma_wait3A_75 = tpu.memref_squeeze %dma_wait3A_74 : memref<1x10240xf32, #tpu.memory_space<hbm>> -> memref<10240xf32, #tpu.memory_space<hbm>>
      %dma_wait3A_76 = arith.constant 0 : i32
      %dma_wait3A_77 = tpu.memref_slice %arg4[%run_scoped3A, %dma_wait3A_76] : memref<2x10240xf32, #tpu.memory_space<hbm>> -> memref<1x10240xf32, #tpu.memory_space<hbm>>
      %dma_wait3A_78 = tpu.memref_squeeze %dma_wait3A_77 : memref<1x10240xf32, #tpu.memory_space<hbm>> -> memref<10240xf32, #tpu.memory_space<hbm>>
      tpu.wait_dma2 semaphore(%run_scoped3A_66 : memref<!tpu.dma_semaphore, #tpu.memory_space<semaphore_mem>>) src(%dma_wait3A_78 : memref<10240xf32, #tpu.memory_space<hbm>>) dst(%arg15 : memref<10240xf32, #tpu.memory_space<vmem>>)
      tpu.yield
    }) : () -> ()
    %scan3A = arith.constant 0 : i32
    %scan3A_2 = arith.constant 5 : i32
    %scan3A_3 = arith.addi %scan3A, %scan3A_2 : i32
    %scan3A_4 = arith.constant 1 : i32
    scf.for %scan3A_66 = %scan3A to %scan3A_3 step %scan3A_4  : i32 {
      %mul3A_67 = arith.constant 1 : i32
      %mul3A_68 = arith.muli %scan3A_66, %mul3A_67 : i32
      %add3A_69 = arith.constant 0 : i32
      %add3A_70 = arith.addi %add3A_69, %mul3A_68 : i32
      %mul3A_71 = arith.constant 2048 : i32
      %mul3A_72 = arith.muli %add3A_70, %mul3A_71 : i32
      %run_scoped3A_73 = arith.constant 1 : i32
      "tpu.region"() ({
        %run_scoped3A_79 = tpu.sem_alloc : memref<!tpu.dma_semaphore, #tpu.memory_space<semaphore_mem>>
        %dma_start3A_80 = tpu.memref_slice %arg4[%run_scoped3A_73, %mul3A_72] : memref<2x10240xf32, #tpu.memory_space<hbm>> -> memref<1x2048xf32, #tpu.memory_space<hbm>>
        %dma_start3A_81 = tpu.memref_squeeze %dma_start3A_80 : memref<1x2048xf32, #tpu.memory_space<hbm>> -> memref<2048xf32, #tpu.memory_space<hbm>>
        %dma_start3A_82 = tpu.memref_slice %arg4[%run_scoped3A_73, %mul3A_72] : memref<2x10240xf32, #tpu.memory_space<hbm>> -> memref<1x2048xf32, #tpu.memory_space<hbm>>
        %dma_start3A_83 = tpu.memref_squeeze %dma_start3A_82 : memref<1x2048xf32, #tpu.memory_space<hbm>> -> memref<2048xf32, #tpu.memory_space<hbm>>
        tpu.enqueue_dma source(%dma_start3A_83 : memref<2048xf32, #tpu.memory_space<hbm>>) target(%arg16 : memref<2048xf32, #tpu.memory_space<vmem>>) target_semaphore(%run_scoped3A_79 : memref<!tpu.dma_semaphore, #tpu.memory_space<semaphore_mem>>)
        %dma_wait3A_84 = tpu.memref_slice %arg4[%run_scoped3A_73, %mul3A_72] : memref<2x10240xf32, #tpu.memory_space<hbm>> -> memref<1x2048xf32, #tpu.memory_space<hbm>>
        %dma_wait3A_85 = tpu.memref_squeeze %dma_wait3A_84 : memref<1x2048xf32, #tpu.memory_space<hbm>> -> memref<2048xf32, #tpu.memory_space<hbm>>
        %dma_wait3A_86 = tpu.memref_slice %arg4[%run_scoped3A_73, %mul3A_72] : memref<2x10240xf32, #tpu.memory_space<hbm>> -> memref<1x2048xf32, #tpu.memory_space<hbm>>
        %dma_wait3A_87 = tpu.memref_squeeze %dma_wait3A_86 : memref<1x2048xf32, #tpu.memory_space<hbm>> -> memref<2048xf32, #tpu.memory_space<hbm>>
        tpu.wait_dma2 semaphore(%run_scoped3A_79 : memref<!tpu.dma_semaphore, #tpu.memory_space<semaphore_mem>>) src(%dma_wait3A_87 : memref<2048xf32, #tpu.memory_space<hbm>>) dst(%arg16 : memref<2048xf32, #tpu.memory_space<vmem>>)
        tpu.yield
      }) : () -> ()
      %scan3A_74 = arith.constant 0 : i32
      %scan3A_75 = arith.constant 128 : i32
      %scan3A_76 = arith.addi %scan3A_74, %scan3A_75 : i32
      %scan3A_77 = arith.constant 1 : i32
      scf.for %scan3A_79 = %scan3A_74 to %scan3A_76 step %scan3A_77  : i32 {
        %mul3A_80 = arith.constant 1 : i32
        %mul3A_81 = arith.muli %scan3A_79, %mul3A_80 : i32
        %add3A_82 = arith.constant 0 : i32
        %add3A_83 = arith.addi %add3A_82, %mul3A_81 : i32
        %mul3A_84 = arith.constant 16 : i32
        %mul3A_85 = arith.muli %add3A_83, %mul3A_84 : i32
        %mul3A_86 = arith.constant 2048 : i32
        %mul3A_87 = arith.muli %add3A_70, %mul3A_86 : i32
        %add3A_88 = arith.addi %mul3A_87, %mul3A_85 : i32
        %get3A = arith.index_cast %add3A_88 : i32 to index
        %get3A_89 = tpu.vector_load %arg15[%get3A] {strides = array<i32>} : memref<10240xf32, #tpu.memory_space<vmem>>, vector<16xf32>,
        %get3A_90 = arith.index_cast %mul3A_85 : i32 to index
        %get3A_91 = tpu.vector_load %arg16[%get3A_90] {strides = array<i32>} : memref<2048xf32, #tpu.memory_space<vmem>>, vector<16xf32>,
        %add3A_92 = arith.addf %get3A_89, %get3A_91 : vector<16xf32>
        %mul3A_93 = arith.constant 2048 : i32
        %mul3A_94 = arith.muli %add3A_70, %mul3A_93 : i32
        %add3A_95 = arith.addi %mul3A_94, %mul3A_85 : i32
        %swap3A = arith.index_cast %add3A_95 : i32 to index
        %swap3A_96 = tpu.vector_load %arg15[%swap3A] {strides = array<i32>} : memref<10240xf32, #tpu.memory_space<vmem>>, vector<16xf32>,
        tpu.vector_store %arg15[%swap3A], %add3A_92 {strides = array<i32>} : memref<10240xf32, #tpu.memory_space<vmem>>, vector<16xf32>,
      }
      %scan3A_78 = arith.constant 128 : i32
    }
    %scan3A_5 = arith.constant 5 : i32
    %scan3A_6 = arith.constant 0 : i32
    %scan3A_7 = arith.constant 128 : i32
    %scan3A_8 = arith.addi %scan3A_6, %scan3A_7 : i32
    %scan3A_9 = arith.constant 1 : i32
    scf.for %scan3A_66 = %scan3A_6 to %scan3A_8 step %scan3A_9  : i32 {
      %mul3A_67 = arith.constant 1 : i32
      %mul3A_68 = arith.muli %scan3A_66, %mul3A_67 : i32
      %add3A_69 = arith.constant 0 : i32
      %add3A_70 = arith.addi %add3A_69, %mul3A_68 : i32
      %swap3A = arith.index_cast %add3A_70 : i32 to index
      %swap3A_71 = arith.constant 0 : index
      %swap3A_72 = tpu.vector_load %arg13[%swap3A, %swap3A_71] {strides = array<i32>} : memref<128x128xf32, #tpu.memory_space<vmem>>, vector<16xf32>,
      tpu.vector_store %arg13[%swap3A, %swap3A_71], %broadcast_in_dim3A_1 {strides = array<i32>} : memref<128x128xf32, #tpu.memory_space<vmem>>, vector<16xf32>,
      %swap3A_73 = arith.index_cast %add3A_70 : i32 to index
      %swap3A_74 = arith.constant 16 : index
      %swap3A_75 = tpu.vector_load %arg13[%swap3A_73, %swap3A_74] {strides = array<i32>} : memref<128x128xf32, #tpu.memory_space<vmem>>, vector<16xf32>,
      tpu.vector_store %arg13[%swap3A_73, %swap3A_74], %broadcast_in_dim3A_1 {strides = array<i32>} : memref<128x128xf32, #tpu.memory_space<vmem>>, vector<16xf32>,
      %swap3A_76 = arith.index_cast %add3A_70 : i32 to index
      %swap3A_77 = arith.constant 32 : index
      %swap3A_78 = tpu.vector_load %arg13[%swap3A_76, %swap3A_77] {strides = array<i32>} : memref<128x128xf32, #tpu.memory_space<vmem>>, vector<16xf32>,
      tpu.vector_store %arg13[%swap3A_76, %swap3A_77], %broadcast_in_dim3A_1 {strides = array<i32>} : memref<128x128xf32, #tpu.memory_space<vmem>>, vector<16xf32>,
      %swap3A_79 = arith.index_cast %add3A_70 : i32 to index
      %swap3A_80 = arith.constant 48 : index
      %swap3A_81 = tpu.vector_load %arg13[%swap3A_79, %swap3A_80] {strides = array<i32>} : memref<128x128xf32, #tpu.memory_space<vmem>>, vector<16xf32>,
      tpu.vector_store %arg13[%swap3A_79, %swap3A_80], %broadcast_in_dim3A_1 {strides = array<i32>} : memref<128x128xf32, #tpu.memory_space<vmem>>, vector<16xf32>,
      %swap3A_82 = arith.index_cast %add3A_70 : i32 to index
      %swap3A_83 = arith.constant 64 : index
      %swap3A_84 = tpu.vector_load %arg13[%swap3A_82, %swap3A_83] {strides = array<i32>} : memref<128x128xf32, #tpu.memory_space<vmem>>, vector<16xf32>,
      tpu.vector_store %arg13[%swap3A_82, %swap3A_83], %broadcast_in_dim3A_1 {strides = array<i32>} : memref<128x128xf32, #tpu.memory_space<vmem>>, vector<16xf32>,
      %swap3A_85 = arith.index_cast %add3A_70 : i32 to index
      %swap3A_86 = arith.constant 80 : index
      %swap3A_87 = tpu.vector_load %arg13[%swap3A_85, %swap3A_86] {strides = array<i32>} : memref<128x128xf32, #tpu.memory_space<vmem>>, vector<16xf32>,
      tpu.vector_store %arg13[%swap3A_85, %swap3A_86], %broadcast_in_dim3A_1 {strides = array<i32>} : memref<128x128xf32, #tpu.memory_space<vmem>>, vector<16xf32>,
      %swap3A_88 = arith.index_cast %add3A_70 : i32 to index
      %swap3A_89 = arith.constant 96 : index
      %swap3A_90 = tpu.vector_load %arg13[%swap3A_88, %swap3A_89] {strides = array<i32>} : memref<128x128xf32, #tpu.memory_space<vmem>>, vector<16xf32>,
      tpu.vector_store %arg13[%swap3A_88, %swap3A_89], %broadcast_in_dim3A_1 {strides = array<i32>} : memref<128x128xf32, #tpu.memory_space<vmem>>, vector<16xf32>,
      %swap3A_91 = arith.index_cast %add3A_70 : i32 to index
      %swap3A_92 = arith.constant 112 : index
      %swap3A_93 = tpu.vector_load %arg13[%swap3A_91, %swap3A_92] {strides = array<i32>} : memref<128x128xf32, #tpu.memory_space<vmem>>, vector<16xf32>,
      tpu.vector_store %arg13[%swap3A_91, %swap3A_92], %broadcast_in_dim3A_1 {strides = array<i32>} : memref<128x128xf32, #tpu.memory_space<vmem>>, vector<16xf32>,
    }
    %scan3A_10 = arith.constant 128 : i32
    %scan3A_11 = arith.constant 0 : i32
    %scan3A_12 = arith.constant 5 : i32
    %scan3A_13 = arith.addi %scan3A_11, %scan3A_12 : i32
    %scan3A_14 = arith.constant 1 : i32
    scf.for %scan3A_66 = %scan3A_11 to %scan3A_13 step %scan3A_14  : i32 {
      %mul3A_67 = arith.constant 1 : i32
      %mul3A_68 = arith.muli %scan3A_66, %mul3A_67 : i32
      %add3A_69 = arith.constant 0 : i32
      %add3A_70 = arith.addi %add3A_69, %mul3A_68 : i32
      %mul3A_71 = arith.constant 640 : i32
      %mul3A_72 = arith.muli %arg1, %mul3A_71 : i32
      %mul3A_73 = arith.constant 128 : i32
      %mul3A_74 = arith.muli %add3A_70, %mul3A_73 : i32
      %add3A_75 = arith.addi %mul3A_72, %mul3A_74 : i32
      "tpu.region"() ({
        %run_scoped3A_76 = tpu.sem_alloc : memref<!tpu.dma_semaphore, #tpu.memory_space<semaphore_mem>>
        %dma_start3A_77 = arith.constant 0 : i32
        %dma_start3A_78 = tpu.memref_slice %arg17[%add3A_75, %dma_start3A_77] : memref<10240x128xf32, #tpu.memory_space<vmem_shared>> -> memref<128x128xf32, #tpu.memory_space<vmem_shared>>
        %dma_start3A_79 = arith.constant 0 : i32
        %dma_start3A_80 = tpu.memref_slice %arg17[%add3A_75, %dma_start3A_79] : memref<10240x128xf32, #tpu.memory_space<vmem_shared>> -> memref<128x128xf32, #tpu.memory_space<vmem_shared>>
        tpu.enqueue_dma source(%arg13 : memref<128x128xf32, #tpu.memory_space<vmem>>) target(%dma_start3A_80 : memref<128x128xf32, #tpu.memory_space<vmem_shared>>) target_semaphore(%run_scoped3A_76 : memref<!tpu.dma_semaphore, #tpu.memory_space<semaphore_mem>>)
        %dma_wait3A_81 = arith.constant 0 : i32
        %dma_wait3A_82 = tpu.memref_slice %arg17[%add3A_75, %dma_wait3A_81] : memref<10240x128xf32, #tpu.memory_space<vmem_shared>> -> memref<128x128xf32, #tpu.memory_space<vmem_shared>>
        %dma_wait3A_83 = arith.constant 0 : i32
        %dma_wait3A_84 = tpu.memref_slice %arg17[%add3A_75, %dma_wait3A_83] : memref<10240x128xf32, #tpu.memory_space<vmem_shared>> -> memref<128x128xf32, #tpu.memory_space<vmem_shared>>
        tpu.wait_dma2 semaphore(%run_scoped3A_76 : memref<!tpu.dma_semaphore, #tpu.memory_space<semaphore_mem>>) src(%arg13 : memref<128x128xf32, #tpu.memory_space<vmem>>) dst(%dma_wait3A_84 : memref<128x128xf32, #tpu.memory_space<vmem_shared>>)
        tpu.yield
      }) : () -> ()
    }
    %scan3A_15 = arith.constant 5 : i32
    %barrier3A = arith.constant 0 : index
    tpu.barrier barrier_id(%barrier3A)
    %dma_start3A = arith.constant 0 : i32
    %dma_start3A_16 = arith.constant 0 : i32
    %dma_start3A_17 = arith.constant 0 : i32
    %dma_start3A_18 = tpu.memref_slice %arg2[%add3A, %dma_start3A, %dma_start3A_16, %dma_start3A_17] : memref<32x81x2x128xi32, #tpu.memory_space<hbm>> -> memref<1x1x2x128xi32, #tpu.memory_space<hbm>>
    %dma_start3A_19 = tpu.memref_squeeze %dma_start3A_18 : memref<1x1x2x128xi32, #tpu.memory_space<hbm>> -> memref<2x128xi32, #tpu.memory_space<hbm>>
    %dma_start3A_20 = arith.constant 0 : i32
    %dma_start3A_21 = arith.constant 0 : i32
    %dma_start3A_22 = tpu.memref_slice %arg2[%add3A, %dma_start3A, %dma_start3A_20, %dma_start3A_21] : memref<32x81x2x128xi32, #tpu.memory_space<hbm>> -> memref<1x1x2x128xi32, #tpu.memory_space<hbm>>
    %dma_start3A_23 = tpu.memref_squeeze %dma_start3A_22 : memref<1x1x2x128xi32, #tpu.memory_space<hbm>> -> memref<2x128xi32, #tpu.memory_space<hbm>>
    tpu.enqueue_dma source(%dma_start3A_23 : memref<2x128xi32, #tpu.memory_space<hbm>>) target(%arg7 : memref<2x128xi32, #tpu.memory_space<vmem>>) target_semaphore(%arg18 : memref<!tpu.dma_semaphore, #tpu.memory_space<semaphore_mem>>)
    %dma_start3A_24 = arith.constant 0 : i32
    %dma_start3A_25 = arith.constant 0 : i32
    %dma_start3A_26 = tpu.memref_slice %arg3[%add3A, %dma_start3A_24, %dma_start3A_25] : memref<32x81x128xf32, #tpu.memory_space<hbm>> -> memref<1x1x128xf32, #tpu.memory_space<hbm>>
    %dma_start3A_27 = tpu.memref_squeeze %dma_start3A_26 : memref<1x1x128xf32, #tpu.memory_space<hbm>> -> memref<128xf32, #tpu.memory_space<hbm>>
    %dma_start3A_28 = arith.constant 0 : i32
    %dma_start3A_29 = tpu.memref_slice %arg3[%add3A, %dma_start3A_24, %dma_start3A_28] : memref<32x81x128xf32, #tpu.memory_space<hbm>> -> memref<1x1x128xf32, #tpu.memory_space<hbm>>
    %dma_start3A_30 = tpu.memref_squeeze %dma_start3A_29 : memref<1x1x128xf32, #tpu.memory_space<hbm>> -> memref<128xf32, #tpu.memory_space<hbm>>
    tpu.enqueue_dma source(%dma_start3A_30 : memref<128xf32, #tpu.memory_space<hbm>>) target(%arg11 : memref<128xf32, #tpu.memory_space<vmem>>) target_semaphore(%arg20 : memref<!tpu.dma_semaphore, #tpu.memory_space<semaphore_mem>>)
    %dma_start3A_31 = arith.constant 1 : i32
    %dma_start3A_32 = arith.constant 0 : i32
    %dma_start3A_33 = arith.constant 0 : i32
    %dma_start3A_34 = tpu.memref_slice %arg2[%add3A, %dma_start3A_31, %dma_start3A_32, %dma_start3A_33] : memref<32x81x2x128xi32, #tpu.memory_space<hbm>> -> memref<1x1x2x128xi32, #tpu.memory_space<hbm>>
    %dma_start3A_35 = tpu.memref_squeeze %dma_start3A_34 : memref<1x1x2x128xi32, #tpu.memory_space<hbm>> -> memref<2x128xi32, #tpu.memory_space<hbm>>
    %dma_start3A_36 = arith.constant 0 : i32
    %dma_start3A_37 = arith.constant 0 : i32
    %dma_start3A_38 = tpu.memref_slice %arg2[%add3A, %dma_start3A_31, %dma_start3A_36, %dma_start3A_37] : memref<32x81x2x128xi32, #tpu.memory_space<hbm>> -> memref<1x1x2x128xi32, #tpu.memory_space<hbm>>
    %dma_start3A_39 = tpu.memref_squeeze %dma_start3A_38 : memref<1x1x2x128xi32, #tpu.memory_space<hbm>> -> memref<2x128xi32, #tpu.memory_space<hbm>>
    tpu.enqueue_dma source(%dma_start3A_39 : memref<2x128xi32, #tpu.memory_space<hbm>>) target(%arg8 : memref<2x128xi32, #tpu.memory_space<vmem>>) target_semaphore(%arg19 : memref<!tpu.dma_semaphore, #tpu.memory_space<semaphore_mem>>)
    %dma_wait3A = arith.constant 0 : i32
    %dma_wait3A_40 = arith.constant 0 : i32
    %dma_wait3A_41 = arith.constant 0 : i32
    %dma_wait3A_42 = tpu.memref_slice %arg2[%add3A, %dma_wait3A, %dma_wait3A_40, %dma_wait3A_41] : memref<32x81x2x128xi32, #tpu.memory_space<hbm>> -> memref<1x1x2x128xi32, #tpu.memory_space<hbm>>
    %dma_wait3A_43 = tpu.memref_squeeze %dma_wait3A_42 : memref<1x1x2x128xi32, #tpu.memory_space<hbm>> -> memref<2x128xi32, #tpu.memory_space<hbm>>
    %dma_wait3A_44 = arith.constant 0 : i32
    %dma_wait3A_45 = arith.constant 0 : i32
    %dma_wait3A_46 = tpu.memref_slice %arg2[%add3A, %dma_wait3A, %dma_wait3A_44, %dma_wait3A_45] : memref<32x81x2x128xi32, #tpu.memory_space<hbm>> -> memref<1x1x2x128xi32, #tpu.memory_space<hbm>>
    %dma_wait3A_47 = tpu.memref_squeeze %dma_wait3A_46 : memref<1x1x2x128xi32, #tpu.memory_space<hbm>> -> memref<2x128xi32, #tpu.memory_space<hbm>>
    tpu.wait_dma2 semaphore(%arg18 : memref<!tpu.dma_semaphore, #tpu.memory_space<semaphore_mem>>) src(%dma_wait3A_47 : memref<2x128xi32, #tpu.memory_space<hbm>>) dst(%arg7 : memref<2x128xi32, #tpu.memory_space<vmem>>)
    %dma_start3A_48 = arith.constant 0 : i32
    %dma_start3A_49 = arith.constant 0 : i32
    %dma_start3A_50 = tpu.memref_slice %arg7[%dma_start3A_48, %dma_start3A_49] : memref<2x128xi32, #tpu.memory_space<vmem>> -> memref<1x128xi32, #tpu.memory_space<vmem>>
    %dma_start3A_51 = tpu.memref_squeeze %dma_start3A_50 : memref<1x128xi32, #tpu.memory_space<vmem>> -> memref<128xi32, #tpu.memory_space<vmem>>
    %dma_start3A_52 = arith.constant 0 : i32
    %dma_start3A_53 = arith.constant 0 : i32
    %dma_start3A_54 = tpu.memref_slice %arg5[%dma_start3A_52, %dma_start3A_53] : memref<10240x128xf32, #tpu.memory_space<hbm>> -> memref<10240x128xf32, #tpu.memory_space<hbm>>
    tpu.enqueue_indirect_dma source(%dma_start3A_54 : memref<10240x128xf32, #tpu.memory_space<hbm>>) target(%arg13 : memref<128x128xf32, #tpu.memory_space<vmem>>) offsets(%dma_start3A_51 : memref<128xi32, #tpu.memory_space<vmem>>) semaphore(%arg22 : memref<!tpu.dma_semaphore, #tpu.memory_space<semaphore_mem>>)
    %scan3A_55 = arith.constant 0 : i32
    %scan3A_56 = arith.constant 81 : i32
    %scan3A_57 = arith.addi %scan3A_55, %scan3A_56 : i32
    %scan3A_58 = arith.constant 1 : i32
    scf.for %scan3A_66 = %scan3A_55 to %scan3A_57 step %scan3A_58  : i32 {
      %mul3A_67 = arith.constant 1 : i32
      %mul3A_68 = arith.muli %scan3A_66, %mul3A_67 : i32
      %add3A_69 = arith.constant 0 : i32
      %add3A_70 = arith.addi %add3A_69, %mul3A_68 : i32
      %jit3A = arith.constant 2 : i32
      %eq3A = arith.constant 0 : i32
      %eq3A_71 = arith.cmpi eq, %jit3A, %eq3A : i32
      %jit3A_72 = arith.constant 1 : i32
      %select_n3A = arith.select %eq3A_71, %jit3A_72, %jit3A : i32
      %rem3A = arith.remsi %add3A_70, %select_n3A : i32
      %ne3A = arith.constant 0 : i32
      %ne3A_73 = arith.cmpi ne, %rem3A, %ne3A : i32
      %lt3A = arith.constant 0 : i32
      %lt3A_74 = arith.cmpi slt, %rem3A, %lt3A : i32
      %lt3A_75 = arith.constant 0 : i32
      %lt3A_76 = arith.cmpi slt, %select_n3A, %lt3A_75 : i32
      %ne3A_77 = arith.xori %lt3A_74, %lt3A_76 : i1
      %and3A = arith.andi %ne3A_77, %ne3A_73 : i1
      %add3A_78 = arith.addi %rem3A, %select_n3A : i32
      %select_n3A_79 = arith.select %and3A, %add3A_78, %rem3A : i32
      %eq3A_80 = arith.constant 0 : i32
      %eq3A_81 = arith.cmpi eq, %select_n3A_79, %eq3A_80 : i32
      %convert_element_type3A = arith.extui %eq3A_81 : i1 to i32
      %cond3A = arith.constant 0 : i32
      %cond3A_82 = arith.cmpi ne, %convert_element_type3A, %cond3A : i32
      scf.if %cond3A_82 {
        %dma_wait3A_104 = arith.constant 0 : i32
        %dma_wait3A_105 = tpu.memref_slice %arg3[%add3A, %add3A_70, %dma_wait3A_104] : memref<32x81x128xf32, #tpu.memory_space<hbm>> -> memref<1x1x128xf32, #tpu.memory_space<hbm>>
        %dma_wait3A_106 = tpu.memref_squeeze %dma_wait3A_105 : memref<1x1x128xf32, #tpu.memory_space<hbm>> -> memref<128xf32, #tpu.memory_space<hbm>>
        %dma_wait3A_107 = arith.constant 0 : i32
        %dma_wait3A_108 = tpu.memref_slice %arg3[%add3A, %add3A_70, %dma_wait3A_107] : memref<32x81x128xf32, #tpu.memory_space<hbm>> -> memref<1x1x128xf32, #tpu.memory_space<hbm>>
        %dma_wait3A_109 = tpu.memref_squeeze %dma_wait3A_108 : memref<1x1x128xf32, #tpu.memory_space<hbm>> -> memref<128xf32, #tpu.memory_space<hbm>>
        tpu.wait_dma2 semaphore(%arg20 : memref<!tpu.dma_semaphore, #tpu.memory_space<semaphore_mem>>) src(%dma_wait3A_109 : memref<128xf32, #tpu.memory_space<hbm>>) dst(%arg11 : memref<128xf32, #tpu.memory_space<vmem>>)
        %scan3A_110 = arith.constant 0 : i32
        %scan3A_111 = arith.constant 8 : i32
        %scan3A_112 = arith.addi %scan3A_110, %scan3A_111 : i32
        %scan3A_113 = arith.constant 2 : i32
        scf.for %scan3A_148 = %scan3A_110 to %scan3A_112 step %scan3A_113  : i32 {
          %mul3A_149 = arith.constant 1 : i32
          %mul3A_150 = arith.muli %scan3A_148, %mul3A_149 : i32
          %add3A_151 = arith.constant 0 : i32
          %add3A_152 = arith.addi %add3A_151, %mul3A_150 : i32
          %mul3A_153 = arith.constant 16 : i32
          %mul3A_154 = arith.muli %add3A_152, %mul3A_153 : i32
          %get3A = arith.constant 1 : i32
          %get3A_155 = arith.index_cast %get3A : i32 to index
          %get3A_156 = arith.index_cast %mul3A_154 : i32 to index
          %get3A_157 = tpu.vector_load %arg7[%get3A_155, %get3A_156] {strides = array<i32>} : memref<2x128xi32, #tpu.memory_space<vmem>>, vector<16xi32>,
          %swap3A = arith.index_cast %mul3A_154 : i32 to index
          %swap3A_158 = tpu.vector_load %arg9[%swap3A] {strides = array<i32>} : memref<128xi32, #tpu.memory_space<vmem>>, vector<16xi32>,
          tpu.vector_store %arg9[%swap3A], %get3A_157 {strides = array<i32>} : memref<128xi32, #tpu.memory_space<vmem>>, vector<16xi32>,
          %gather3A = tpu.vector_load_idx %arg15[%get3A_157] : memref<10240xf32, #tpu.memory_space<vmem>>[vector<16xi32>], vector<16xf32>,
          %get3A_159 = arith.index_cast %mul3A_154 : i32 to index
          %get3A_160 = tpu.vector_load %arg11[%get3A_159] {strides = array<i32>} : memref<128xf32, #tpu.memory_space<vmem>>, vector<16xf32>,
          %add3A_161 = arith.constant 1.000000e-16 : f32
          %add3A_162 = vector.broadcast %add3A_161 : f32 to vector<16xf32>
          %add3A_163 = arith.addf %gather3A, %add3A_162 : vector<16xf32>
          %div3A = arith.divf %get3A_160, %add3A_163 : vector<16xf32>
          %swap3A_164 = arith.index_cast %mul3A_154 : i32 to index
          %swap3A_165 = tpu.vector_load %arg11[%swap3A_164] {strides = array<i32>} : memref<128xf32, #tpu.memory_space<vmem>>, vector<16xf32>,
          tpu.vector_store %arg11[%swap3A_164], %div3A {strides = array<i32>} : memref<128xf32, #tpu.memory_space<vmem>>, vector<16xf32>,
          %scan3A_166 = arith.constant 1 : i32
          %scan3A_167 = arith.addi %scan3A_148, %scan3A_166 : i32
          %mul3A_168 = arith.constant 1 : i32
          %mul3A_169 = arith.muli %scan3A_167, %mul3A_168 : i32
          %add3A_170 = arith.constant 0 : i32
          %add3A_171 = arith.addi %add3A_170, %mul3A_169 : i32
          %mul3A_172 = arith.constant 16 : i32
          %mul3A_173 = arith.muli %add3A_171, %mul3A_172 : i32
          %get3A_174 = arith.constant 1 : i32
          %get3A_175 = arith.index_cast %get3A_174 : i32 to index
          %get3A_176 = arith.index_cast %mul3A_173 : i32 to index
          %get3A_177 = tpu.vector_load %arg7[%get3A_175, %get3A_176] {strides = array<i32>} : memref<2x128xi32, #tpu.memory_space<vmem>>, vector<16xi32>,
          %swap3A_178 = arith.index_cast %mul3A_173 : i32 to index
          %swap3A_179 = tpu.vector_load %arg9[%swap3A_178] {strides = array<i32>} : memref<128xi32, #tpu.memory_space<vmem>>, vector<16xi32>,
          tpu.vector_store %arg9[%swap3A_178], %get3A_177 {strides = array<i32>} : memref<128xi32, #tpu.memory_space<vmem>>, vector<16xi32>,
          %gather3A_180 = tpu.vector_load_idx %arg15[%get3A_177] : memref<10240xf32, #tpu.memory_space<vmem>>[vector<16xi32>], vector<16xf32>,
          %get3A_181 = arith.index_cast %mul3A_173 : i32 to index
          %get3A_182 = tpu.vector_load %arg11[%get3A_181] {strides = array<i32>} : memref<128xf32, #tpu.memory_space<vmem>>, vector<16xf32>,
          %add3A_183 = arith.constant 1.000000e-16 : f32
          %add3A_184 = vector.broadcast %add3A_183 : f32 to vector<16xf32>
          %add3A_185 = arith.addf %gather3A_180, %add3A_184 : vector<16xf32>
          %div3A_186 = arith.divf %get3A_182, %add3A_185 : vector<16xf32>
          %swap3A_187 = arith.index_cast %mul3A_173 : i32 to index
          %swap3A_188 = tpu.vector_load %arg11[%swap3A_187] {strides = array<i32>} : memref<128xf32, #tpu.memory_space<vmem>>, vector<16xf32>,
          tpu.vector_store %arg11[%swap3A_187], %div3A_186 {strides = array<i32>} : memref<128xf32, #tpu.memory_space<vmem>>, vector<16xf32>,
        }
        %scan3A_114 = arith.constant 8 : i32
        %dma_wait3A_115 = arith.constant 0 : i32
        %dma_wait3A_116 = arith.constant 0 : i32
        %dma_wait3A_117 = tpu.memref_slice %arg7[%dma_wait3A_115, %dma_wait3A_116] : memref<2x128xi32, #tpu.memory_space<vmem>> -> memref<1x128xi32, #tpu.memory_space<vmem>>
        %dma_wait3A_118 = tpu.memref_squeeze %dma_wait3A_117 : memref<1x128xi32, #tpu.memory_space<vmem>> -> memref<128xi32, #tpu.memory_space<vmem>>
        %dma_wait3A_119 = arith.constant 0 : i32
        %dma_wait3A_120 = arith.constant 0 : i32
        %dma_wait3A_121 = tpu.memref_slice %arg5[%dma_wait3A_119, %dma_wait3A_120] : memref<10240x128xf32, #tpu.memory_space<hbm>> -> memref<10240x128xf32, #tpu.memory_space<hbm>>
        tpu.wait_indirect_dma semaphore(%arg22 : memref<!tpu.dma_semaphore, #tpu.memory_space<semaphore_mem>>) src(%dma_wait3A_121 : memref<10240x128xf32, #tpu.memory_space<hbm>>) dst(%arg13 : memref<128x128xf32, #tpu.memory_space<vmem>>)
        %add3A_122 = arith.constant 2 : i32
        %add3A_123 = arith.addi %add3A_70, %add3A_122 : i32
        %lt3A_124 = arith.constant 81 : i32
        %lt3A_125 = arith.cmpi slt, %add3A_123, %lt3A_124 : i32
        %convert_element_type3A_126 = arith.extui %lt3A_125 : i1 to i32
        %cond3A_127 = arith.constant 0 : i32
        %cond3A_128 = arith.cmpi ne, %convert_element_type3A_126, %cond3A_127 : i32
        scf.if %cond3A_128 {
          %add3A_148 = arith.constant 2 : i32
          %add3A_149 = arith.addi %add3A_70, %add3A_148 : i32
          %dma_start3A_150 = arith.constant 0 : i32
          %dma_start3A_151 = arith.constant 0 : i32
          %dma_start3A_152 = tpu.memref_slice %arg2[%add3A, %add3A_149, %dma_start3A_150, %dma_start3A_151] : memref<32x81x2x128xi32, #tpu.memory_space<hbm>> -> memref<1x1x2x128xi32, #tpu.memory_space<hbm>>
          %dma_start3A_153 = tpu.memref_squeeze %dma_start3A_152 : memref<1x1x2x128xi32, #tpu.memory_space<hbm>> -> memref<2x128xi32, #tpu.memory_space<hbm>>
          %dma_start3A_154 = arith.constant 0 : i32
          %dma_start3A_155 = arith.constant 0 : i32
          %dma_start3A_156 = tpu.memref_slice %arg2[%add3A, %add3A_149, %dma_start3A_154, %dma_start3A_155] : memref<32x81x2x128xi32, #tpu.memory_space<hbm>> -> memref<1x1x2x128xi32, #tpu.memory_space<hbm>>
          %dma_start3A_157 = tpu.memref_squeeze %dma_start3A_156 : memref<1x1x2x128xi32, #tpu.memory_space<hbm>> -> memref<2x128xi32, #tpu.memory_space<hbm>>
          tpu.enqueue_dma source(%dma_start3A_157 : memref<2x128xi32, #tpu.memory_space<hbm>>) target(%arg7 : memref<2x128xi32, #tpu.memory_space<vmem>>) target_semaphore(%arg18 : memref<!tpu.dma_semaphore, #tpu.memory_space<semaphore_mem>>)
        } else {
        }
        %gt3A = arith.constant 0 : i32
        %gt3A_129 = arith.cmpi sgt, %add3A_70, %gt3A : i32
        %convert_element_type3A_130 = arith.extui %gt3A_129 : i1 to i32
        %cond3A_131 = arith.constant 0 : i32
        %cond3A_132 = arith.cmpi ne, %convert_element_type3A_130, %cond3A_131 : i32
        scf.if %cond3A_132 {
          %dma_wait3A_148 = arith.constant 0 : i32
          %dma_wait3A_149 = arith.constant 0 : i32
          %dma_wait3A_150 = tpu.memref_slice %arg17[%dma_wait3A_148, %dma_wait3A_149] : memref<10240x128xf32, #tpu.memory_space<vmem_shared>> -> memref<10240x128xf32, #tpu.memory_space<vmem_shared>>
          tpu.wait_indirect_dma semaphore(%arg25 : memref<!tpu.dma_semaphore, #tpu.memory_space<semaphore_mem>>) src(%arg14 : memref<128x128xf32, #tpu.memory_space<vmem>>) dst(%dma_wait3A_150 : memref<10240x128xf32, #tpu.memory_space<vmem_shared>>)
        } else {
        }
        %add3A_133 = arith.constant 1 : i32
        %add3A_134 = arith.addi %add3A_70, %add3A_133 : i32
        %lt3A_135 = arith.constant 81 : i32
        %lt3A_136 = arith.cmpi slt, %add3A_134, %lt3A_135 : i32
        %convert_element_type3A_137 = arith.extui %lt3A_136 : i1 to i32
        %cond3A_138 = arith.constant 0 : i32
        %cond3A_139 = arith.cmpi ne, %convert_element_type3A_137, %cond3A_138 : i32
        scf.if %cond3A_139 {
          %add3A_148 = arith.constant 1 : i32
          %add3A_149 = arith.addi %add3A_70, %add3A_148 : i32
          %dma_wait3A_150 = arith.constant 0 : i32
          %dma_wait3A_151 = arith.constant 0 : i32
          %dma_wait3A_152 = tpu.memref_slice %arg2[%add3A, %add3A_149, %dma_wait3A_150, %dma_wait3A_151] : memref<32x81x2x128xi32, #tpu.memory_space<hbm>> -> memref<1x1x2x128xi32, #tpu.memory_space<hbm>>
          %dma_wait3A_153 = tpu.memref_squeeze %dma_wait3A_152 : memref<1x1x2x128xi32, #tpu.memory_space<hbm>> -> memref<2x128xi32, #tpu.memory_space<hbm>>
          %dma_wait3A_154 = arith.constant 0 : i32
          %dma_wait3A_155 = arith.constant 0 : i32
          %dma_wait3A_156 = tpu.memref_slice %arg2[%add3A, %add3A_149, %dma_wait3A_154, %dma_wait3A_155] : memref<32x81x2x128xi32, #tpu.memory_space<hbm>> -> memref<1x1x2x128xi32, #tpu.memory_space<hbm>>
          %dma_wait3A_157 = tpu.memref_squeeze %dma_wait3A_156 : memref<1x1x2x128xi32, #tpu.memory_space<hbm>> -> memref<2x128xi32, #tpu.memory_space<hbm>>
          tpu.wait_dma2 semaphore(%arg19 : memref<!tpu.dma_semaphore, #tpu.memory_space<semaphore_mem>>) src(%dma_wait3A_157 : memref<2x128xi32, #tpu.memory_space<hbm>>) dst(%arg8 : memref<2x128xi32, #tpu.memory_space<vmem>>)
          %dma_start3A_158 = arith.constant 0 : i32
          %dma_start3A_159 = arith.constant 0 : i32
          %dma_start3A_160 = tpu.memref_slice %arg8[%dma_start3A_158, %dma_start3A_159] : memref<2x128xi32, #tpu.memory_space<vmem>> -> memref<1x128xi32, #tpu.memory_space<vmem>>
          %dma_start3A_161 = tpu.memref_squeeze %dma_start3A_160 : memref<1x128xi32, #tpu.memory_space<vmem>> -> memref<128xi32, #tpu.memory_space<vmem>>
          %dma_start3A_162 = arith.constant 0 : i32
          %dma_start3A_163 = arith.constant 0 : i32
          %dma_start3A_164 = tpu.memref_slice %arg5[%dma_start3A_162, %dma_start3A_163] : memref<10240x128xf32, #tpu.memory_space<hbm>> -> memref<10240x128xf32, #tpu.memory_space<hbm>>
          tpu.enqueue_indirect_dma source(%dma_start3A_164 : memref<10240x128xf32, #tpu.memory_space<hbm>>) target(%arg14 : memref<128x128xf32, #tpu.memory_space<vmem>>) offsets(%dma_start3A_161 : memref<128xi32, #tpu.memory_space<vmem>>) semaphore(%arg23 : memref<!tpu.dma_semaphore, #tpu.memory_space<semaphore_mem>>)
          %add3A_165 = arith.constant 1 : i32
          %add3A_166 = arith.addi %add3A_70, %add3A_165 : i32
          %dma_start3A_167 = arith.constant 0 : i32
          %dma_start3A_168 = tpu.memref_slice %arg3[%add3A, %add3A_166, %dma_start3A_167] : memref<32x81x128xf32, #tpu.memory_space<hbm>> -> memref<1x1x128xf32, #tpu.memory_space<hbm>>
          %dma_start3A_169 = tpu.memref_squeeze %dma_start3A_168 : memref<1x1x128xf32, #tpu.memory_space<hbm>> -> memref<128xf32, #tpu.memory_space<hbm>>
          %dma_start3A_170 = arith.constant 0 : i32
          %dma_start3A_171 = tpu.memref_slice %arg3[%add3A, %add3A_166, %dma_start3A_170] : memref<32x81x128xf32, #tpu.memory_space<hbm>> -> memref<1x1x128xf32, #tpu.memory_space<hbm>>
          %dma_start3A_172 = tpu.memref_squeeze %dma_start3A_171 : memref<1x1x128xf32, #tpu.memory_space<hbm>> -> memref<128xf32, #tpu.memory_space<hbm>>
          tpu.enqueue_dma source(%dma_start3A_172 : memref<128xf32, #tpu.memory_space<hbm>>) target(%arg12 : memref<128xf32, #tpu.memory_space<vmem>>) target_semaphore(%arg21 : memref<!tpu.dma_semaphore, #tpu.memory_space<semaphore_mem>>)
        } else {
        }
        %scan3A_140 = arith.constant 0 : i32
        %scan3A_141 = arith.constant 128 : i32
        %scan3A_142 = arith.addi %scan3A_140, %scan3A_141 : i32
        %scan3A_143 = arith.constant 4 : i32
        scf.for %scan3A_148 = %scan3A_140 to %scan3A_142 step %scan3A_143  : i32 {
          %mul3A_149 = arith.constant 1 : i32
          %mul3A_150 = arith.muli %scan3A_148, %mul3A_149 : i32
          %add3A_151 = arith.constant 0 : i32
          %add3A_152 = arith.addi %add3A_151, %mul3A_150 : i32
          %broadcast_in_dim3A_153 = vector.broadcast %add3A_152 : i32 to vector<16xi32>
          %gather3A = tpu.vector_load_idx %arg11[%broadcast_in_dim3A_153] : memref<128xf32, #tpu.memory_space<vmem>>[vector<16xi32>], vector<16xf32>,
          %get3A = arith.index_cast %add3A_152 : i32 to index
          %get3A_154 = arith.constant 0 : index
          %get3A_155 = tpu.vector_load %arg13[%get3A, %get3A_154] {strides = array<i32>} : memref<128x128xf32, #tpu.memory_space<vmem>>, vector<16xf32>,
          %mul3A_156 = arith.mulf %get3A_155, %gather3A : vector<16xf32>
          %swap3A = arith.index_cast %add3A_152 : i32 to index
          %swap3A_157 = arith.constant 0 : index
          %swap3A_158 = tpu.vector_load %arg13[%swap3A, %swap3A_157] {strides = array<i32>} : memref<128x128xf32, #tpu.memory_space<vmem>>, vector<16xf32>,
          tpu.vector_store %arg13[%swap3A, %swap3A_157], %mul3A_156 {strides = array<i32>} : memref<128x128xf32, #tpu.memory_space<vmem>>, vector<16xf32>,
          %get3A_159 = arith.index_cast %add3A_152 : i32 to index
          %get3A_160 = arith.constant 16 : index
          %get3A_161 = tpu.vector_load %arg13[%get3A_159, %get3A_160] {strides = array<i32>} : memref<128x128xf32, #tpu.memory_space<vmem>>, vector<16xf32>,
          %mul3A_162 = arith.mulf %get3A_161, %gather3A : vector<16xf32>
          %swap3A_163 = arith.index_cast %add3A_152 : i32 to index
          %swap3A_164 = arith.constant 16 : index
          %swap3A_165 = tpu.vector_load %arg13[%swap3A_163, %swap3A_164] {strides = array<i32>} : memref<128x128xf32, #tpu.memory_space<vmem>>, vector<16xf32>,
          tpu.vector_store %arg13[%swap3A_163, %swap3A_164], %mul3A_162 {strides = array<i32>} : memref<128x128xf32, #tpu.memory_space<vmem>>, vector<16xf32>,
          %get3A_166 = arith.index_cast %add3A_152 : i32 to index
          %get3A_167 = arith.constant 32 : index
          %get3A_168 = tpu.vector_load %arg13[%get3A_166, %get3A_167] {strides = array<i32>} : memref<128x128xf32, #tpu.memory_space<vmem>>, vector<16xf32>,
          %mul3A_169 = arith.mulf %get3A_168, %gather3A : vector<16xf32>
          %swap3A_170 = arith.index_cast %add3A_152 : i32 to index
          %swap3A_171 = arith.constant 32 : index
          %swap3A_172 = tpu.vector_load %arg13[%swap3A_170, %swap3A_171] {strides = array<i32>} : memref<128x128xf32, #tpu.memory_space<vmem>>, vector<16xf32>,
          tpu.vector_store %arg13[%swap3A_170, %swap3A_171], %mul3A_169 {strides = array<i32>} : memref<128x128xf32, #tpu.memory_space<vmem>>, vector<16xf32>,
          %get3A_173 = arith.index_cast %add3A_152 : i32 to index
          %get3A_174 = arith.constant 48 : index
          %get3A_175 = tpu.vector_load %arg13[%get3A_173, %get3A_174] {strides = array<i32>} : memref<128x128xf32, #tpu.memory_space<vmem>>, vector<16xf32>,
          %mul3A_176 = arith.mulf %get3A_175, %gather3A : vector<16xf32>
          %swap3A_177 = arith.index_cast %add3A_152 : i32 to index
          %swap3A_178 = arith.constant 48 : index
          %swap3A_179 = tpu.vector_load %arg13[%swap3A_177, %swap3A_178] {strides = array<i32>} : memref<128x128xf32, #tpu.memory_space<vmem>>, vector<16xf32>,
          tpu.vector_store %arg13[%swap3A_177, %swap3A_178], %mul3A_176 {strides = array<i32>} : memref<128x128xf32, #tpu.memory_space<vmem>>, vector<16xf32>,
          %get3A_180 = arith.index_cast %add3A_152 : i32 to index
          %get3A_181 = arith.constant 64 : index
          %get3A_182 = tpu.vector_load %arg13[%get3A_180, %get3A_181] {strides = array<i32>} : memref<128x128xf32, #tpu.memory_space<vmem>>, vector<16xf32>,
          %mul3A_183 = arith.mulf %get3A_182, %gather3A : vector<16xf32>
          %swap3A_184 = arith.index_cast %add3A_152 : i32 to index
          %swap3A_185 = arith.constant 64 : index
          %swap3A_186 = tpu.vector_load %arg13[%swap3A_184, %swap3A_185] {strides = array<i32>} : memref<128x128xf32, #tpu.memory_space<vmem>>, vector<16xf32>,
          tpu.vector_store %arg13[%swap3A_184, %swap3A_185], %mul3A_183 {strides = array<i32>} : memref<128x128xf32, #tpu.memory_space<vmem>>, vector<16xf32>,
          %get3A_187 = arith.index_cast %add3A_152 : i32 to index
          %get3A_188 = arith.constant 80 : index
          %get3A_189 = tpu.vector_load %arg13[%get3A_187, %get3A_188] {strides = array<i32>} : memref<128x128xf32, #tpu.memory_space<vmem>>, vector<16xf32>,
          %mul3A_190 = arith.mulf %get3A_189, %gather3A : vector<16xf32>
          %swap3A_191 = arith.index_cast %add3A_152 : i32 to index
          %swap3A_192 = arith.constant 80 : index
          %swap3A_193 = tpu.vector_load %arg13[%swap3A_191, %swap3A_192] {strides = array<i32>} : memref<128x128xf32, #tpu.memory_space<vmem>>, vector<16xf32>,
          tpu.vector_store %arg13[%swap3A_191, %swap3A_192], %mul3A_190 {strides = array<i32>} : memref<128x128xf32, #tpu.memory_space<vmem>>, vector<16xf32>,
          %get3A_194 = arith.index_cast %add3A_152 : i32 to index
          %get3A_195 = arith.constant 96 : index
          %get3A_196 = tpu.vector_load %arg13[%get3A_194, %get3A_195] {strides = array<i32>} : memref<128x128xf32, #tpu.memory_space<vmem>>, vector<16xf32>,
          %mul3A_197 = arith.mulf %get3A_196, %gather3A : vector<16xf32>
          %swap3A_198 = arith.index_cast %add3A_152 : i32 to index
          %swap3A_199 = arith.constant 96 : index
          %swap3A_200 = tpu.vector_load %arg13[%swap3A_198, %swap3A_199] {strides = array<i32>} : memref<128x128xf32, #tpu.memory_space<vmem>>, vector<16xf32>,
          tpu.vector_store %arg13[%swap3A_198, %swap3A_199], %mul3A_197 {strides = array<i32>} : memref<128x128xf32, #tpu.memory_space<vmem>>, vector<16xf32>,
          %get3A_201 = arith.index_cast %add3A_152 : i32 to index
          %get3A_202 = arith.constant 112 : index
          %get3A_203 = tpu.vector_load %arg13[%get3A_201, %get3A_202] {strides = array<i32>} : memref<128x128xf32, #tpu.memory_space<vmem>>, vector<16xf32>,
          %mul3A_204 = arith.mulf %get3A_203, %gather3A : vector<16xf32>
          %swap3A_205 = arith.index_cast %add3A_152 : i32 to index
          %swap3A_206 = arith.constant 112 : index
          %swap3A_207 = tpu.vector_load %arg13[%swap3A_205, %swap3A_206] {strides = array<i32>} : memref<128x128xf32, #tpu.memory_space<vmem>>, vector<16xf32>,
          tpu.vector_store %arg13[%swap3A_205, %swap3A_206], %mul3A_204 {strides = array<i32>} : memref<128x128xf32, #tpu.memory_space<vmem>>, vector<16xf32>,
          %scan3A_208 = arith.constant 1 : i32
          %scan3A_209 = arith.addi %scan3A_148, %scan3A_208 : i32
          %mul3A_210 = arith.constant 1 : i32
          %mul3A_211 = arith.muli %scan3A_209, %mul3A_210 : i32
          %add3A_212 = arith.constant 0 : i32
          %add3A_213 = arith.addi %add3A_212, %mul3A_211 : i32
          %broadcast_in_dim3A_214 = vector.broadcast %add3A_213 : i32 to vector<16xi32>
          %gather3A_215 = tpu.vector_load_idx %arg11[%broadcast_in_dim3A_214] : memref<128xf32, #tpu.memory_space<vmem>>[vector<16xi32>], vector<16xf32>,
          %get3A_216 = arith.index_cast %add3A_213 : i32 to index
          %get3A_217 = arith.constant 0 : index
          %get3A_218 = tpu.vector_load %arg13[%get3A_216, %get3A_217] {strides = array<i32>} : memref<128x128xf32, #tpu.memory_space<vmem>>, vector<16xf32>,
          %mul3A_219 = arith.mulf %get3A_218, %gather3A_215 : vector<16xf32>
          %swap3A_220 = arith.index_cast %add3A_213 : i32 to index
          %swap3A_221 = arith.constant 0 : index
          %swap3A_222 = tpu.vector_load %arg13[%swap3A_220, %swap3A_221] {strides = array<i32>} : memref<128x128xf32, #tpu.memory_space<vmem>>, vector<16xf32>,
          tpu.vector_store %arg13[%swap3A_220, %swap3A_221], %mul3A_219 {strides = array<i32>} : memref<128x128xf32, #tpu.memory_space<vmem>>, vector<16xf32>,
          %get3A_223 = arith.index_cast %add3A_213 : i32 to index
          %get3A_224 = arith.constant 16 : index
          %get3A_225 = tpu.vector_load %arg13[%get3A_223, %get3A_224] {strides = array<i32>} : memref<128x128xf32, #tpu.memory_space<vmem>>, vector<16xf32>,
          %mul3A_226 = arith.mulf %get3A_225, %gather3A_215 : vector<16xf32>
          %swap3A_227 = arith.index_cast %add3A_213 : i32 to index
          %swap3A_228 = arith.constant 16 : index
          %swap3A_229 = tpu.vector_load %arg13[%swap3A_227, %swap3A_228] {strides = array<i32>} : memref<128x128xf32, #tpu.memory_space<vmem>>, vector<16xf32>,
          tpu.vector_store %arg13[%swap3A_227, %swap3A_228], %mul3A_226 {strides = array<i32>} : memref<128x128xf32, #tpu.memory_space<vmem>>, vector<16xf32>,
          %get3A_230 = arith.index_cast %add3A_213 : i32 to index
          %get3A_231 = arith.constant 32 : index
          %get3A_232 = tpu.vector_load %arg13[%get3A_230, %get3A_231] {strides = array<i32>} : memref<128x128xf32, #tpu.memory_space<vmem>>, vector<16xf32>,
          %mul3A_233 = arith.mulf %get3A_232, %gather3A_215 : vector<16xf32>
          %swap3A_234 = arith.index_cast %add3A_213 : i32 to index
          %swap3A_235 = arith.constant 32 : index
          %swap3A_236 = tpu.vector_load %arg13[%swap3A_234, %swap3A_235] {strides = array<i32>} : memref<128x128xf32, #tpu.memory_space<vmem>>, vector<16xf32>,
          tpu.vector_store %arg13[%swap3A_234, %swap3A_235], %mul3A_233 {strides = array<i32>} : memref<128x128xf32, #tpu.memory_space<vmem>>, vector<16xf32>,
          %get3A_237 = arith.index_cast %add3A_213 : i32 to index
          %get3A_238 = arith.constant 48 : index
          %get3A_239 = tpu.vector_load %arg13[%get3A_237, %get3A_238] {strides = array<i32>} : memref<128x128xf32, #tpu.memory_space<vmem>>, vector<16xf32>,
          %mul3A_240 = arith.mulf %get3A_239, %gather3A_215 : vector<16xf32>
          %swap3A_241 = arith.index_cast %add3A_213 : i32 to index
          %swap3A_242 = arith.constant 48 : index
          %swap3A_243 = tpu.vector_load %arg13[%swap3A_241, %swap3A_242] {strides = array<i32>} : memref<128x128xf32, #tpu.memory_space<vmem>>, vector<16xf32>,
          tpu.vector_store %arg13[%swap3A_241, %swap3A_242], %mul3A_240 {strides = array<i32>} : memref<128x128xf32, #tpu.memory_space<vmem>>, vector<16xf32>,
          %get3A_244 = arith.index_cast %add3A_213 : i32 to index
          %get3A_245 = arith.constant 64 : index
          %get3A_246 = tpu.vector_load %arg13[%get3A_244, %get3A_245] {strides = array<i32>} : memref<128x128xf32, #tpu.memory_space<vmem>>, vector<16xf32>,
          %mul3A_247 = arith.mulf %get3A_246, %gather3A_215 : vector<16xf32>
          %swap3A_248 = arith.index_cast %add3A_213 : i32 to index
          %swap3A_249 = arith.constant 64 : index
          %swap3A_250 = tpu.vector_load %arg13[%swap3A_248, %swap3A_249] {strides = array<i32>} : memref<128x128xf32, #tpu.memory_space<vmem>>, vector<16xf32>,
          tpu.vector_store %arg13[%swap3A_248, %swap3A_249], %mul3A_247 {strides = array<i32>} : memref<128x128xf32, #tpu.memory_space<vmem>>, vector<16xf32>,
          %get3A_251 = arith.index_cast %add3A_213 : i32 to index
          %get3A_252 = arith.constant 80 : index
          %get3A_253 = tpu.vector_load %arg13[%get3A_251, %get3A_252] {strides = array<i32>} : memref<128x128xf32, #tpu.memory_space<vmem>>, vector<16xf32>,
          %mul3A_254 = arith.mulf %get3A_253, %gather3A_215 : vector<16xf32>
          %swap3A_255 = arith.index_cast %add3A_213 : i32 to index
          %swap3A_256 = arith.constant 80 : index
          %swap3A_257 = tpu.vector_load %arg13[%swap3A_255, %swap3A_256] {strides = array<i32>} : memref<128x128xf32, #tpu.memory_space<vmem>>, vector<16xf32>,
          tpu.vector_store %arg13[%swap3A_255, %swap3A_256], %mul3A_254 {strides = array<i32>} : memref<128x128xf32, #tpu.memory_space<vmem>>, vector<16xf32>,
          %get3A_258 = arith.index_cast %add3A_213 : i32 to index
          %get3A_259 = arith.constant 96 : index
          %get3A_260 = tpu.vector_load %arg13[%get3A_258, %get3A_259] {strides = array<i32>} : memref<128x128xf32, #tpu.memory_space<vmem>>, vector<16xf32>,
          %mul3A_261 = arith.mulf %get3A_260, %gather3A_215 : vector<16xf32>
          %swap3A_262 = arith.index_cast %add3A_213 : i32 to index
          %swap3A_263 = arith.constant 96 : index
          %swap3A_264 = tpu.vector_load %arg13[%swap3A_262, %swap3A_263] {strides = array<i32>} : memref<128x128xf32, #tpu.memory_space<vmem>>, vector<16xf32>,
          tpu.vector_store %arg13[%swap3A_262, %swap3A_263], %mul3A_261 {strides = array<i32>} : memref<128x128xf32, #tpu.memory_space<vmem>>, vector<16xf32>,
          %get3A_265 = arith.index_cast %add3A_213 : i32 to index
          %get3A_266 = arith.constant 112 : index
          %get3A_267 = tpu.vector_load %arg13[%get3A_265, %get3A_266] {strides = array<i32>} : memref<128x128xf32, #tpu.memory_space<vmem>>, vector<16xf32>,
          %mul3A_268 = arith.mulf %get3A_267, %gather3A_215 : vector<16xf32>
          %swap3A_269 = arith.index_cast %add3A_213 : i32 to index
          %swap3A_270 = arith.constant 112 : index
          %swap3A_271 = tpu.vector_load %arg13[%swap3A_269, %swap3A_270] {strides = array<i32>} : memref<128x128xf32, #tpu.memory_space<vmem>>, vector<16xf32>,
          tpu.vector_store %arg13[%swap3A_269, %swap3A_270], %mul3A_268 {strides = array<i32>} : memref<128x128xf32, #tpu.memory_space<vmem>>, vector<16xf32>,
          %scan3A_272 = arith.constant 2 : i32
          %scan3A_273 = arith.addi %scan3A_148, %scan3A_272 : i32
          %mul3A_274 = arith.constant 1 : i32
          %mul3A_275 = arith.muli %scan3A_273, %mul3A_274 : i32
          %add3A_276 = arith.constant 0 : i32
          %add3A_277 = arith.addi %add3A_276, %mul3A_275 : i32
          %broadcast_in_dim3A_278 = vector.broadcast %add3A_277 : i32 to vector<16xi32>
          %gather3A_279 = tpu.vector_load_idx %arg11[%broadcast_in_dim3A_278] : memref<128xf32, #tpu.memory_space<vmem>>[vector<16xi32>], vector<16xf32>,
          %get3A_280 = arith.index_cast %add3A_277 : i32 to index
          %get3A_281 = arith.constant 0 : index
          %get3A_282 = tpu.vector_load %arg13[%get3A_280, %get3A_281] {strides = array<i32>} : memref<128x128xf32, #tpu.memory_space<vmem>>, vector<16xf32>,
          %mul3A_283 = arith.mulf %get3A_282, %gather3A_279 : vector<16xf32>
          %swap3A_284 = arith.index_cast %add3A_277 : i32 to index
          %swap3A_285 = arith.constant 0 : index
          %swap3A_286 = tpu.vector_load %arg13[%swap3A_284, %swap3A_285] {strides = array<i32>} : memref<128x128xf32, #tpu.memory_space<vmem>>, vector<16xf32>,
          tpu.vector_store %arg13[%swap3A_284, %swap3A_285], %mul3A_283 {strides = array<i32>} : memref<128x128xf32, #tpu.memory_space<vmem>>, vector<16xf32>,
          %get3A_287 = arith.index_cast %add3A_277 : i32 to index
          %get3A_288 = arith.constant 16 : index
          %get3A_289 = tpu.vector_load %arg13[%get3A_287, %get3A_288] {strides = array<i32>} : memref<128x128xf32, #tpu.memory_space<vmem>>, vector<16xf32>,
          %mul3A_290 = arith.mulf %get3A_289, %gather3A_279 : vector<16xf32>
          %swap3A_291 = arith.index_cast %add3A_277 : i32 to index
          %swap3A_292 = arith.constant 16 : index
          %swap3A_293 = tpu.vector_load %arg13[%swap3A_291, %swap3A_292] {strides = array<i32>} : memref<128x128xf32, #tpu.memory_space<vmem>>, vector<16xf32>,
          tpu.vector_store %arg13[%swap3A_291, %swap3A_292], %mul3A_290 {strides = array<i32>} : memref<128x128xf32, #tpu.memory_space<vmem>>, vector<16xf32>,
          %get3A_294 = arith.index_cast %add3A_277 : i32 to index
          %get3A_295 = arith.constant 32 : index
          %get3A_296 = tpu.vector_load %arg13[%get3A_294, %get3A_295] {strides = array<i32>} : memref<128x128xf32, #tpu.memory_space<vmem>>, vector<16xf32>,
          %mul3A_297 = arith.mulf %get3A_296, %gather3A_279 : vector<16xf32>
          %swap3A_298 = arith.index_cast %add3A_277 : i32 to index
          %swap3A_299 = arith.constant 32 : index
          %swap3A_300 = tpu.vector_load %arg13[%swap3A_298, %swap3A_299] {strides = array<i32>} : memref<128x128xf32, #tpu.memory_space<vmem>>, vector<16xf32>,
          tpu.vector_store %arg13[%swap3A_298, %swap3A_299], %mul3A_297 {strides = array<i32>} : memref<128x128xf32, #tpu.memory_space<vmem>>, vector<16xf32>,
          %get3A_301 = arith.index_cast %add3A_277 : i32 to index
          %get3A_302 = arith.constant 48 : index
          %get3A_303 = tpu.vector_load %arg13[%get3A_301, %get3A_302] {strides = array<i32>} : memref<128x128xf32, #tpu.memory_space<vmem>>, vector<16xf32>,
          %mul3A_304 = arith.mulf %get3A_303, %gather3A_279 : vector<16xf32>
          %swap3A_305 = arith.index_cast %add3A_277 : i32 to index
          %swap3A_306 = arith.constant 48 : index
          %swap3A_307 = tpu.vector_load %arg13[%swap3A_305, %swap3A_306] {strides = array<i32>} : memref<128x128xf32, #tpu.memory_space<vmem>>, vector<16xf32>,
          tpu.vector_store %arg13[%swap3A_305, %swap3A_306], %mul3A_304 {strides = array<i32>} : memref<128x128xf32, #tpu.memory_space<vmem>>, vector<16xf32>,
          %get3A_308 = arith.index_cast %add3A_277 : i32 to index
          %get3A_309 = arith.constant 64 : index
          %get3A_310 = tpu.vector_load %arg13[%get3A_308, %get3A_309] {strides = array<i32>} : memref<128x128xf32, #tpu.memory_space<vmem>>, vector<16xf32>,
          %mul3A_311 = arith.mulf %get3A_310, %gather3A_279 : vector<16xf32>
          %swap3A_312 = arith.index_cast %add3A_277 : i32 to index
          %swap3A_313 = arith.constant 64 : index
          %swap3A_314 = tpu.vector_load %arg13[%swap3A_312, %swap3A_313] {strides = array<i32>} : memref<128x128xf32, #tpu.memory_space<vmem>>, vector<16xf32>,
          tpu.vector_store %arg13[%swap3A_312, %swap3A_313], %mul3A_311 {strides = array<i32>} : memref<128x128xf32, #tpu.memory_space<vmem>>, vector<16xf32>,
          %get3A_315 = arith.index_cast %add3A_277 : i32 to index
          %get3A_316 = arith.constant 80 : index
          %get3A_317 = tpu.vector_load %arg13[%get3A_315, %get3A_316] {strides = array<i32>} : memref<128x128xf32, #tpu.memory_space<vmem>>, vector<16xf32>,
          %mul3A_318 = arith.mulf %get3A_317, %gather3A_279 : vector<16xf32>
          %swap3A_319 = arith.index_cast %add3A_277 : i32 to index
          %swap3A_320 = arith.constant 80 : index
          %swap3A_321 = tpu.vector_load %arg13[%swap3A_319, %swap3A_320] {strides = array<i32>} : memref<128x128xf32, #tpu.memory_space<vmem>>, vector<16xf32>,
          tpu.vector_store %arg13[%swap3A_319, %swap3A_320], %mul3A_318 {strides = array<i32>} : memref<128x128xf32, #tpu.memory_space<vmem>>, vector<16xf32>,
          %get3A_322 = arith.index_cast %add3A_277 : i32 to index
          %get3A_323 = arith.constant 96 : index
          %get3A_324 = tpu.vector_load %arg13[%get3A_322, %get3A_323] {strides = array<i32>} : memref<128x128xf32, #tpu.memory_space<vmem>>, vector<16xf32>,
          %mul3A_325 = arith.mulf %get3A_324, %gather3A_279 : vector<16xf32>
          %swap3A_326 = arith.index_cast %add3A_277 : i32 to index
          %swap3A_327 = arith.constant 96 : index
          %swap3A_328 = tpu.vector_load %arg13[%swap3A_326, %swap3A_327] {strides = array<i32>} : memref<128x128xf32, #tpu.memory_space<vmem>>, vector<16xf32>,
          tpu.vector_store %arg13[%swap3A_326, %swap3A_327], %mul3A_325 {strides = array<i32>} : memref<128x128xf32, #tpu.memory_space<vmem>>, vector<16xf32>,
          %get3A_329 = arith.index_cast %add3A_277 : i32 to index
          %get3A_330 = arith.constant 112 : index
          %get3A_331 = tpu.vector_load %arg13[%get3A_329, %get3A_330] {strides = array<i32>} : memref<128x128xf32, #tpu.memory_space<vmem>>, vector<16xf32>,
          %mul3A_332 = arith.mulf %get3A_331, %gather3A_279 : vector<16xf32>
          %swap3A_333 = arith.index_cast %add3A_277 : i32 to index
          %swap3A_334 = arith.constant 112 : index
          %swap3A_335 = tpu.vector_load %arg13[%swap3A_333, %swap3A_334] {strides = array<i32>} : memref<128x128xf32, #tpu.memory_space<vmem>>, vector<16xf32>,
          tpu.vector_store %arg13[%swap3A_333, %swap3A_334], %mul3A_332 {strides = array<i32>} : memref<128x128xf32, #tpu.memory_space<vmem>>, vector<16xf32>,
          %scan3A_336 = arith.constant 3 : i32
          %scan3A_337 = arith.addi %scan3A_148, %scan3A_336 : i32
          %mul3A_338 = arith.constant 1 : i32
          %mul3A_339 = arith.muli %scan3A_337, %mul3A_338 : i32
          %add3A_340 = arith.constant 0 : i32
          %add3A_341 = arith.addi %add3A_340, %mul3A_339 : i32
          %broadcast_in_dim3A_342 = vector.broadcast %add3A_341 : i32 to vector<16xi32>
          %gather3A_343 = tpu.vector_load_idx %arg11[%broadcast_in_dim3A_342] : memref<128xf32, #tpu.memory_space<vmem>>[vector<16xi32>], vector<16xf32>,
          %get3A_344 = arith.index_cast %add3A_341 : i32 to index
          %get3A_345 = arith.constant 0 : index
          %get3A_346 = tpu.vector_load %arg13[%get3A_344, %get3A_345] {strides = array<i32>} : memref<128x128xf32, #tpu.memory_space<vmem>>, vector<16xf32>,
          %mul3A_347 = arith.mulf %get3A_346, %gather3A_343 : vector<16xf32>
          %swap3A_348 = arith.index_cast %add3A_341 : i32 to index
          %swap3A_349 = arith.constant 0 : index
          %swap3A_350 = tpu.vector_load %arg13[%swap3A_348, %swap3A_349] {strides = array<i32>} : memref<128x128xf32, #tpu.memory_space<vmem>>, vector<16xf32>,
          tpu.vector_store %arg13[%swap3A_348, %swap3A_349], %mul3A_347 {strides = array<i32>} : memref<128x128xf32, #tpu.memory_space<vmem>>, vector<16xf32>,
          %get3A_351 = arith.index_cast %add3A_341 : i32 to index
          %get3A_352 = arith.constant 16 : index
          %get3A_353 = tpu.vector_load %arg13[%get3A_351, %get3A_352] {strides = array<i32>} : memref<128x128xf32, #tpu.memory_space<vmem>>, vector<16xf32>,
          %mul3A_354 = arith.mulf %get3A_353, %gather3A_343 : vector<16xf32>
          %swap3A_355 = arith.index_cast %add3A_341 : i32 to index
          %swap3A_356 = arith.constant 16 : index
          %swap3A_357 = tpu.vector_load %arg13[%swap3A_355, %swap3A_356] {strides = array<i32>} : memref<128x128xf32, #tpu.memory_space<vmem>>, vector<16xf32>,
          tpu.vector_store %arg13[%swap3A_355, %swap3A_356], %mul3A_354 {strides = array<i32>} : memref<128x128xf32, #tpu.memory_space<vmem>>, vector<16xf32>,
          %get3A_358 = arith.index_cast %add3A_341 : i32 to index
          %get3A_359 = arith.constant 32 : index
          %get3A_360 = tpu.vector_load %arg13[%get3A_358, %get3A_359] {strides = array<i32>} : memref<128x128xf32, #tpu.memory_space<vmem>>, vector<16xf32>,
          %mul3A_361 = arith.mulf %get3A_360, %gather3A_343 : vector<16xf32>
          %swap3A_362 = arith.index_cast %add3A_341 : i32 to index
          %swap3A_363 = arith.constant 32 : index
          %swap3A_364 = tpu.vector_load %arg13[%swap3A_362, %swap3A_363] {strides = array<i32>} : memref<128x128xf32, #tpu.memory_space<vmem>>, vector<16xf32>,
          tpu.vector_store %arg13[%swap3A_362, %swap3A_363], %mul3A_361 {strides = array<i32>} : memref<128x128xf32, #tpu.memory_space<vmem>>, vector<16xf32>,
          %get3A_365 = arith.index_cast %add3A_341 : i32 to index
          %get3A_366 = arith.constant 48 : index
          %get3A_367 = tpu.vector_load %arg13[%get3A_365, %get3A_366] {strides = array<i32>} : memref<128x128xf32, #tpu.memory_space<vmem>>, vector<16xf32>,
          %mul3A_368 = arith.mulf %get3A_367, %gather3A_343 : vector<16xf32>
          %swap3A_369 = arith.index_cast %add3A_341 : i32 to index
          %swap3A_370 = arith.constant 48 : index
          %swap3A_371 = tpu.vector_load %arg13[%swap3A_369, %swap3A_370] {strides = array<i32>} : memref<128x128xf32, #tpu.memory_space<vmem>>, vector<16xf32>,
          tpu.vector_store %arg13[%swap3A_369, %swap3A_370], %mul3A_368 {strides = array<i32>} : memref<128x128xf32, #tpu.memory_space<vmem>>, vector<16xf32>,
          %get3A_372 = arith.index_cast %add3A_341 : i32 to index
          %get3A_373 = arith.constant 64 : index
          %get3A_374 = tpu.vector_load %arg13[%get3A_372, %get3A_373] {strides = array<i32>} : memref<128x128xf32, #tpu.memory_space<vmem>>, vector<16xf32>,
          %mul3A_375 = arith.mulf %get3A_374, %gather3A_343 : vector<16xf32>
          %swap3A_376 = arith.index_cast %add3A_341 : i32 to index
          %swap3A_377 = arith.constant 64 : index
          %swap3A_378 = tpu.vector_load %arg13[%swap3A_376, %swap3A_377] {strides = array<i32>} : memref<128x128xf32, #tpu.memory_space<vmem>>, vector<16xf32>,
          tpu.vector_store %arg13[%swap3A_376, %swap3A_377], %mul3A_375 {strides = array<i32>} : memref<128x128xf32, #tpu.memory_space<vmem>>, vector<16xf32>,
          %get3A_379 = arith.index_cast %add3A_341 : i32 to index
          %get3A_380 = arith.constant 80 : index
          %get3A_381 = tpu.vector_load %arg13[%get3A_379, %get3A_380] {strides = array<i32>} : memref<128x128xf32, #tpu.memory_space<vmem>>, vector<16xf32>,
          %mul3A_382 = arith.mulf %get3A_381, %gather3A_343 : vector<16xf32>
          %swap3A_383 = arith.index_cast %add3A_341 : i32 to index
          %swap3A_384 = arith.constant 80 : index
          %swap3A_385 = tpu.vector_load %arg13[%swap3A_383, %swap3A_384] {strides = array<i32>} : memref<128x128xf32, #tpu.memory_space<vmem>>, vector<16xf32>,
          tpu.vector_store %arg13[%swap3A_383, %swap3A_384], %mul3A_382 {strides = array<i32>} : memref<128x128xf32, #tpu.memory_space<vmem>>, vector<16xf32>,
          %get3A_386 = arith.index_cast %add3A_341 : i32 to index
          %get3A_387 = arith.constant 96 : index
          %get3A_388 = tpu.vector_load %arg13[%get3A_386, %get3A_387] {strides = array<i32>} : memref<128x128xf32, #tpu.memory_space<vmem>>, vector<16xf32>,
          %mul3A_389 = arith.mulf %get3A_388, %gather3A_343 : vector<16xf32>
          %swap3A_390 = arith.index_cast %add3A_341 : i32 to index
          %swap3A_391 = arith.constant 96 : index
          %swap3A_392 = tpu.vector_load %arg13[%swap3A_390, %swap3A_391] {strides = array<i32>} : memref<128x128xf32, #tpu.memory_space<vmem>>, vector<16xf32>,
          tpu.vector_store %arg13[%swap3A_390, %swap3A_391], %mul3A_389 {strides = array<i32>} : memref<128x128xf32, #tpu.memory_space<vmem>>, vector<16xf32>,
          %get3A_393 = arith.index_cast %add3A_341 : i32 to index
          %get3A_394 = arith.constant 112 : index
          %get3A_395 = tpu.vector_load %arg13[%get3A_393, %get3A_394] {strides = array<i32>} : memref<128x128xf32, #tpu.memory_space<vmem>>, vector<16xf32>,
          %mul3A_396 = arith.mulf %get3A_395, %gather3A_343 : vector<16xf32>
          %swap3A_397 = arith.index_cast %add3A_341 : i32 to index
          %swap3A_398 = arith.constant 112 : index
          %swap3A_399 = tpu.vector_load %arg13[%swap3A_397, %swap3A_398] {strides = array<i32>} : memref<128x128xf32, #tpu.memory_space<vmem>>, vector<16xf32>,
          tpu.vector_store %arg13[%swap3A_397, %swap3A_398], %mul3A_396 {strides = array<i32>} : memref<128x128xf32, #tpu.memory_space<vmem>>, vector<16xf32>,
        }
        %scan3A_144 = arith.constant 128 : i32
        %dma_start3A_145 = arith.constant 0 : i32
        %dma_start3A_146 = arith.constant 0 : i32
        %dma_start3A_147 = tpu.memref_slice %arg17[%dma_start3A_145, %dma_start3A_146] : memref<10240x128xf32, #tpu.memory_space<vmem_shared>> -> memref<10240x128xf32, #tpu.memory_space<vmem_shared>>
        tpu.enqueue_indirect_dma source(%arg13 : memref<128x128xf32, #tpu.memory_space<vmem>>) target(%dma_start3A_147 : memref<10240x128xf32, #tpu.memory_space<vmem_shared>>) offsets(%arg9 : memref<128xi32, #tpu.memory_space<vmem>>) semaphore(%arg24 : memref<!tpu.dma_semaphore, #tpu.memory_space<semaphore_mem>>) {add = true}
      } else {
      }
      %jit3A_83 = arith.constant 2 : i32
      %eq3A_84 = arith.constant 0 : i32
      %eq3A_85 = arith.cmpi eq, %jit3A_83, %eq3A_84 : i32
      %jit3A_86 = arith.constant 1 : i32
      %select_n3A_87 = arith.select %eq3A_85, %jit3A_86, %jit3A_83 : i32
      %rem3A_88 = arith.remsi %add3A_70, %select_n3A_87 : i32
      %ne3A_89 = arith.constant 0 : i32
      %ne3A_90 = arith.cmpi ne, %rem3A_88, %ne3A_89 : i32
      %lt3A_91 = arith.constant 0 : i32
      %lt3A_92 = arith.cmpi slt, %rem3A_88, %lt3A_91 : i32
      %lt3A_93 = arith.constant 0 : i32
      %lt3A_94 = arith.cmpi slt, %select_n3A_87, %lt3A_93 : i32
      %ne3A_95 = arith.xori %lt3A_92, %lt3A_94 : i1
      %and3A_96 = arith.andi %ne3A_95, %ne3A_90 : i1
      %add3A_97 = arith.addi %rem3A_88, %select_n3A_87 : i32
      %select_n3A_98 = arith.select %and3A_96, %add3A_97, %rem3A_88 : i32
      %eq3A_99 = arith.constant 1 : i32
      %eq3A_100 = arith.cmpi eq, %select_n3A_98, %eq3A_99 : i32
      %convert_element_type3A_101 = arith.extui %eq3A_100 : i1 to i32
      %cond3A_102 = arith.constant 0 : i32
      %cond3A_103 = arith.cmpi ne, %convert_element_type3A_101, %cond3A_102 : i32
      scf.if %cond3A_103 {
        %dma_wait3A_104 = arith.constant 0 : i32
        %dma_wait3A_105 = tpu.memref_slice %arg3[%add3A, %add3A_70, %dma_wait3A_104] : memref<32x81x128xf32, #tpu.memory_space<hbm>> -> memref<1x1x128xf32, #tpu.memory_space<hbm>>
        %dma_wait3A_106 = tpu.memref_squeeze %dma_wait3A_105 : memref<1x1x128xf32, #tpu.memory_space<hbm>> -> memref<128xf32, #tpu.memory_space<hbm>>
        %dma_wait3A_107 = arith.constant 0 : i32
        %dma_wait3A_108 = tpu.memref_slice %arg3[%add3A, %add3A_70, %dma_wait3A_107] : memref<32x81x128xf32, #tpu.memory_space<hbm>> -> memref<1x1x128xf32, #tpu.memory_space<hbm>>
        %dma_wait3A_109 = tpu.memref_squeeze %dma_wait3A_108 : memref<1x1x128xf32, #tpu.memory_space<hbm>> -> memref<128xf32, #tpu.memory_space<hbm>>
        tpu.wait_dma2 semaphore(%arg21 : memref<!tpu.dma_semaphore, #tpu.memory_space<semaphore_mem>>) src(%dma_wait3A_109 : memref<128xf32, #tpu.memory_space<hbm>>) dst(%arg12 : memref<128xf32, #tpu.memory_space<vmem>>)
        %scan3A_110 = arith.constant 0 : i32
        %scan3A_111 = arith.constant 8 : i32
        %scan3A_112 = arith.addi %scan3A_110, %scan3A_111 : i32
        %scan3A_113 = arith.constant 2 : i32
        scf.for %scan3A_148 = %scan3A_110 to %scan3A_112 step %scan3A_113  : i32 {
          %mul3A_149 = arith.constant 1 : i32
          %mul3A_150 = arith.muli %scan3A_148, %mul3A_149 : i32
          %add3A_151 = arith.constant 0 : i32
          %add3A_152 = arith.addi %add3A_151, %mul3A_150 : i32
          %mul3A_153 = arith.constant 16 : i32
          %mul3A_154 = arith.muli %add3A_152, %mul3A_153 : i32
          %get3A = arith.constant 1 : i32
          %get3A_155 = arith.index_cast %get3A : i32 to index
          %get3A_156 = arith.index_cast %mul3A_154 : i32 to index
          %get3A_157 = tpu.vector_load %arg8[%get3A_155, %get3A_156] {strides = array<i32>} : memref<2x128xi32, #tpu.memory_space<vmem>>, vector<16xi32>,
          %swap3A = arith.index_cast %mul3A_154 : i32 to index
          %swap3A_158 = tpu.vector_load %arg10[%swap3A] {strides = array<i32>} : memref<128xi32, #tpu.memory_space<vmem>>, vector<16xi32>,
          tpu.vector_store %arg10[%swap3A], %get3A_157 {strides = array<i32>} : memref<128xi32, #tpu.memory_space<vmem>>, vector<16xi32>,
          %gather3A = tpu.vector_load_idx %arg15[%get3A_157] : memref<10240xf32, #tpu.memory_space<vmem>>[vector<16xi32>], vector<16xf32>,
          %get3A_159 = arith.index_cast %mul3A_154 : i32 to index
          %get3A_160 = tpu.vector_load %arg12[%get3A_159] {strides = array<i32>} : memref<128xf32, #tpu.memory_space<vmem>>, vector<16xf32>,
          %add3A_161 = arith.constant 1.000000e-16 : f32
          %add3A_162 = vector.broadcast %add3A_161 : f32 to vector<16xf32>
          %add3A_163 = arith.addf %gather3A, %add3A_162 : vector<16xf32>
          %div3A = arith.divf %get3A_160, %add3A_163 : vector<16xf32>
          %swap3A_164 = arith.index_cast %mul3A_154 : i32 to index
          %swap3A_165 = tpu.vector_load %arg12[%swap3A_164] {strides = array<i32>} : memref<128xf32, #tpu.memory_space<vmem>>, vector<16xf32>,
          tpu.vector_store %arg12[%swap3A_164], %div3A {strides = array<i32>} : memref<128xf32, #tpu.memory_space<vmem>>, vector<16xf32>,
          %scan3A_166 = arith.constant 1 : i32
          %scan3A_167 = arith.addi %scan3A_148, %scan3A_166 : i32
          %mul3A_168 = arith.constant 1 : i32
          %mul3A_169 = arith.muli %scan3A_167, %mul3A_168 : i32
          %add3A_170 = arith.constant 0 : i32
          %add3A_171 = arith.addi %add3A_170, %mul3A_169 : i32
          %mul3A_172 = arith.constant 16 : i32
          %mul3A_173 = arith.muli %add3A_171, %mul3A_172 : i32
          %get3A_174 = arith.constant 1 : i32
          %get3A_175 = arith.index_cast %get3A_174 : i32 to index
          %get3A_176 = arith.index_cast %mul3A_173 : i32 to index
          %get3A_177 = tpu.vector_load %arg8[%get3A_175, %get3A_176] {strides = array<i32>} : memref<2x128xi32, #tpu.memory_space<vmem>>, vector<16xi32>,
          %swap3A_178 = arith.index_cast %mul3A_173 : i32 to index
          %swap3A_179 = tpu.vector_load %arg10[%swap3A_178] {strides = array<i32>} : memref<128xi32, #tpu.memory_space<vmem>>, vector<16xi32>,
          tpu.vector_store %arg10[%swap3A_178], %get3A_177 {strides = array<i32>} : memref<128xi32, #tpu.memory_space<vmem>>, vector<16xi32>,
          %gather3A_180 = tpu.vector_load_idx %arg15[%get3A_177] : memref<10240xf32, #tpu.memory_space<vmem>>[vector<16xi32>], vector<16xf32>,
          %get3A_181 = arith.index_cast %mul3A_173 : i32 to index
          %get3A_182 = tpu.vector_load %arg12[%get3A_181] {strides = array<i32>} : memref<128xf32, #tpu.memory_space<vmem>>, vector<16xf32>,
          %add3A_183 = arith.constant 1.000000e-16 : f32
          %add3A_184 = vector.broadcast %add3A_183 : f32 to vector<16xf32>
          %add3A_185 = arith.addf %gather3A_180, %add3A_184 : vector<16xf32>
          %div3A_186 = arith.divf %get3A_182, %add3A_185 : vector<16xf32>
          %swap3A_187 = arith.index_cast %mul3A_173 : i32 to index
          %swap3A_188 = tpu.vector_load %arg12[%swap3A_187] {strides = array<i32>} : memref<128xf32, #tpu.memory_space<vmem>>, vector<16xf32>,
          tpu.vector_store %arg12[%swap3A_187], %div3A_186 {strides = array<i32>} : memref<128xf32, #tpu.memory_space<vmem>>, vector<16xf32>,
        }
        %scan3A_114 = arith.constant 8 : i32
        %dma_wait3A_115 = arith.constant 0 : i32
        %dma_wait3A_116 = arith.constant 0 : i32
        %dma_wait3A_117 = tpu.memref_slice %arg8[%dma_wait3A_115, %dma_wait3A_116] : memref<2x128xi32, #tpu.memory_space<vmem>> -> memref<1x128xi32, #tpu.memory_space<vmem>>
        %dma_wait3A_118 = tpu.memref_squeeze %dma_wait3A_117 : memref<1x128xi32, #tpu.memory_space<vmem>> -> memref<128xi32, #tpu.memory_space<vmem>>
        %dma_wait3A_119 = arith.constant 0 : i32
        %dma_wait3A_120 = arith.constant 0 : i32
        %dma_wait3A_121 = tpu.memref_slice %arg5[%dma_wait3A_119, %dma_wait3A_120] : memref<10240x128xf32, #tpu.memory_space<hbm>> -> memref<10240x128xf32, #tpu.memory_space<hbm>>
        tpu.wait_indirect_dma semaphore(%arg23 : memref<!tpu.dma_semaphore, #tpu.memory_space<semaphore_mem>>) src(%dma_wait3A_121 : memref<10240x128xf32, #tpu.memory_space<hbm>>) dst(%arg14 : memref<128x128xf32, #tpu.memory_space<vmem>>)
        %add3A_122 = arith.constant 2 : i32
        %add3A_123 = arith.addi %add3A_70, %add3A_122 : i32
        %lt3A_124 = arith.constant 81 : i32
        %lt3A_125 = arith.cmpi slt, %add3A_123, %lt3A_124 : i32
        %convert_element_type3A_126 = arith.extui %lt3A_125 : i1 to i32
        %cond3A_127 = arith.constant 0 : i32
        %cond3A_128 = arith.cmpi ne, %convert_element_type3A_126, %cond3A_127 : i32
        scf.if %cond3A_128 {
          %add3A_148 = arith.constant 2 : i32
          %add3A_149 = arith.addi %add3A_70, %add3A_148 : i32
          %dma_start3A_150 = arith.constant 0 : i32
          %dma_start3A_151 = arith.constant 0 : i32
          %dma_start3A_152 = tpu.memref_slice %arg2[%add3A, %add3A_149, %dma_start3A_150, %dma_start3A_151] : memref<32x81x2x128xi32, #tpu.memory_space<hbm>> -> memref<1x1x2x128xi32, #tpu.memory_space<hbm>>
          %dma_start3A_153 = tpu.memref_squeeze %dma_start3A_152 : memref<1x1x2x128xi32, #tpu.memory_space<hbm>> -> memref<2x128xi32, #tpu.memory_space<hbm>>
          %dma_start3A_154 = arith.constant 0 : i32
          %dma_start3A_155 = arith.constant 0 : i32
          %dma_start3A_156 = tpu.memref_slice %arg2[%add3A, %add3A_149, %dma_start3A_154, %dma_start3A_155] : memref<32x81x2x128xi32, #tpu.memory_space<hbm>> -> memref<1x1x2x128xi32, #tpu.memory_space<hbm>>
          %dma_start3A_157 = tpu.memref_squeeze %dma_start3A_156 : memref<1x1x2x128xi32, #tpu.memory_space<hbm>> -> memref<2x128xi32, #tpu.memory_space<hbm>>
          tpu.enqueue_dma source(%dma_start3A_157 : memref<2x128xi32, #tpu.memory_space<hbm>>) target(%arg8 : memref<2x128xi32, #tpu.memory_space<vmem>>) target_semaphore(%arg19 : memref<!tpu.dma_semaphore, #tpu.memory_space<semaphore_mem>>)
        } else {
        }
        %gt3A = arith.constant 0 : i32
        %gt3A_129 = arith.cmpi sgt, %add3A_70, %gt3A : i32
        %convert_element_type3A_130 = arith.extui %gt3A_129 : i1 to i32
        %cond3A_131 = arith.constant 0 : i32
        %cond3A_132 = arith.cmpi ne, %convert_element_type3A_130, %cond3A_131 : i32
        scf.if %cond3A_132 {
          %dma_wait3A_148 = arith.constant 0 : i32
          %dma_wait3A_149 = arith.constant 0 : i32
          %dma_wait3A_150 = tpu.memref_slice %arg17[%dma_wait3A_148, %dma_wait3A_149] : memref<10240x128xf32, #tpu.memory_space<vmem_shared>> -> memref<10240x128xf32, #tpu.memory_space<vmem_shared>>
          tpu.wait_indirect_dma semaphore(%arg24 : memref<!tpu.dma_semaphore, #tpu.memory_space<semaphore_mem>>) src(%arg13 : memref<128x128xf32, #tpu.memory_space<vmem>>) dst(%dma_wait3A_150 : memref<10240x128xf32, #tpu.memory_space<vmem_shared>>)
        } else {
        }
        %add3A_133 = arith.constant 1 : i32
        %add3A_134 = arith.addi %add3A_70, %add3A_133 : i32
        %lt3A_135 = arith.constant 81 : i32
        %lt3A_136 = arith.cmpi slt, %add3A_134, %lt3A_135 : i32
        %convert_element_type3A_137 = arith.extui %lt3A_136 : i1 to i32
        %cond3A_138 = arith.constant 0 : i32
        %cond3A_139 = arith.cmpi ne, %convert_element_type3A_137, %cond3A_138 : i32
        scf.if %cond3A_139 {
          %add3A_148 = arith.constant 1 : i32
          %add3A_149 = arith.addi %add3A_70, %add3A_148 : i32
          %dma_wait3A_150 = arith.constant 0 : i32
          %dma_wait3A_151 = arith.constant 0 : i32
          %dma_wait3A_152 = tpu.memref_slice %arg2[%add3A, %add3A_149, %dma_wait3A_150, %dma_wait3A_151] : memref<32x81x2x128xi32, #tpu.memory_space<hbm>> -> memref<1x1x2x128xi32, #tpu.memory_space<hbm>>
          %dma_wait3A_153 = tpu.memref_squeeze %dma_wait3A_152 : memref<1x1x2x128xi32, #tpu.memory_space<hbm>> -> memref<2x128xi32, #tpu.memory_space<hbm>>
          %dma_wait3A_154 = arith.constant 0 : i32
          %dma_wait3A_155 = arith.constant 0 : i32
          %dma_wait3A_156 = tpu.memref_slice %arg2[%add3A, %add3A_149, %dma_wait3A_154, %dma_wait3A_155] : memref<32x81x2x128xi32, #tpu.memory_space<hbm>> -> memref<1x1x2x128xi32, #tpu.memory_space<hbm>>
          %dma_wait3A_157 = tpu.memref_squeeze %dma_wait3A_156 : memref<1x1x2x128xi32, #tpu.memory_space<hbm>> -> memref<2x128xi32, #tpu.memory_space<hbm>>
          tpu.wait_dma2 semaphore(%arg18 : memref<!tpu.dma_semaphore, #tpu.memory_space<semaphore_mem>>) src(%dma_wait3A_157 : memref<2x128xi32, #tpu.memory_space<hbm>>) dst(%arg7 : memref<2x128xi32, #tpu.memory_space<vmem>>)
          %dma_start3A_158 = arith.constant 0 : i32
          %dma_start3A_159 = arith.constant 0 : i32
          %dma_start3A_160 = tpu.memref_slice %arg7[%dma_start3A_158, %dma_start3A_159] : memref<2x128xi32, #tpu.memory_space<vmem>> -> memref<1x128xi32, #tpu.memory_space<vmem>>
          %dma_start3A_161 = tpu.memref_squeeze %dma_start3A_160 : memref<1x128xi32, #tpu.memory_space<vmem>> -> memref<128xi32, #tpu.memory_space<vmem>>
          %dma_start3A_162 = arith.constant 0 : i32
          %dma_start3A_163 = arith.constant 0 : i32
          %dma_start3A_164 = tpu.memref_slice %arg5[%dma_start3A_162, %dma_start3A_163] : memref<10240x128xf32, #tpu.memory_space<hbm>> -> memref<10240x128xf32, #tpu.memory_space<hbm>>
          tpu.enqueue_indirect_dma source(%dma_start3A_164 : memref<10240x128xf32, #tpu.memory_space<hbm>>) target(%arg13 : memref<128x128xf32, #tpu.memory_space<vmem>>) offsets(%dma_start3A_161 : memref<128xi32, #tpu.memory_space<vmem>>) semaphore(%arg22 : memref<!tpu.dma_semaphore, #tpu.memory_space<semaphore_mem>>)
          %add3A_165 = arith.constant 1 : i32
          %add3A_166 = arith.addi %add3A_70, %add3A_165 : i32
          %dma_start3A_167 = arith.constant 0 : i32
          %dma_start3A_168 = tpu.memref_slice %arg3[%add3A, %add3A_166, %dma_start3A_167] : memref<32x81x128xf32, #tpu.memory_space<hbm>> -> memref<1x1x128xf32, #tpu.memory_space<hbm>>
          %dma_start3A_169 = tpu.memref_squeeze %dma_start3A_168 : memref<1x1x128xf32, #tpu.memory_space<hbm>> -> memref<128xf32, #tpu.memory_space<hbm>>
          %dma_start3A_170 = arith.constant 0 : i32
          %dma_start3A_171 = tpu.memref_slice %arg3[%add3A, %add3A_166, %dma_start3A_170] : memref<32x81x128xf32, #tpu.memory_space<hbm>> -> memref<1x1x128xf32, #tpu.memory_space<hbm>>
          %dma_start3A_172 = tpu.memref_squeeze %dma_start3A_171 : memref<1x1x128xf32, #tpu.memory_space<hbm>> -> memref<128xf32, #tpu.memory_space<hbm>>
          tpu.enqueue_dma source(%dma_start3A_172 : memref<128xf32, #tpu.memory_space<hbm>>) target(%arg11 : memref<128xf32, #tpu.memory_space<vmem>>) target_semaphore(%arg20 : memref<!tpu.dma_semaphore, #tpu.memory_space<semaphore_mem>>)
        } else {
        }
        %scan3A_140 = arith.constant 0 : i32
        %scan3A_141 = arith.constant 128 : i32
        %scan3A_142 = arith.addi %scan3A_140, %scan3A_141 : i32
        %scan3A_143 = arith.constant 4 : i32
        scf.for %scan3A_148 = %scan3A_140 to %scan3A_142 step %scan3A_143  : i32 {
          %mul3A_149 = arith.constant 1 : i32
          %mul3A_150 = arith.muli %scan3A_148, %mul3A_149 : i32
          %add3A_151 = arith.constant 0 : i32
          %add3A_152 = arith.addi %add3A_151, %mul3A_150 : i32
          %broadcast_in_dim3A_153 = vector.broadcast %add3A_152 : i32 to vector<16xi32>
          %gather3A = tpu.vector_load_idx %arg12[%broadcast_in_dim3A_153] : memref<128xf32, #tpu.memory_space<vmem>>[vector<16xi32>], vector<16xf32>,
          %get3A = arith.index_cast %add3A_152 : i32 to index
          %get3A_154 = arith.constant 0 : index
          %get3A_155 = tpu.vector_load %arg14[%get3A, %get3A_154] {strides = array<i32>} : memref<128x128xf32, #tpu.memory_space<vmem>>, vector<16xf32>,
          %mul3A_156 = arith.mulf %get3A_155, %gather3A : vector<16xf32>
          %swap3A = arith.index_cast %add3A_152 : i32 to index
          %swap3A_157 = arith.constant 0 : index
          %swap3A_158 = tpu.vector_load %arg14[%swap3A, %swap3A_157] {strides = array<i32>} : memref<128x128xf32, #tpu.memory_space<vmem>>, vector<16xf32>,
          tpu.vector_store %arg14[%swap3A, %swap3A_157], %mul3A_156 {strides = array<i32>} : memref<128x128xf32, #tpu.memory_space<vmem>>, vector<16xf32>,
          %get3A_159 = arith.index_cast %add3A_152 : i32 to index
          %get3A_160 = arith.constant 16 : index
          %get3A_161 = tpu.vector_load %arg14[%get3A_159, %get3A_160] {strides = array<i32>} : memref<128x128xf32, #tpu.memory_space<vmem>>, vector<16xf32>,
          %mul3A_162 = arith.mulf %get3A_161, %gather3A : vector<16xf32>
          %swap3A_163 = arith.index_cast %add3A_152 : i32 to index
          %swap3A_164 = arith.constant 16 : index
          %swap3A_165 = tpu.vector_load %arg14[%swap3A_163, %swap3A_164] {strides = array<i32>} : memref<128x128xf32, #tpu.memory_space<vmem>>, vector<16xf32>,
          tpu.vector_store %arg14[%swap3A_163, %swap3A_164], %mul3A_162 {strides = array<i32>} : memref<128x128xf32, #tpu.memory_space<vmem>>, vector<16xf32>,
          %get3A_166 = arith.index_cast %add3A_152 : i32 to index
          %get3A_167 = arith.constant 32 : index
          %get3A_168 = tpu.vector_load %arg14[%get3A_166, %get3A_167] {strides = array<i32>} : memref<128x128xf32, #tpu.memory_space<vmem>>, vector<16xf32>,
          %mul3A_169 = arith.mulf %get3A_168, %gather3A : vector<16xf32>
          %swap3A_170 = arith.index_cast %add3A_152 : i32 to index
          %swap3A_171 = arith.constant 32 : index
          %swap3A_172 = tpu.vector_load %arg14[%swap3A_170, %swap3A_171] {strides = array<i32>} : memref<128x128xf32, #tpu.memory_space<vmem>>, vector<16xf32>,
          tpu.vector_store %arg14[%swap3A_170, %swap3A_171], %mul3A_169 {strides = array<i32>} : memref<128x128xf32, #tpu.memory_space<vmem>>, vector<16xf32>,
          %get3A_173 = arith.index_cast %add3A_152 : i32 to index
          %get3A_174 = arith.constant 48 : index
          %get3A_175 = tpu.vector_load %arg14[%get3A_173, %get3A_174] {strides = array<i32>} : memref<128x128xf32, #tpu.memory_space<vmem>>, vector<16xf32>,
          %mul3A_176 = arith.mulf %get3A_175, %gather3A : vector<16xf32>
          %swap3A_177 = arith.index_cast %add3A_152 : i32 to index
          %swap3A_178 = arith.constant 48 : index
          %swap3A_179 = tpu.vector_load %arg14[%swap3A_177, %swap3A_178] {strides = array<i32>} : memref<128x128xf32, #tpu.memory_space<vmem>>, vector<16xf32>,
          tpu.vector_store %arg14[%swap3A_177, %swap3A_178], %mul3A_176 {strides = array<i32>} : memref<128x128xf32, #tpu.memory_space<vmem>>, vector<16xf32>,
          %get3A_180 = arith.index_cast %add3A_152 : i32 to index
          %get3A_181 = arith.constant 64 : index
          %get3A_182 = tpu.vector_load %arg14[%get3A_180, %get3A_181] {strides = array<i32>} : memref<128x128xf32, #tpu.memory_space<vmem>>, vector<16xf32>,
          %mul3A_183 = arith.mulf %get3A_182, %gather3A : vector<16xf32>
          %swap3A_184 = arith.index_cast %add3A_152 : i32 to index
          %swap3A_185 = arith.constant 64 : index
          %swap3A_186 = tpu.vector_load %arg14[%swap3A_184, %swap3A_185] {strides = array<i32>} : memref<128x128xf32, #tpu.memory_space<vmem>>, vector<16xf32>,
          tpu.vector_store %arg14[%swap3A_184, %swap3A_185], %mul3A_183 {strides = array<i32>} : memref<128x128xf32, #tpu.memory_space<vmem>>, vector<16xf32>,
          %get3A_187 = arith.index_cast %add3A_152 : i32 to index
          %get3A_188 = arith.constant 80 : index
          %get3A_189 = tpu.vector_load %arg14[%get3A_187, %get3A_188] {strides = array<i32>} : memref<128x128xf32, #tpu.memory_space<vmem>>, vector<16xf32>,
          %mul3A_190 = arith.mulf %get3A_189, %gather3A : vector<16xf32>
          %swap3A_191 = arith.index_cast %add3A_152 : i32 to index
          %swap3A_192 = arith.constant 80 : index
          %swap3A_193 = tpu.vector_load %arg14[%swap3A_191, %swap3A_192] {strides = array<i32>} : memref<128x128xf32, #tpu.memory_space<vmem>>, vector<16xf32>,
          tpu.vector_store %arg14[%swap3A_191, %swap3A_192], %mul3A_190 {strides = array<i32>} : memref<128x128xf32, #tpu.memory_space<vmem>>, vector<16xf32>,
          %get3A_194 = arith.index_cast %add3A_152 : i32 to index
          %get3A_195 = arith.constant 96 : index
          %get3A_196 = tpu.vector_load %arg14[%get3A_194, %get3A_195] {strides = array<i32>} : memref<128x128xf32, #tpu.memory_space<vmem>>, vector<16xf32>,
          %mul3A_197 = arith.mulf %get3A_196, %gather3A : vector<16xf32>
          %swap3A_198 = arith.index_cast %add3A_152 : i32 to index
          %swap3A_199 = arith.constant 96 : index
          %swap3A_200 = tpu.vector_load %arg14[%swap3A_198, %swap3A_199] {strides = array<i32>} : memref<128x128xf32, #tpu.memory_space<vmem>>, vector<16xf32>,
          tpu.vector_store %arg14[%swap3A_198, %swap3A_199], %mul3A_197 {strides = array<i32>} : memref<128x128xf32, #tpu.memory_space<vmem>>, vector<16xf32>,
          %get3A_201 = arith.index_cast %add3A_152 : i32 to index
          %get3A_202 = arith.constant 112 : index
          %get3A_203 = tpu.vector_load %arg14[%get3A_201, %get3A_202] {strides = array<i32>} : memref<128x128xf32, #tpu.memory_space<vmem>>, vector<16xf32>,
          %mul3A_204 = arith.mulf %get3A_203, %gather3A : vector<16xf32>
          %swap3A_205 = arith.index_cast %add3A_152 : i32 to index
          %swap3A_206 = arith.constant 112 : index
          %swap3A_207 = tpu.vector_load %arg14[%swap3A_205, %swap3A_206] {strides = array<i32>} : memref<128x128xf32, #tpu.memory_space<vmem>>, vector<16xf32>,
          tpu.vector_store %arg14[%swap3A_205, %swap3A_206], %mul3A_204 {strides = array<i32>} : memref<128x128xf32, #tpu.memory_space<vmem>>, vector<16xf32>,
          %scan3A_208 = arith.constant 1 : i32
          %scan3A_209 = arith.addi %scan3A_148, %scan3A_208 : i32
          %mul3A_210 = arith.constant 1 : i32
          %mul3A_211 = arith.muli %scan3A_209, %mul3A_210 : i32
          %add3A_212 = arith.constant 0 : i32
          %add3A_213 = arith.addi %add3A_212, %mul3A_211 : i32
          %broadcast_in_dim3A_214 = vector.broadcast %add3A_213 : i32 to vector<16xi32>
          %gather3A_215 = tpu.vector_load_idx %arg12[%broadcast_in_dim3A_214] : memref<128xf32, #tpu.memory_space<vmem>>[vector<16xi32>], vector<16xf32>,
          %get3A_216 = arith.index_cast %add3A_213 : i32 to index
          %get3A_217 = arith.constant 0 : index
          %get3A_218 = tpu.vector_load %arg14[%get3A_216, %get3A_217] {strides = array<i32>} : memref<128x128xf32, #tpu.memory_space<vmem>>, vector<16xf32>,
          %mul3A_219 = arith.mulf %get3A_218, %gather3A_215 : vector<16xf32>
          %swap3A_220 = arith.index_cast %add3A_213 : i32 to index
          %swap3A_221 = arith.constant 0 : index
          %swap3A_222 = tpu.vector_load %arg14[%swap3A_220, %swap3A_221] {strides = array<i32>} : memref<128x128xf32, #tpu.memory_space<vmem>>, vector<16xf32>,
          tpu.vector_store %arg14[%swap3A_220, %swap3A_221], %mul3A_219 {strides = array<i32>} : memref<128x128xf32, #tpu.memory_space<vmem>>, vector<16xf32>,
          %get3A_223 = arith.index_cast %add3A_213 : i32 to index
          %get3A_224 = arith.constant 16 : index
          %get3A_225 = tpu.vector_load %arg14[%get3A_223, %get3A_224] {strides = array<i32>} : memref<128x128xf32, #tpu.memory_space<vmem>>, vector<16xf32>,
          %mul3A_226 = arith.mulf %get3A_225, %gather3A_215 : vector<16xf32>
          %swap3A_227 = arith.index_cast %add3A_213 : i32 to index
          %swap3A_228 = arith.constant 16 : index
          %swap3A_229 = tpu.vector_load %arg14[%swap3A_227, %swap3A_228] {strides = array<i32>} : memref<128x128xf32, #tpu.memory_space<vmem>>, vector<16xf32>,
          tpu.vector_store %arg14[%swap3A_227, %swap3A_228], %mul3A_226 {strides = array<i32>} : memref<128x128xf32, #tpu.memory_space<vmem>>, vector<16xf32>,
          %get3A_230 = arith.index_cast %add3A_213 : i32 to index
          %get3A_231 = arith.constant 32 : index
          %get3A_232 = tpu.vector_load %arg14[%get3A_230, %get3A_231] {strides = array<i32>} : memref<128x128xf32, #tpu.memory_space<vmem>>, vector<16xf32>,
          %mul3A_233 = arith.mulf %get3A_232, %gather3A_215 : vector<16xf32>
          %swap3A_234 = arith.index_cast %add3A_213 : i32 to index
          %swap3A_235 = arith.constant 32 : index
          %swap3A_236 = tpu.vector_load %arg14[%swap3A_234, %swap3A_235] {strides = array<i32>} : memref<128x128xf32, #tpu.memory_space<vmem>>, vector<16xf32>,
          tpu.vector_store %arg14[%swap3A_234, %swap3A_235], %mul3A_233 {strides = array<i32>} : memref<128x128xf32, #tpu.memory_space<vmem>>, vector<16xf32>,
          %get3A_237 = arith.index_cast %add3A_213 : i32 to index
          %get3A_238 = arith.constant 48 : index
          %get3A_239 = tpu.vector_load %arg14[%get3A_237, %get3A_238] {strides = array<i32>} : memref<128x128xf32, #tpu.memory_space<vmem>>, vector<16xf32>,
          %mul3A_240 = arith.mulf %get3A_239, %gather3A_215 : vector<16xf32>
          %swap3A_241 = arith.index_cast %add3A_213 : i32 to index
          %swap3A_242 = arith.constant 48 : index
          %swap3A_243 = tpu.vector_load %arg14[%swap3A_241, %swap3A_242] {strides = array<i32>} : memref<128x128xf32, #tpu.memory_space<vmem>>, vector<16xf32>,
          tpu.vector_store %arg14[%swap3A_241, %swap3A_242], %mul3A_240 {strides = array<i32>} : memref<128x128xf32, #tpu.memory_space<vmem>>, vector<16xf32>,
          %get3A_244 = arith.index_cast %add3A_213 : i32 to index
          %get3A_245 = arith.constant 64 : index
          %get3A_246 = tpu.vector_load %arg14[%get3A_244, %get3A_245] {strides = array<i32>} : memref<128x128xf32, #tpu.memory_space<vmem>>, vector<16xf32>,
          %mul3A_247 = arith.mulf %get3A_246, %gather3A_215 : vector<16xf32>
          %swap3A_248 = arith.index_cast %add3A_213 : i32 to index
          %swap3A_249 = arith.constant 64 : index
          %swap3A_250 = tpu.vector_load %arg14[%swap3A_248, %swap3A_249] {strides = array<i32>} : memref<128x128xf32, #tpu.memory_space<vmem>>, vector<16xf32>,
          tpu.vector_store %arg14[%swap3A_248, %swap3A_249], %mul3A_247 {strides = array<i32>} : memref<128x128xf32, #tpu.memory_space<vmem>>, vector<16xf32>,
          %get3A_251 = arith.index_cast %add3A_213 : i32 to index
          %get3A_252 = arith.constant 80 : index
          %get3A_253 = tpu.vector_load %arg14[%get3A_251, %get3A_252] {strides = array<i32>} : memref<128x128xf32, #tpu.memory_space<vmem>>, vector<16xf32>,
          %mul3A_254 = arith.mulf %get3A_253, %gather3A_215 : vector<16xf32>
          %swap3A_255 = arith.index_cast %add3A_213 : i32 to index
          %swap3A_256 = arith.constant 80 : index
          %swap3A_257 = tpu.vector_load %arg14[%swap3A_255, %swap3A_256] {strides = array<i32>} : memref<128x128xf32, #tpu.memory_space<vmem>>, vector<16xf32>,
          tpu.vector_store %arg14[%swap3A_255, %swap3A_256], %mul3A_254 {strides = array<i32>} : memref<128x128xf32, #tpu.memory_space<vmem>>, vector<16xf32>,
          %get3A_258 = arith.index_cast %add3A_213 : i32 to index
          %get3A_259 = arith.constant 96 : index
          %get3A_260 = tpu.vector_load %arg14[%get3A_258, %get3A_259] {strides = array<i32>} : memref<128x128xf32, #tpu.memory_space<vmem>>, vector<16xf32>,
          %mul3A_261 = arith.mulf %get3A_260, %gather3A_215 : vector<16xf32>
          %swap3A_262 = arith.index_cast %add3A_213 : i32 to index
          %swap3A_263 = arith.constant 96 : index
          %swap3A_264 = tpu.vector_load %arg14[%swap3A_262, %swap3A_263] {strides = array<i32>} : memref<128x128xf32, #tpu.memory_space<vmem>>, vector<16xf32>,
          tpu.vector_store %arg14[%swap3A_262, %swap3A_263], %mul3A_261 {strides = array<i32>} : memref<128x128xf32, #tpu.memory_space<vmem>>, vector<16xf32>,
          %get3A_265 = arith.index_cast %add3A_213 : i32 to index
          %get3A_266 = arith.constant 112 : index
          %get3A_267 = tpu.vector_load %arg14[%get3A_265, %get3A_266] {strides = array<i32>} : memref<128x128xf32, #tpu.memory_space<vmem>>, vector<16xf32>,
          %mul3A_268 = arith.mulf %get3A_267, %gather3A_215 : vector<16xf32>
          %swap3A_269 = arith.index_cast %add3A_213 : i32 to index
          %swap3A_270 = arith.constant 112 : index
          %swap3A_271 = tpu.vector_load %arg14[%swap3A_269, %swap3A_270] {strides = array<i32>} : memref<128x128xf32, #tpu.memory_space<vmem>>, vector<16xf32>,
          tpu.vector_store %arg14[%swap3A_269, %swap3A_270], %mul3A_268 {strides = array<i32>} : memref<128x128xf32, #tpu.memory_space<vmem>>, vector<16xf32>,
          %scan3A_272 = arith.constant 2 : i32
          %scan3A_273 = arith.addi %scan3A_148, %scan3A_272 : i32
          %mul3A_274 = arith.constant 1 : i32
          %mul3A_275 = arith.muli %scan3A_273, %mul3A_274 : i32
          %add3A_276 = arith.constant 0 : i32
          %add3A_277 = arith.addi %add3A_276, %mul3A_275 : i32
          %broadcast_in_dim3A_278 = vector.broadcast %add3A_277 : i32 to vector<16xi32>
          %gather3A_279 = tpu.vector_load_idx %arg12[%broadcast_in_dim3A_278] : memref<128xf32, #tpu.memory_space<vmem>>[vector<16xi32>], vector<16xf32>,
          %get3A_280 = arith.index_cast %add3A_277 : i32 to index
          %get3A_281 = arith.constant 0 : index
          %get3A_282 = tpu.vector_load %arg14[%get3A_280, %get3A_281] {strides = array<i32>} : memref<128x128xf32, #tpu.memory_space<vmem>>, vector<16xf32>,
          %mul3A_283 = arith.mulf %get3A_282, %gather3A_279 : vector<16xf32>
          %swap3A_284 = arith.index_cast %add3A_277 : i32 to index
          %swap3A_285 = arith.constant 0 : index
          %swap3A_286 = tpu.vector_load %arg14[%swap3A_284, %swap3A_285] {strides = array<i32>} : memref<128x128xf32, #tpu.memory_space<vmem>>, vector<16xf32>,
          tpu.vector_store %arg14[%swap3A_284, %swap3A_285], %mul3A_283 {strides = array<i32>} : memref<128x128xf32, #tpu.memory_space<vmem>>, vector<16xf32>,
          %get3A_287 = arith.index_cast %add3A_277 : i32 to index
          %get3A_288 = arith.constant 16 : index
          %get3A_289 = tpu.vector_load %arg14[%get3A_287, %get3A_288] {strides = array<i32>} : memref<128x128xf32, #tpu.memory_space<vmem>>, vector<16xf32>,
          %mul3A_290 = arith.mulf %get3A_289, %gather3A_279 : vector<16xf32>
          %swap3A_291 = arith.index_cast %add3A_277 : i32 to index
          %swap3A_292 = arith.constant 16 : index
          %swap3A_293 = tpu.vector_load %arg14[%swap3A_291, %swap3A_292] {strides = array<i32>} : memref<128x128xf32, #tpu.memory_space<vmem>>, vector<16xf32>,
          tpu.vector_store %arg14[%swap3A_291, %swap3A_292], %mul3A_290 {strides = array<i32>} : memref<128x128xf32, #tpu.memory_space<vmem>>, vector<16xf32>,
          %get3A_294 = arith.index_cast %add3A_277 : i32 to index
          %get3A_295 = arith.constant 32 : index
          %get3A_296 = tpu.vector_load %arg14[%get3A_294, %get3A_295] {strides = array<i32>} : memref<128x128xf32, #tpu.memory_space<vmem>>, vector<16xf32>,
          %mul3A_297 = arith.mulf %get3A_296, %gather3A_279 : vector<16xf32>
          %swap3A_298 = arith.index_cast %add3A_277 : i32 to index
          %swap3A_299 = arith.constant 32 : index
          %swap3A_300 = tpu.vector_load %arg14[%swap3A_298, %swap3A_299] {strides = array<i32>} : memref<128x128xf32, #tpu.memory_space<vmem>>, vector<16xf32>,
          tpu.vector_store %arg14[%swap3A_298, %swap3A_299], %mul3A_297 {strides = array<i32>} : memref<128x128xf32, #tpu.memory_space<vmem>>, vector<16xf32>,
          %get3A_301 = arith.index_cast %add3A_277 : i32 to index
          %get3A_302 = arith.constant 48 : index
          %get3A_303 = tpu.vector_load %arg14[%get3A_301, %get3A_302] {strides = array<i32>} : memref<128x128xf32, #tpu.memory_space<vmem>>, vector<16xf32>,
          %mul3A_304 = arith.mulf %get3A_303, %gather3A_279 : vector<16xf32>
          %swap3A_305 = arith.index_cast %add3A_277 : i32 to index
          %swap3A_306 = arith.constant 48 : index
          %swap3A_307 = tpu.vector_load %arg14[%swap3A_305, %swap3A_306] {strides = array<i32>} : memref<128x128xf32, #tpu.memory_space<vmem>>, vector<16xf32>,
          tpu.vector_store %arg14[%swap3A_305, %swap3A_306], %mul3A_304 {strides = array<i32>} : memref<128x128xf32, #tpu.memory_space<vmem>>, vector<16xf32>,
          %get3A_308 = arith.index_cast %add3A_277 : i32 to index
          %get3A_309 = arith.constant 64 : index
          %get3A_310 = tpu.vector_load %arg14[%get3A_308, %get3A_309] {strides = array<i32>} : memref<128x128xf32, #tpu.memory_space<vmem>>, vector<16xf32>,
          %mul3A_311 = arith.mulf %get3A_310, %gather3A_279 : vector<16xf32>
          %swap3A_312 = arith.index_cast %add3A_277 : i32 to index
          %swap3A_313 = arith.constant 64 : index
          %swap3A_314 = tpu.vector_load %arg14[%swap3A_312, %swap3A_313] {strides = array<i32>} : memref<128x128xf32, #tpu.memory_space<vmem>>, vector<16xf32>,
          tpu.vector_store %arg14[%swap3A_312, %swap3A_313], %mul3A_311 {strides = array<i32>} : memref<128x128xf32, #tpu.memory_space<vmem>>, vector<16xf32>,
          %get3A_315 = arith.index_cast %add3A_277 : i32 to index
          %get3A_316 = arith.constant 80 : index
          %get3A_317 = tpu.vector_load %arg14[%get3A_315, %get3A_316] {strides = array<i32>} : memref<128x128xf32, #tpu.memory_space<vmem>>, vector<16xf32>,
          %mul3A_318 = arith.mulf %get3A_317, %gather3A_279 : vector<16xf32>
          %swap3A_319 = arith.index_cast %add3A_277 : i32 to index
          %swap3A_320 = arith.constant 80 : index
          %swap3A_321 = tpu.vector_load %arg14[%swap3A_319, %swap3A_320] {strides = array<i32>} : memref<128x128xf32, #tpu.memory_space<vmem>>, vector<16xf32>,
          tpu.vector_store %arg14[%swap3A_319, %swap3A_320], %mul3A_318 {strides = array<i32>} : memref<128x128xf32, #tpu.memory_space<vmem>>, vector<16xf32>,
          %get3A_322 = arith.index_cast %add3A_277 : i32 to index
          %get3A_323 = arith.constant 96 : index
          %get3A_324 = tpu.vector_load %arg14[%get3A_322, %get3A_323] {strides = array<i32>} : memref<128x128xf32, #tpu.memory_space<vmem>>, vector<16xf32>,
          %mul3A_325 = arith.mulf %get3A_324, %gather3A_279 : vector<16xf32>
          %swap3A_326 = arith.index_cast %add3A_277 : i32 to index
          %swap3A_327 = arith.constant 96 : index
          %swap3A_328 = tpu.vector_load %arg14[%swap3A_326, %swap3A_327] {strides = array<i32>} : memref<128x128xf32, #tpu.memory_space<vmem>>, vector<16xf32>,
          tpu.vector_store %arg14[%swap3A_326, %swap3A_327], %mul3A_325 {strides = array<i32>} : memref<128x128xf32, #tpu.memory_space<vmem>>, vector<16xf32>,
          %get3A_329 = arith.index_cast %add3A_277 : i32 to index
          %get3A_330 = arith.constant 112 : index
          %get3A_331 = tpu.vector_load %arg14[%get3A_329, %get3A_330] {strides = array<i32>} : memref<128x128xf32, #tpu.memory_space<vmem>>, vector<16xf32>,
          %mul3A_332 = arith.mulf %get3A_331, %gather3A_279 : vector<16xf32>
          %swap3A_333 = arith.index_cast %add3A_277 : i32 to index
          %swap3A_334 = arith.constant 112 : index
          %swap3A_335 = tpu.vector_load %arg14[%swap3A_333, %swap3A_334] {strides = array<i32>} : memref<128x128xf32, #tpu.memory_space<vmem>>, vector<16xf32>,
          tpu.vector_store %arg14[%swap3A_333, %swap3A_334], %mul3A_332 {strides = array<i32>} : memref<128x128xf32, #tpu.memory_space<vmem>>, vector<16xf32>,
          %scan3A_336 = arith.constant 3 : i32
          %scan3A_337 = arith.addi %scan3A_148, %scan3A_336 : i32
          %mul3A_338 = arith.constant 1 : i32
          %mul3A_339 = arith.muli %scan3A_337, %mul3A_338 : i32
          %add3A_340 = arith.constant 0 : i32
          %add3A_341 = arith.addi %add3A_340, %mul3A_339 : i32
          %broadcast_in_dim3A_342 = vector.broadcast %add3A_341 : i32 to vector<16xi32>
          %gather3A_343 = tpu.vector_load_idx %arg12[%broadcast_in_dim3A_342] : memref<128xf32, #tpu.memory_space<vmem>>[vector<16xi32>], vector<16xf32>,
          %get3A_344 = arith.index_cast %add3A_341 : i32 to index
          %get3A_345 = arith.constant 0 : index
          %get3A_346 = tpu.vector_load %arg14[%get3A_344, %get3A_345] {strides = array<i32>} : memref<128x128xf32, #tpu.memory_space<vmem>>, vector<16xf32>,
          %mul3A_347 = arith.mulf %get3A_346, %gather3A_343 : vector<16xf32>
          %swap3A_348 = arith.index_cast %add3A_341 : i32 to index
          %swap3A_349 = arith.constant 0 : index
          %swap3A_350 = tpu.vector_load %arg14[%swap3A_348, %swap3A_349] {strides = array<i32>} : memref<128x128xf32, #tpu.memory_space<vmem>>, vector<16xf32>,
          tpu.vector_store %arg14[%swap3A_348, %swap3A_349], %mul3A_347 {strides = array<i32>} : memref<128x128xf32, #tpu.memory_space<vmem>>, vector<16xf32>,
          %get3A_351 = arith.index_cast %add3A_341 : i32 to index
          %get3A_352 = arith.constant 16 : index
          %get3A_353 = tpu.vector_load %arg14[%get3A_351, %get3A_352] {strides = array<i32>} : memref<128x128xf32, #tpu.memory_space<vmem>>, vector<16xf32>,
          %mul3A_354 = arith.mulf %get3A_353, %gather3A_343 : vector<16xf32>
          %swap3A_355 = arith.index_cast %add3A_341 : i32 to index
          %swap3A_356 = arith.constant 16 : index
          %swap3A_357 = tpu.vector_load %arg14[%swap3A_355, %swap3A_356] {strides = array<i32>} : memref<128x128xf32, #tpu.memory_space<vmem>>, vector<16xf32>,
          tpu.vector_store %arg14[%swap3A_355, %swap3A_356], %mul3A_354 {strides = array<i32>} : memref<128x128xf32, #tpu.memory_space<vmem>>, vector<16xf32>,
          %get3A_358 = arith.index_cast %add3A_341 : i32 to index
          %get3A_359 = arith.constant 32 : index
          %get3A_360 = tpu.vector_load %arg14[%get3A_358, %get3A_359] {strides = array<i32>} : memref<128x128xf32, #tpu.memory_space<vmem>>, vector<16xf32>,
          %mul3A_361 = arith.mulf %get3A_360, %gather3A_343 : vector<16xf32>
          %swap3A_362 = arith.index_cast %add3A_341 : i32 to index
          %swap3A_363 = arith.constant 32 : index
          %swap3A_364 = tpu.vector_load %arg14[%swap3A_362, %swap3A_363] {strides = array<i32>} : memref<128x128xf32, #tpu.memory_space<vmem>>, vector<16xf32>,
          tpu.vector_store %arg14[%swap3A_362, %swap3A_363], %mul3A_361 {strides = array<i32>} : memref<128x128xf32, #tpu.memory_space<vmem>>, vector<16xf32>,
          %get3A_365 = arith.index_cast %add3A_341 : i32 to index
          %get3A_366 = arith.constant 48 : index
          %get3A_367 = tpu.vector_load %arg14[%get3A_365, %get3A_366] {strides = array<i32>} : memref<128x128xf32, #tpu.memory_space<vmem>>, vector<16xf32>,
          %mul3A_368 = arith.mulf %get3A_367, %gather3A_343 : vector<16xf32>
          %swap3A_369 = arith.index_cast %add3A_341 : i32 to index
          %swap3A_370 = arith.constant 48 : index
          %swap3A_371 = tpu.vector_load %arg14[%swap3A_369, %swap3A_370] {strides = array<i32>} : memref<128x128xf32, #tpu.memory_space<vmem>>, vector<16xf32>,
          tpu.vector_store %arg14[%swap3A_369, %swap3A_370], %mul3A_368 {strides = array<i32>} : memref<128x128xf32, #tpu.memory_space<vmem>>, vector<16xf32>,
          %get3A_372 = arith.index_cast %add3A_341 : i32 to index
          %get3A_373 = arith.constant 64 : index
          %get3A_374 = tpu.vector_load %arg14[%get3A_372, %get3A_373] {strides = array<i32>} : memref<128x128xf32, #tpu.memory_space<vmem>>, vector<16xf32>,
          %mul3A_375 = arith.mulf %get3A_374, %gather3A_343 : vector<16xf32>
          %swap3A_376 = arith.index_cast %add3A_341 : i32 to index
          %swap3A_377 = arith.constant 64 : index
          %swap3A_378 = tpu.vector_load %arg14[%swap3A_376, %swap3A_377] {strides = array<i32>} : memref<128x128xf32, #tpu.memory_space<vmem>>, vector<16xf32>,
          tpu.vector_store %arg14[%swap3A_376, %swap3A_377], %mul3A_375 {strides = array<i32>} : memref<128x128xf32, #tpu.memory_space<vmem>>, vector<16xf32>,
          %get3A_379 = arith.index_cast %add3A_341 : i32 to index
          %get3A_380 = arith.constant 80 : index
          %get3A_381 = tpu.vector_load %arg14[%get3A_379, %get3A_380] {strides = array<i32>} : memref<128x128xf32, #tpu.memory_space<vmem>>, vector<16xf32>,
          %mul3A_382 = arith.mulf %get3A_381, %gather3A_343 : vector<16xf32>
          %swap3A_383 = arith.index_cast %add3A_341 : i32 to index
          %swap3A_384 = arith.constant 80 : index
          %swap3A_385 = tpu.vector_load %arg14[%swap3A_383, %swap3A_384] {strides = array<i32>} : memref<128x128xf32, #tpu.memory_space<vmem>>, vector<16xf32>,
          tpu.vector_store %arg14[%swap3A_383, %swap3A_384], %mul3A_382 {strides = array<i32>} : memref<128x128xf32, #tpu.memory_space<vmem>>, vector<16xf32>,
          %get3A_386 = arith.index_cast %add3A_341 : i32 to index
          %get3A_387 = arith.constant 96 : index
          %get3A_388 = tpu.vector_load %arg14[%get3A_386, %get3A_387] {strides = array<i32>} : memref<128x128xf32, #tpu.memory_space<vmem>>, vector<16xf32>,
          %mul3A_389 = arith.mulf %get3A_388, %gather3A_343 : vector<16xf32>
          %swap3A_390 = arith.index_cast %add3A_341 : i32 to index
          %swap3A_391 = arith.constant 96 : index
          %swap3A_392 = tpu.vector_load %arg14[%swap3A_390, %swap3A_391] {strides = array<i32>} : memref<128x128xf32, #tpu.memory_space<vmem>>, vector<16xf32>,
          tpu.vector_store %arg14[%swap3A_390, %swap3A_391], %mul3A_389 {strides = array<i32>} : memref<128x128xf32, #tpu.memory_space<vmem>>, vector<16xf32>,
          %get3A_393 = arith.index_cast %add3A_341 : i32 to index
          %get3A_394 = arith.constant 112 : index
          %get3A_395 = tpu.vector_load %arg14[%get3A_393, %get3A_394] {strides = array<i32>} : memref<128x128xf32, #tpu.memory_space<vmem>>, vector<16xf32>,
          %mul3A_396 = arith.mulf %get3A_395, %gather3A_343 : vector<16xf32>
          %swap3A_397 = arith.index_cast %add3A_341 : i32 to index
          %swap3A_398 = arith.constant 112 : index
          %swap3A_399 = tpu.vector_load %arg14[%swap3A_397, %swap3A_398] {strides = array<i32>} : memref<128x128xf32, #tpu.memory_space<vmem>>, vector<16xf32>,
          tpu.vector_store %arg14[%swap3A_397, %swap3A_398], %mul3A_396 {strides = array<i32>} : memref<128x128xf32, #tpu.memory_space<vmem>>, vector<16xf32>,
        }
        %scan3A_144 = arith.constant 128 : i32
        %dma_start3A_145 = arith.constant 0 : i32
        %dma_start3A_146 = arith.constant 0 : i32
        %dma_start3A_147 = tpu.memref_slice %arg17[%dma_start3A_145, %dma_start3A_146] : memref<10240x128xf32, #tpu.memory_space<vmem_shared>> -> memref<10240x128xf32, #tpu.memory_space<vmem_shared>>
        tpu.enqueue_indirect_dma source(%arg14 : memref<128x128xf32, #tpu.memory_space<vmem>>) target(%dma_start3A_147 : memref<10240x128xf32, #tpu.memory_space<vmem_shared>>) offsets(%arg10 : memref<128xi32, #tpu.memory_space<vmem>>) semaphore(%arg25 : memref<!tpu.dma_semaphore, #tpu.memory_space<semaphore_mem>>) {add = true}
      } else {
      }
    }
    %scan3A_59 = arith.constant 81 : i32
    %dma_wait3A_60 = arith.constant 0 : i32
    %dma_wait3A_61 = arith.constant 0 : i32
    %dma_wait3A_62 = tpu.memref_slice %arg17[%dma_wait3A_60, %dma_wait3A_61] : memref<10240x128xf32, #tpu.memory_space<vmem_shared>> -> memref<10240x128xf32, #tpu.memory_space<vmem_shared>>
    tpu.wait_indirect_dma semaphore(%arg24 : memref<!tpu.dma_semaphore, #tpu.memory_space<semaphore_mem>>) src(%arg13 : memref<128x128xf32, #tpu.memory_space<vmem>>) dst(%dma_wait3A_62 : memref<10240x128xf32, #tpu.memory_space<vmem_shared>>)
    %barrier3A_63 = arith.constant 0 : index
    tpu.barrier barrier_id(%barrier3A_63)
    %mul3A_64 = arith.constant 640 : i32
    %mul3A_65 = arith.muli %arg1, %mul3A_64 : i32
    "tpu.region"() ({
      %run_scoped3A_66 = tpu.sem_alloc : memref<!tpu.dma_semaphore, #tpu.memory_space<semaphore_mem>>
      %dma_start3A_67 = arith.constant 0 : i32
      %dma_start3A_68 = tpu.memref_slice %arg6[%arg0, %mul3A_65, %dma_start3A_67] : memref<2x10240x128xf32, #tpu.memory_space<hbm>> -> memref<1x640x128xf32, #tpu.memory_space<hbm>>
      %dma_start3A_69 = tpu.memref_squeeze %dma_start3A_68 : memref<1x640x128xf32, #tpu.memory_space<hbm>> -> memref<640x128xf32, #tpu.memory_space<hbm>>
      %dma_start3A_70 = arith.constant 0 : i32
      %dma_start3A_71 = tpu.memref_slice %arg17[%mul3A_65, %dma_start3A_70] : memref<10240x128xf32, #tpu.memory_space<vmem_shared>> -> memref<640x128xf32, #tpu.memory_space<vmem_shared>>
      tpu.enqueue_dma source(%dma_start3A_71 : memref<640x128xf32, #tpu.memory_space<vmem_shared>>) target(%dma_start3A_69 : memref<640x128xf32, #tpu.memory_space<hbm>>) target_semaphore(%run_scoped3A_66 : memref<!tpu.dma_semaphore, #tpu.memory_space<semaphore_mem>>)
      %dma_wait3A_72 = arith.constant 0 : i32
      %dma_wait3A_73 = tpu.memref_slice %arg6[%arg0, %mul3A_65, %dma_wait3A_72] : memref<2x10240x128xf32, #tpu.memory_space<hbm>> -> memref<1x640x128xf32, #tpu.memory_space<hbm>>
      %dma_wait3A_74 = tpu.memref_squeeze %dma_wait3A_73 : memref<1x640x128xf32, #tpu.memory_space<hbm>> -> memref<640x128xf32, #tpu.memory_space<hbm>>
      %dma_wait3A_75 = arith.constant 0 : i32
      %dma_wait3A_76 = tpu.memref_slice %arg17[%mul3A_65, %dma_wait3A_75] : memref<10240x128xf32, #tpu.memory_space<vmem_shared>> -> memref<640x128xf32, #tpu.memory_space<vmem_shared>>
      tpu.wait_dma2 semaphore(%run_scoped3A_66 : memref<!tpu.dma_semaphore, #tpu.memory_space<semaphore_mem>>) src(%dma_wait3A_76 : memref<640x128xf32, #tpu.memory_space<vmem_shared>>) dst(%dma_wait3A_74 : memref<640x128xf32, #tpu.memory_space<hbm>>)
      tpu.yield
    }) : () -> ()
    return
  }
}

#map = affine_map<(d0, d1) -> (0)>
#map1 = affine_map<(d0, d1) -> (0, 0)>
module attributes {stable_mosaic.version = 14 : i64} {
  func.func @sc_alpha(%arg0: i32, %arg1: i32, %arg2: memref<331776xi32, #tpu.memory_space<hbm>>, %arg3: memref<331776xi32, #tpu.memory_space<hbm>>, %arg4: memref<10240xf32, #tpu.memory_space<hbm>>, %arg5: memref<10240xf32, #tpu.memory_space<hbm>>, %arg6: memref<16xf32, #tpu.memory_space<hbm>>, %arg7: memref<331776xf32, #tpu.memory_space<hbm>>, %arg8: memref<2x10240xf32, #tpu.memory_space<hbm>>, %arg9: memref<10240xf32, #tpu.memory_space<vmem>>, %arg10: memref<10240xf32, #tpu.memory_space<vmem>>, %arg11: memref<10368xi32, #tpu.memory_space<vmem>>, %arg12: memref<10368xi32, #tpu.memory_space<vmem>>, %arg13: memref<10368xf32, #tpu.memory_space<vmem>>, %arg14: memref<10240xf32, #tpu.memory_space<vmem>>, %arg15: memref<16xf32, #tpu.memory_space<vmem>>, %arg16: memref<16x640xf32, #tpu.memory_space<vmem>>, %arg17: memref<16x10240xf32, #tpu.memory_space<vmem_shared>>) attributes {dimension_semantics = [#tpu.dimension_semantics<core_parallel>, #tpu.dimension_semantics<subcore_parallel>], iteration_bounds = array<i64: 2, 16>, scalar_prefetch = 0 : i64, scratch_operands = 9 : i64, tpu.core_type = #tpu.core_type<sc_vector_subcore>, window_params = [{transform_indices = #map}, {transform_indices = #map}, {transform_indices = #map}, {transform_indices = #map}, {transform_indices = #map}, {transform_indices = #map}, {transform_indices = #map1}]} {
    %mul3A = arith.constant 2 : i32
    %mul3A_0 = arith.muli %arg1, %mul3A : i32
    %add3A = arith.addi %mul3A_0, %arg0 : i32
    %mul3A_1 = arith.constant 10368 : i32
    %mul3A_2 = arith.muli %add3A, %mul3A_1 : i32
    "tpu.region"() ({
      %run_scoped3A = tpu.sem_alloc : memref<!tpu.dma_semaphore, #tpu.memory_space<semaphore_mem>>
      tpu.enqueue_dma source(%arg4 : memref<10240xf32, #tpu.memory_space<hbm>>) target(%arg9 : memref<10240xf32, #tpu.memory_space<vmem>>) target_semaphore(%run_scoped3A : memref<!tpu.dma_semaphore, #tpu.memory_space<semaphore_mem>>)
      tpu.wait_dma2 semaphore(%run_scoped3A : memref<!tpu.dma_semaphore, #tpu.memory_space<semaphore_mem>>) src(%arg4 : memref<10240xf32, #tpu.memory_space<hbm>>) dst(%arg9 : memref<10240xf32, #tpu.memory_space<vmem>>)
      tpu.yield
    }) : () -> ()
    "tpu.region"() ({
      %run_scoped3A = tpu.sem_alloc : memref<!tpu.dma_semaphore, #tpu.memory_space<semaphore_mem>>
      tpu.enqueue_dma source(%arg5 : memref<10240xf32, #tpu.memory_space<hbm>>) target(%arg10 : memref<10240xf32, #tpu.memory_space<vmem>>) target_semaphore(%run_scoped3A : memref<!tpu.dma_semaphore, #tpu.memory_space<semaphore_mem>>)
      tpu.wait_dma2 semaphore(%run_scoped3A : memref<!tpu.dma_semaphore, #tpu.memory_space<semaphore_mem>>) src(%arg5 : memref<10240xf32, #tpu.memory_space<hbm>>) dst(%arg10 : memref<10240xf32, #tpu.memory_space<vmem>>)
      tpu.yield
    }) : () -> ()
    "tpu.region"() ({
      %run_scoped3A = tpu.sem_alloc : memref<!tpu.dma_semaphore, #tpu.memory_space<semaphore_mem>>
      %dma_start3A = tpu.memref_slice %arg2[%mul3A_2] : memref<331776xi32, #tpu.memory_space<hbm>> -> memref<10368xi32, #tpu.memory_space<hbm>>
      %dma_start3A_22 = tpu.memref_slice %arg2[%mul3A_2] : memref<331776xi32, #tpu.memory_space<hbm>> -> memref<10368xi32, #tpu.memory_space<hbm>>
      tpu.enqueue_dma source(%dma_start3A_22 : memref<10368xi32, #tpu.memory_space<hbm>>) target(%arg11 : memref<10368xi32, #tpu.memory_space<vmem>>) target_semaphore(%run_scoped3A : memref<!tpu.dma_semaphore, #tpu.memory_space<semaphore_mem>>)
      %dma_wait3A = tpu.memref_slice %arg2[%mul3A_2] : memref<331776xi32, #tpu.memory_space<hbm>> -> memref<10368xi32, #tpu.memory_space<hbm>>
      %dma_wait3A_23 = tpu.memref_slice %arg2[%mul3A_2] : memref<331776xi32, #tpu.memory_space<hbm>> -> memref<10368xi32, #tpu.memory_space<hbm>>
      tpu.wait_dma2 semaphore(%run_scoped3A : memref<!tpu.dma_semaphore, #tpu.memory_space<semaphore_mem>>) src(%dma_wait3A_23 : memref<10368xi32, #tpu.memory_space<hbm>>) dst(%arg11 : memref<10368xi32, #tpu.memory_space<vmem>>)
      tpu.yield
    }) : () -> ()
    "tpu.region"() ({
      %run_scoped3A = tpu.sem_alloc : memref<!tpu.dma_semaphore, #tpu.memory_space<semaphore_mem>>
      %dma_start3A = tpu.memref_slice %arg3[%mul3A_2] : memref<331776xi32, #tpu.memory_space<hbm>> -> memref<10368xi32, #tpu.memory_space<hbm>>
      %dma_start3A_22 = tpu.memref_slice %arg3[%mul3A_2] : memref<331776xi32, #tpu.memory_space<hbm>> -> memref<10368xi32, #tpu.memory_space<hbm>>
      tpu.enqueue_dma source(%dma_start3A_22 : memref<10368xi32, #tpu.memory_space<hbm>>) target(%arg12 : memref<10368xi32, #tpu.memory_space<vmem>>) target_semaphore(%run_scoped3A : memref<!tpu.dma_semaphore, #tpu.memory_space<semaphore_mem>>)
      %dma_wait3A = tpu.memref_slice %arg3[%mul3A_2] : memref<331776xi32, #tpu.memory_space<hbm>> -> memref<10368xi32, #tpu.memory_space<hbm>>
      %dma_wait3A_23 = tpu.memref_slice %arg3[%mul3A_2] : memref<331776xi32, #tpu.memory_space<hbm>> -> memref<10368xi32, #tpu.memory_space<hbm>>
      tpu.wait_dma2 semaphore(%run_scoped3A : memref<!tpu.dma_semaphore, #tpu.memory_space<semaphore_mem>>) src(%dma_wait3A_23 : memref<10368xi32, #tpu.memory_space<hbm>>) dst(%arg12 : memref<10368xi32, #tpu.memory_space<vmem>>)
      tpu.yield
    }) : () -> ()
    "tpu.region"() ({
      %run_scoped3A = tpu.sem_alloc : memref<!tpu.dma_semaphore, #tpu.memory_space<semaphore_mem>>
      tpu.enqueue_dma source(%arg6 : memref<16xf32, #tpu.memory_space<hbm>>) target(%arg15 : memref<16xf32, #tpu.memory_space<vmem>>) target_semaphore(%run_scoped3A : memref<!tpu.dma_semaphore, #tpu.memory_space<semaphore_mem>>)
      tpu.wait_dma2 semaphore(%run_scoped3A : memref<!tpu.dma_semaphore, #tpu.memory_space<semaphore_mem>>) src(%arg6 : memref<16xf32, #tpu.memory_space<hbm>>) dst(%arg15 : memref<16xf32, #tpu.memory_space<vmem>>)
      tpu.yield
    }) : () -> ()
    %broadcast_in_dim3A = arith.constant 0 : i32
    %broadcast_in_dim3A_3 = vector.broadcast %broadcast_in_dim3A : i32 to vector<16xi32>
    %gather3A = tpu.vector_load_idx %arg15[%broadcast_in_dim3A_3] : memref<16xf32, #tpu.memory_space<vmem>>[vector<16xi32>], vector<16xf32>,
    %broadcast_in_dim3A_4 = arith.constant 0.000000e+00 : f32
    %broadcast_in_dim3A_5 = vector.broadcast %broadcast_in_dim3A_4 : f32 to vector<16xf32>
    %scan3A = arith.constant 0 : i32
    %scan3A_6 = arith.constant 640 : i32
    %scan3A_7 = arith.addi %scan3A, %scan3A_6 : i32
    %scan3A_8 = arith.constant 1 : i32
    scf.for %scan3A_22 = %scan3A to %scan3A_7 step %scan3A_8  : i32 {
      %mul3A_23 = arith.constant 1 : i32
      %mul3A_24 = arith.muli %scan3A_22, %mul3A_23 : i32
      %add3A_25 = arith.constant 0 : i32
      %add3A_26 = arith.addi %add3A_25, %mul3A_24 : i32
      %mul3A_27 = arith.constant 16 : i32
      %mul3A_28 = arith.muli %add3A_26, %mul3A_27 : i32
      %swap3A = arith.index_cast %mul3A_28 : i32 to index
      %swap3A_29 = tpu.vector_load %arg14[%swap3A] {strides = array<i32>} : memref<10240xf32, #tpu.memory_space<vmem>>, vector<16xf32>,
      tpu.vector_store %arg14[%swap3A], %broadcast_in_dim3A_5 {strides = array<i32>} : memref<10240xf32, #tpu.memory_space<vmem>>, vector<16xf32>,
    }
    %scan3A_9 = arith.constant 640 : i32
    %scan3A_10 = arith.constant 0 : i32
    %scan3A_11 = arith.constant 648 : i32
    %scan3A_12 = arith.addi %scan3A_10, %scan3A_11 : i32
    %scan3A_13 = arith.constant 1 : i32
    scf.for %scan3A_22 = %scan3A_10 to %scan3A_12 step %scan3A_13  : i32 {
      %mul3A_23 = arith.constant 1 : i32
      %mul3A_24 = arith.muli %scan3A_22, %mul3A_23 : i32
      %add3A_25 = arith.constant 0 : i32
      %add3A_26 = arith.addi %add3A_25, %mul3A_24 : i32
      %mul3A_27 = arith.constant 16 : i32
      %mul3A_28 = arith.muli %add3A_26, %mul3A_27 : i32
      %get3A = arith.index_cast %mul3A_28 : i32 to index
      %get3A_29 = tpu.vector_load %arg11[%get3A] {strides = array<i32>} : memref<10368xi32, #tpu.memory_space<vmem>>, vector<16xi32>,
      %get3A_30 = arith.index_cast %mul3A_28 : i32 to index
      %get3A_31 = tpu.vector_load %arg12[%get3A_30] {strides = array<i32>} : memref<10368xi32, #tpu.memory_space<vmem>>, vector<16xi32>,
      %gather3A_32 = tpu.vector_load_idx %arg9[%get3A_29] : memref<10240xf32, #tpu.memory_space<vmem>>[vector<16xi32>], vector<16xf32>,
      %gather3A_33 = tpu.vector_load_idx %arg10[%get3A_31] : memref<10240xf32, #tpu.memory_space<vmem>>[vector<16xi32>], vector<16xf32>,
      %add3A_34 = arith.addf %gather3A_32, %gather3A_33 : vector<16xf32>
      %gt3A = arith.constant 0.000000e+00 : f32
      %gt3A_35 = vector.broadcast %gt3A : f32 to vector<16xf32>
      %gt3A_36 = arith.cmpf ogt, %add3A_34, %gt3A_35 : vector<16xf32>
      %mul3A_37 = arith.constant 2.000000e-01 : f32
      %mul3A_38 = vector.broadcast %mul3A_37 : f32 to vector<16xf32>
      %mul3A_39 = arith.mulf %add3A_34, %mul3A_38 : vector<16xf32>
      %select_n3A = arith.select %gt3A_36, %add3A_34, %mul3A_39 : vector<16xi1>, vector<16xf32>
      %sub3A = arith.subf %select_n3A, %gather3A : vector<16xf32>
      %exp3A = math.exp %sub3A : vector<16xf32>
      %add3A_40 = arith.addi %mul3A_2, %mul3A_28 : i32
      %iota3A = tpu.iota {dimensions = array<i32: 0>} : vector<16xi32>
      %add3A_41 = vector.broadcast %add3A_40 : i32 to vector<16xi32>
      %add3A_42 = arith.addi %add3A_41, %iota3A : vector<16xi32>
      %lt3A = arith.constant 330000 : i32
      %lt3A_43 = vector.broadcast %lt3A : i32 to vector<16xi32>
      %lt3A_44 = arith.cmpi slt, %add3A_42, %lt3A_43 : vector<16xi32>
      %jit3A = arith.constant 0.000000e+00 : f32
      %broadcast_in_dim3A_45 = vector.broadcast %jit3A : f32 to vector<16xf32>
      %select_n3A_46 = arith.select %lt3A_44, %exp3A, %broadcast_in_dim3A_45 : vector<16xi1>, vector<16xf32>
      %swap3A = arith.index_cast %mul3A_28 : i32 to index
      %swap3A_47 = tpu.vector_load %arg13[%swap3A] {strides = array<i32>} : memref<10368xf32, #tpu.memory_space<vmem>>, vector<16xf32>,
      tpu.vector_store %arg13[%swap3A], %select_n3A_46 {strides = array<i32>} : memref<10368xf32, #tpu.memory_space<vmem>>, vector<16xf32>,
      tpu.vector_store_idx %arg14[%get3A_31], %select_n3A_46 {add = true} : memref<10240xf32, #tpu.memory_space<vmem>>[vector<16xi32>], vector<16xf32>,
    }
    %scan3A_14 = arith.constant 648 : i32
    "tpu.region"() ({
      %run_scoped3A = tpu.sem_alloc : memref<!tpu.dma_semaphore, #tpu.memory_space<semaphore_mem>>
      %dma_start3A = tpu.memref_slice %arg7[%mul3A_2] : memref<331776xf32, #tpu.memory_space<hbm>> -> memref<10368xf32, #tpu.memory_space<hbm>>
      %dma_start3A_22 = tpu.memref_slice %arg7[%mul3A_2] : memref<331776xf32, #tpu.memory_space<hbm>> -> memref<10368xf32, #tpu.memory_space<hbm>>
      tpu.enqueue_dma source(%arg13 : memref<10368xf32, #tpu.memory_space<vmem>>) target(%dma_start3A_22 : memref<10368xf32, #tpu.memory_space<hbm>>) target_semaphore(%run_scoped3A : memref<!tpu.dma_semaphore, #tpu.memory_space<semaphore_mem>>)
      %dma_wait3A = tpu.memref_slice %arg7[%mul3A_2] : memref<331776xf32, #tpu.memory_space<hbm>> -> memref<10368xf32, #tpu.memory_space<hbm>>
      %dma_wait3A_23 = tpu.memref_slice %arg7[%mul3A_2] : memref<331776xf32, #tpu.memory_space<hbm>> -> memref<10368xf32, #tpu.memory_space<hbm>>
      tpu.wait_dma2 semaphore(%run_scoped3A : memref<!tpu.dma_semaphore, #tpu.memory_space<semaphore_mem>>) src(%arg13 : memref<10368xf32, #tpu.memory_space<vmem>>) dst(%dma_wait3A_23 : memref<10368xf32, #tpu.memory_space<hbm>>)
      tpu.yield
    }) : () -> ()
    "tpu.region"() ({
      %run_scoped3A = tpu.sem_alloc : memref<!tpu.dma_semaphore, #tpu.memory_space<semaphore_mem>>
      %dma_start3A = arith.constant 0 : i32
      %dma_start3A_22 = tpu.memref_slice %arg17[%arg1, %dma_start3A] : memref<16x10240xf32, #tpu.memory_space<vmem_shared>> -> memref<1x10240xf32, #tpu.memory_space<vmem_shared>>
      %dma_start3A_23 = tpu.memref_squeeze %dma_start3A_22 : memref<1x10240xf32, #tpu.memory_space<vmem_shared>> -> memref<10240xf32, #tpu.memory_space<vmem_shared>>
      %dma_start3A_24 = arith.constant 0 : i32
      %dma_start3A_25 = tpu.memref_slice %arg17[%arg1, %dma_start3A_24] : memref<16x10240xf32, #tpu.memory_space<vmem_shared>> -> memref<1x10240xf32, #tpu.memory_space<vmem_shared>>
      %dma_start3A_26 = tpu.memref_squeeze %dma_start3A_25 : memref<1x10240xf32, #tpu.memory_space<vmem_shared>> -> memref<10240xf32, #tpu.memory_space<vmem_shared>>
      tpu.enqueue_dma source(%arg14 : memref<10240xf32, #tpu.memory_space<vmem>>) target(%dma_start3A_26 : memref<10240xf32, #tpu.memory_space<vmem_shared>>) target_semaphore(%run_scoped3A : memref<!tpu.dma_semaphore, #tpu.memory_space<semaphore_mem>>)
      %dma_wait3A = arith.constant 0 : i32
      %dma_wait3A_27 = tpu.memref_slice %arg17[%arg1, %dma_wait3A] : memref<16x10240xf32, #tpu.memory_space<vmem_shared>> -> memref<1x10240xf32, #tpu.memory_space<vmem_shared>>
      %dma_wait3A_28 = tpu.memref_squeeze %dma_wait3A_27 : memref<1x10240xf32, #tpu.memory_space<vmem_shared>> -> memref<10240xf32, #tpu.memory_space<vmem_shared>>
      %dma_wait3A_29 = arith.constant 0 : i32
      %dma_wait3A_30 = tpu.memref_slice %arg17[%arg1, %dma_wait3A_29] : memref<16x10240xf32, #tpu.memory_space<vmem_shared>> -> memref<1x10240xf32, #tpu.memory_space<vmem_shared>>
      %dma_wait3A_31 = tpu.memref_squeeze %dma_wait3A_30 : memref<1x10240xf32, #tpu.memory_space<vmem_shared>> -> memref<10240xf32, #tpu.memory_space<vmem_shared>>
      tpu.wait_dma2 semaphore(%run_scoped3A : memref<!tpu.dma_semaphore, #tpu.memory_space<semaphore_mem>>) src(%arg14 : memref<10240xf32, #tpu.memory_space<vmem>>) dst(%dma_wait3A_31 : memref<10240xf32, #tpu.memory_space<vmem_shared>>)
      tpu.yield
    }) : () -> ()
    %barrier3A = arith.constant 0 : index
    tpu.barrier barrier_id(%barrier3A)
    %mul3A_15 = arith.constant 640 : i32
    %mul3A_16 = arith.muli %arg1, %mul3A_15 : i32
    "tpu.region"() ({
      %run_scoped3A = tpu.sem_alloc : memref<!tpu.dma_semaphore, #tpu.memory_space<semaphore_mem>>
      %dma_start3A = arith.constant 0 : i32
      %dma_start3A_22 = tpu.memref_slice %arg17[%dma_start3A, %mul3A_16] : memref<16x10240xf32, #tpu.memory_space<vmem_shared>> -> memref<16x640xf32, #tpu.memory_space<vmem_shared>>
      %dma_start3A_23 = arith.constant 0 : i32
      %dma_start3A_24 = tpu.memref_slice %arg17[%dma_start3A_23, %mul3A_16] : memref<16x10240xf32, #tpu.memory_space<vmem_shared>> -> memref<16x640xf32, #tpu.memory_space<vmem_shared>>
      tpu.enqueue_dma source(%dma_start3A_24 : memref<16x640xf32, #tpu.memory_space<vmem_shared>>) target(%arg16 : memref<16x640xf32, #tpu.memory_space<vmem>>) target_semaphore(%run_scoped3A : memref<!tpu.dma_semaphore, #tpu.memory_space<semaphore_mem>>)
      %dma_wait3A = arith.constant 0 : i32
      %dma_wait3A_25 = tpu.memref_slice %arg17[%dma_wait3A, %mul3A_16] : memref<16x10240xf32, #tpu.memory_space<vmem_shared>> -> memref<16x640xf32, #tpu.memory_space<vmem_shared>>
      %dma_wait3A_26 = arith.constant 0 : i32
      %dma_wait3A_27 = tpu.memref_slice %arg17[%dma_wait3A_26, %mul3A_16] : memref<16x10240xf32, #tpu.memory_space<vmem_shared>> -> memref<16x640xf32, #tpu.memory_space<vmem_shared>>
      tpu.wait_dma2 semaphore(%run_scoped3A : memref<!tpu.dma_semaphore, #tpu.memory_space<semaphore_mem>>) src(%dma_wait3A_27 : memref<16x640xf32, #tpu.memory_space<vmem_shared>>) dst(%arg16 : memref<16x640xf32, #tpu.memory_space<vmem>>)
      tpu.yield
    }) : () -> ()
    %scan3A_17 = arith.constant 0 : i32
    %scan3A_18 = arith.constant 40 : i32
    %scan3A_19 = arith.addi %scan3A_17, %scan3A_18 : i32
    %scan3A_20 = arith.constant 1 : i32
    scf.for %scan3A_22 = %scan3A_17 to %scan3A_19 step %scan3A_20  : i32 {
      %mul3A_23 = arith.constant 1 : i32
      %mul3A_24 = arith.muli %scan3A_22, %mul3A_23 : i32
      %add3A_25 = arith.constant 0 : i32
      %add3A_26 = arith.addi %add3A_25, %mul3A_24 : i32
      %mul3A_27 = arith.constant 16 : i32
      %mul3A_28 = arith.muli %add3A_26, %mul3A_27 : i32
      %get3A = arith.constant 0 : i32
      %get3A_29 = arith.index_cast %get3A : i32 to index
      %get3A_30 = arith.index_cast %mul3A_28 : i32 to index
      %get3A_31 = tpu.vector_load %arg16[%get3A_29, %get3A_30] {strides = array<i32>} : memref<16x640xf32, #tpu.memory_space<vmem>>, vector<16xf32>,
      %get3A_32 = arith.constant 1 : i32
      %get3A_33 = arith.index_cast %get3A_32 : i32 to index
      %get3A_34 = arith.index_cast %mul3A_28 : i32 to index
      %get3A_35 = tpu.vector_load %arg16[%get3A_33, %get3A_34] {strides = array<i32>} : memref<16x640xf32, #tpu.memory_space<vmem>>, vector<16xf32>,
      %add3A_36 = arith.addf %get3A_31, %get3A_35 : vector<16xf32>
      %get3A_37 = arith.constant 2 : i32
      %get3A_38 = arith.index_cast %get3A_37 : i32 to index
      %get3A_39 = arith.index_cast %mul3A_28 : i32 to index
      %get3A_40 = tpu.vector_load %arg16[%get3A_38, %get3A_39] {strides = array<i32>} : memref<16x640xf32, #tpu.memory_space<vmem>>, vector<16xf32>,
      %add3A_41 = arith.addf %add3A_36, %get3A_40 : vector<16xf32>
      %get3A_42 = arith.constant 3 : i32
      %get3A_43 = arith.index_cast %get3A_42 : i32 to index
      %get3A_44 = arith.index_cast %mul3A_28 : i32 to index
      %get3A_45 = tpu.vector_load %arg16[%get3A_43, %get3A_44] {strides = array<i32>} : memref<16x640xf32, #tpu.memory_space<vmem>>, vector<16xf32>,
      %add3A_46 = arith.addf %add3A_41, %get3A_45 : vector<16xf32>
      %get3A_47 = arith.constant 4 : i32
      %get3A_48 = arith.index_cast %get3A_47 : i32 to index
      %get3A_49 = arith.index_cast %mul3A_28 : i32 to index
      %get3A_50 = tpu.vector_load %arg16[%get3A_48, %get3A_49] {strides = array<i32>} : memref<16x640xf32, #tpu.memory_space<vmem>>, vector<16xf32>,
      %add3A_51 = arith.addf %add3A_46, %get3A_50 : vector<16xf32>
      %get3A_52 = arith.constant 5 : i32
      %get3A_53 = arith.index_cast %get3A_52 : i32 to index
      %get3A_54 = arith.index_cast %mul3A_28 : i32 to index
      %get3A_55 = tpu.vector_load %arg16[%get3A_53, %get3A_54] {strides = array<i32>} : memref<16x640xf32, #tpu.memory_space<vmem>>, vector<16xf32>,
      %add3A_56 = arith.addf %add3A_51, %get3A_55 : vector<16xf32>
      %get3A_57 = arith.constant 6 : i32
      %get3A_58 = arith.index_cast %get3A_57 : i32 to index
      %get3A_59 = arith.index_cast %mul3A_28 : i32 to index
      %get3A_60 = tpu.vector_load %arg16[%get3A_58, %get3A_59] {strides = array<i32>} : memref<16x640xf32, #tpu.memory_space<vmem>>, vector<16xf32>,
      %add3A_61 = arith.addf %add3A_56, %get3A_60 : vector<16xf32>
      %get3A_62 = arith.constant 7 : i32
      %get3A_63 = arith.index_cast %get3A_62 : i32 to index
      %get3A_64 = arith.index_cast %mul3A_28 : i32 to index
      %get3A_65 = tpu.vector_load %arg16[%get3A_63, %get3A_64] {strides = array<i32>} : memref<16x640xf32, #tpu.memory_space<vmem>>, vector<16xf32>,
      %add3A_66 = arith.addf %add3A_61, %get3A_65 : vector<16xf32>
      %get3A_67 = arith.constant 8 : i32
      %get3A_68 = arith.index_cast %get3A_67 : i32 to index
      %get3A_69 = arith.index_cast %mul3A_28 : i32 to index
      %get3A_70 = tpu.vector_load %arg16[%get3A_68, %get3A_69] {strides = array<i32>} : memref<16x640xf32, #tpu.memory_space<vmem>>, vector<16xf32>,
      %add3A_71 = arith.addf %add3A_66, %get3A_70 : vector<16xf32>
      %get3A_72 = arith.constant 9 : i32
      %get3A_73 = arith.index_cast %get3A_72 : i32 to index
      %get3A_74 = arith.index_cast %mul3A_28 : i32 to index
      %get3A_75 = tpu.vector_load %arg16[%get3A_73, %get3A_74] {strides = array<i32>} : memref<16x640xf32, #tpu.memory_space<vmem>>, vector<16xf32>,
      %add3A_76 = arith.addf %add3A_71, %get3A_75 : vector<16xf32>
      %get3A_77 = arith.constant 10 : i32
      %get3A_78 = arith.index_cast %get3A_77 : i32 to index
      %get3A_79 = arith.index_cast %mul3A_28 : i32 to index
      %get3A_80 = tpu.vector_load %arg16[%get3A_78, %get3A_79] {strides = array<i32>} : memref<16x640xf32, #tpu.memory_space<vmem>>, vector<16xf32>,
      %add3A_81 = arith.addf %add3A_76, %get3A_80 : vector<16xf32>
      %get3A_82 = arith.constant 11 : i32
      %get3A_83 = arith.index_cast %get3A_82 : i32 to index
      %get3A_84 = arith.index_cast %mul3A_28 : i32 to index
      %get3A_85 = tpu.vector_load %arg16[%get3A_83, %get3A_84] {strides = array<i32>} : memref<16x640xf32, #tpu.memory_space<vmem>>, vector<16xf32>,
      %add3A_86 = arith.addf %add3A_81, %get3A_85 : vector<16xf32>
      %get3A_87 = arith.constant 12 : i32
      %get3A_88 = arith.index_cast %get3A_87 : i32 to index
      %get3A_89 = arith.index_cast %mul3A_28 : i32 to index
      %get3A_90 = tpu.vector_load %arg16[%get3A_88, %get3A_89] {strides = array<i32>} : memref<16x640xf32, #tpu.memory_space<vmem>>, vector<16xf32>,
      %add3A_91 = arith.addf %add3A_86, %get3A_90 : vector<16xf32>
      %get3A_92 = arith.constant 13 : i32
      %get3A_93 = arith.index_cast %get3A_92 : i32 to index
      %get3A_94 = arith.index_cast %mul3A_28 : i32 to index
      %get3A_95 = tpu.vector_load %arg16[%get3A_93, %get3A_94] {strides = array<i32>} : memref<16x640xf32, #tpu.memory_space<vmem>>, vector<16xf32>,
      %add3A_96 = arith.addf %add3A_91, %get3A_95 : vector<16xf32>
      %get3A_97 = arith.constant 14 : i32
      %get3A_98 = arith.index_cast %get3A_97 : i32 to index
      %get3A_99 = arith.index_cast %mul3A_28 : i32 to index
      %get3A_100 = tpu.vector_load %arg16[%get3A_98, %get3A_99] {strides = array<i32>} : memref<16x640xf32, #tpu.memory_space<vmem>>, vector<16xf32>,
      %add3A_101 = arith.addf %add3A_96, %get3A_100 : vector<16xf32>
      %get3A_102 = arith.constant 15 : i32
      %get3A_103 = arith.index_cast %get3A_102 : i32 to index
      %get3A_104 = arith.index_cast %mul3A_28 : i32 to index
      %get3A_105 = tpu.vector_load %arg16[%get3A_103, %get3A_104] {strides = array<i32>} : memref<16x640xf32, #tpu.memory_space<vmem>>, vector<16xf32>,
      %add3A_106 = arith.addf %add3A_101, %get3A_105 : vector<16xf32>
      %swap3A = arith.index_cast %mul3A_28 : i32 to index
      %swap3A_107 = tpu.vector_load %arg14[%swap3A] {strides = array<i32>} : memref<10240xf32, #tpu.memory_space<vmem>>, vector<16xf32>,
      tpu.vector_store %arg14[%swap3A], %add3A_106 {strides = array<i32>} : memref<10240xf32, #tpu.memory_space<vmem>>, vector<16xf32>,
    }
    %scan3A_21 = arith.constant 40 : i32
    "tpu.region"() ({
      %run_scoped3A = tpu.sem_alloc : memref<!tpu.dma_semaphore, #tpu.memory_space<semaphore_mem>>
      %dma_start3A = arith.constant 0 : i32
      %dma_start3A_22 = tpu.memref_slice %arg14[%dma_start3A] : memref<10240xf32, #tpu.memory_space<vmem>> -> memref<640xf32, #tpu.memory_space<vmem>>
      %dma_start3A_23 = tpu.memref_slice %arg8[%arg0, %mul3A_16] : memref<2x10240xf32, #tpu.memory_space<hbm>> -> memref<1x640xf32, #tpu.memory_space<hbm>>
      %dma_start3A_24 = tpu.memref_squeeze %dma_start3A_23 : memref<1x640xf32, #tpu.memory_space<hbm>> -> memref<640xf32, #tpu.memory_space<hbm>>
      %dma_start3A_25 = tpu.memref_slice %arg8[%arg0, %mul3A_16] : memref<2x10240xf32, #tpu.memory_space<hbm>> -> memref<1x640xf32, #tpu.memory_space<hbm>>
      %dma_start3A_26 = tpu.memref_squeeze %dma_start3A_25 : memref<1x640xf32, #tpu.memory_space<hbm>> -> memref<640xf32, #tpu.memory_space<hbm>>
      %dma_start3A_27 = arith.constant 0 : i32
      %dma_start3A_28 = tpu.memref_slice %arg14[%dma_start3A_27] : memref<10240xf32, #tpu.memory_space<vmem>> -> memref<640xf32, #tpu.memory_space<vmem>>
      tpu.enqueue_dma source(%dma_start3A_28 : memref<640xf32, #tpu.memory_space<vmem>>) target(%dma_start3A_26 : memref<640xf32, #tpu.memory_space<hbm>>) target_semaphore(%run_scoped3A : memref<!tpu.dma_semaphore, #tpu.memory_space<semaphore_mem>>)
      %dma_wait3A = arith.constant 0 : i32
      %dma_wait3A_29 = tpu.memref_slice %arg14[%dma_wait3A] : memref<10240xf32, #tpu.memory_space<vmem>> -> memref<640xf32, #tpu.memory_space<vmem>>
      %dma_wait3A_30 = tpu.memref_slice %arg8[%arg0, %mul3A_16] : memref<2x10240xf32, #tpu.memory_space<hbm>> -> memref<1x640xf32, #tpu.memory_space<hbm>>
      %dma_wait3A_31 = tpu.memref_squeeze %dma_wait3A_30 : memref<1x640xf32, #tpu.memory_space<hbm>> -> memref<640xf32, #tpu.memory_space<hbm>>
      %dma_wait3A_32 = tpu.memref_slice %arg8[%arg0, %mul3A_16] : memref<2x10240xf32, #tpu.memory_space<hbm>> -> memref<1x640xf32, #tpu.memory_space<hbm>>
      %dma_wait3A_33 = tpu.memref_squeeze %dma_wait3A_32 : memref<1x640xf32, #tpu.memory_space<hbm>> -> memref<640xf32, #tpu.memory_space<hbm>>
      %dma_wait3A_34 = arith.constant 0 : i32
      %dma_wait3A_35 = tpu.memref_slice %arg14[%dma_wait3A_34] : memref<10240xf32, #tpu.memory_space<vmem>> -> memref<640xf32, #tpu.memory_space<vmem>>
      tpu.wait_dma2 semaphore(%run_scoped3A : memref<!tpu.dma_semaphore, #tpu.memory_space<semaphore_mem>>) src(%dma_wait3A_35 : memref<640xf32, #tpu.memory_space<vmem>>) dst(%dma_wait3A_33 : memref<640xf32, #tpu.memory_space<hbm>>)
      tpu.yield
    }) : () -> ()
    return
  }
}

module attributes {stable_mosaic.version = 14 : i64} {
  func.func @_tc_prep_body(%arg0: memref<10240x128xf32, #tpu.memory_space<vmem>>, %arg1: memref<128x128xf32, #tpu.memory_space<vmem>>, %arg2: memref<1x128xf32, #tpu.memory_space<vmem>>, %arg3: memref<1x128xf32, #tpu.memory_space<vmem>>, %arg4: memref<10240x128xf32, #tpu.memory_space<vmem>>, %arg5: memref<10240xf32, #tpu.memory_space<vmem>>, %arg6: memref<10240xf32, #tpu.memory_space<vmem>>, %arg7: memref<16xf32, #tpu.memory_space<vmem>>) attributes {dimension_semantics = [], scalar_prefetch = 0 : i64, scratch_operands = 0 : i64, tpu.core_type = #tpu.core_type<tc>} {
    %get3A = arith.constant 0 : index
    %get3A_0 = arith.constant 0 : index
    %get3A_1 = vector.load %arg0[%get3A, %get3A_0] : memref<10240x128xf32, #tpu.memory_space<vmem>>, vector<10240x128xf32>
    %get3A_2 = arith.constant 0 : index
    %get3A_3 = arith.constant 0 : index
    %get3A_4 = vector.load %arg1[%get3A_2, %get3A_3] : memref<128x128xf32, #tpu.memory_space<vmem>>, vector<128x128xf32>
    %dot_general3A = arith.constant dense<0.000000e+00> : vector<10240x128xf32>
    %dot_general3A_5 = tpu.matmul %get3A_1, %get3A_4, %dot_general3A {dimension_numbers = #tpu.dot_dimension_numbers<[1], [0], [0], [1], [0, 0, 1, 1], [], []>, transpose_lhs_hint = false} : vector<10240x128xf32>, vector<128x128xf32>, vector<10240x128xf32> -> vector<10240x128xf32>
    %swap3A = arith.constant 0 : index
    %swap3A_6 = arith.constant 0 : index
    %swap3A_7 = vector.load %arg4[%swap3A, %swap3A_6] : memref<10240x128xf32, #tpu.memory_space<vmem>>, vector<10240x128xf32>
    tpu.vector_store %arg4[%swap3A, %swap3A_6], %dot_general3A_5 {strides = array<i32>} : memref<10240x128xf32, #tpu.memory_space<vmem>>, vector<10240x128xf32>,
    %get3A_8 = arith.constant 0 : index
    %get3A_9 = arith.constant 0 : index
    %get3A_10 = vector.load %arg2[%get3A_8, %get3A_9] : memref<1x128xf32, #tpu.memory_space<vmem>>, vector<1x128xf32>
    %mul3A = vector.broadcast %get3A_10 : vector<1x128xf32> to vector<10240x128xf32>
    %mul3A_11 = arith.mulf %dot_general3A_5, %mul3A : vector<10240x128xf32>
    %reduce_sum3A = arith.constant dense<0.000000e+00> : vector<10240xf32>
    %reduce_sum3A_12 = vector.multi_reduction <add>, %mul3A_11, %reduce_sum3A [1] : vector<10240x128xf32> to vector<10240xf32>
    %get3A_13 = arith.constant 0 : index
    %get3A_14 = arith.constant 0 : index
    %get3A_15 = vector.load %arg3[%get3A_13, %get3A_14] : memref<1x128xf32, #tpu.memory_space<vmem>>, vector<1x128xf32>
    %mul3A_16 = vector.broadcast %get3A_15 : vector<1x128xf32> to vector<10240x128xf32>
    %mul3A_17 = arith.mulf %dot_general3A_5, %mul3A_16 : vector<10240x128xf32>
    %reduce_sum3A_18 = arith.constant dense<0.000000e+00> : vector<10240xf32>
    %reduce_sum3A_19 = vector.multi_reduction <add>, %mul3A_17, %reduce_sum3A_18 [1] : vector<10240x128xf32> to vector<10240xf32>
    %swap3A_20 = arith.constant 0 : index
    %swap3A_21 = vector.load %arg5[%swap3A_20] : memref<10240xf32, #tpu.memory_space<vmem>>, vector<10240xf32>
    tpu.vector_store %arg5[%swap3A_20], %reduce_sum3A_12 {strides = array<i32>} : memref<10240xf32, #tpu.memory_space<vmem>>, vector<10240xf32>,
    %swap3A_22 = arith.constant 0 : index
    %swap3A_23 = vector.load %arg6[%swap3A_22] : memref<10240xf32, #tpu.memory_space<vmem>>, vector<10240xf32>
    tpu.vector_store %arg6[%swap3A_22], %reduce_sum3A_19 {strides = array<i32>} : memref<10240xf32, #tpu.memory_space<vmem>>, vector<10240xf32>,
    %reduce_max3A = vector.shape_cast %reduce_sum3A_12 : vector<10240xf32> to vector<1x10240xf32>
    %reduce_max3A_24 = arith.constant dense<0xFF800000> : vector<1xf32>
    %reduce_max3A_25 = vector.multi_reduction <maximumf>, %reduce_max3A, %reduce_max3A_24 [1] : vector<1x10240xf32> to vector<1xf32>
    %reduce_max3A_26 = vector.shape_cast %reduce_max3A_25 : vector<1xf32> to vector<1x1xf32>
    %reduce_max3A_27 = vector.extract %reduce_max3A_26[0, 0] : f32 from vector<1x1xf32>
    %reduce_max3A_28 = vector.shape_cast %reduce_sum3A_19 : vector<10240xf32> to vector<1x10240xf32>
    %reduce_max3A_29 = arith.constant dense<0xFF800000> : vector<1xf32>
    %reduce_max3A_30 = vector.multi_reduction <maximumf>, %reduce_max3A_28, %reduce_max3A_29 [1] : vector<1x10240xf32> to vector<1xf32>
    %reduce_max3A_31 = vector.shape_cast %reduce_max3A_30 : vector<1xf32> to vector<1x1xf32>
    %reduce_max3A_32 = vector.extract %reduce_max3A_31[0, 0] : f32 from vector<1x1xf32>
    %add3A = arith.addf %reduce_max3A_27, %reduce_max3A_32 : f32
    %broadcast_in_dim3A = vector.broadcast %add3A : f32 to vector<16xf32>
    %swap3A_33 = arith.constant 0 : index
    %swap3A_34 = vector.load %arg7[%swap3A_33] : memref<16xf32, #tpu.memory_space<vmem>>, vector<16xf32>
    tpu.vector_store %arg7[%swap3A_33], %broadcast_in_dim3A {strides = array<i32>} : memref<16xf32, #tpu.memory_space<vmem>>, vector<16xf32>,
    return
  }
}

module attributes {stable_mosaic.version = 14 : i64} {
  func.func @_tc_finish_body(%arg0: memref<2x10240x128xf32, #tpu.memory_space<vmem>>, %arg1: memref<1x128xf32, #tpu.memory_space<vmem>>, %arg2: memref<1x128xf32, #tpu.memory_space<vmem>>, %arg3: memref<1x128xf32, #tpu.memory_space<vmem>>, %arg4: memref<10240x128xf32, #tpu.memory_space<vmem>>) attributes {dimension_semantics = [], scalar_prefetch = 0 : i64, scratch_operands = 0 : i64, tpu.core_type = #tpu.core_type<tc>} {
    %get3A = arith.constant 0 : index
    %get3A_0 = arith.constant 0 : index
    %get3A_1 = arith.constant 0 : index
    %get3A_2 = vector.load %arg0[%get3A, %get3A_0, %get3A_1] : memref<2x10240x128xf32, #tpu.memory_space<vmem>>, vector<1x10240x128xf32>
    %get3A_3 = vector.shape_cast %get3A_2 : vector<1x10240x128xf32> to vector<10240x128xf32>
    %get3A_4 = arith.constant 1 : index
    %get3A_5 = arith.constant 0 : index
    %get3A_6 = arith.constant 0 : index
    %get3A_7 = vector.load %arg0[%get3A_4, %get3A_5, %get3A_6] : memref<2x10240x128xf32, #tpu.memory_space<vmem>>, vector<1x10240x128xf32>
    %get3A_8 = vector.shape_cast %get3A_7 : vector<1x10240x128xf32> to vector<10240x128xf32>
    %add3A = arith.addf %get3A_3, %get3A_8 : vector<10240x128xf32>
    %get3A_9 = arith.constant 0 : index
    %get3A_10 = arith.constant 0 : index
    %get3A_11 = vector.load %arg1[%get3A_9, %get3A_10] : memref<1x128xf32, #tpu.memory_space<vmem>>, vector<1x128xf32>
    %add3A_12 = vector.broadcast %get3A_11 : vector<1x128xf32> to vector<10240x128xf32>
    %add3A_13 = arith.addf %add3A, %add3A_12 : vector<10240x128xf32>
    %max3A = arith.constant 0.000000e+00 : f32
    %max3A_14 = vector.broadcast %max3A : f32 to vector<10240x128xf32>
    %max3A_15 = arith.maximumf %add3A_13, %max3A_14 : vector<10240x128xf32>
    %get3A_16 = arith.constant 0 : index
    %get3A_17 = arith.constant 0 : index
    %get3A_18 = vector.load %arg2[%get3A_16, %get3A_17] : memref<1x128xf32, #tpu.memory_space<vmem>>, vector<1x128xf32>
    %sqrt3A = arith.constant 1.000010e+00 : f32
    %sqrt3A_19 = math.sqrt %sqrt3A : f32
    %div3A = vector.broadcast %sqrt3A_19 : f32 to vector<1x128xf32>
    %div3A_20 = arith.divf %get3A_18, %div3A : vector<1x128xf32>
    %mul3A = vector.broadcast %div3A_20 : vector<1x128xf32> to vector<10240x128xf32>
    %mul3A_21 = arith.mulf %max3A_15, %mul3A : vector<10240x128xf32>
    %get3A_22 = arith.constant 0 : index
    %get3A_23 = arith.constant 0 : index
    %get3A_24 = vector.load %arg3[%get3A_22, %get3A_23] : memref<1x128xf32, #tpu.memory_space<vmem>>, vector<1x128xf32>
    %add3A_25 = vector.broadcast %get3A_24 : vector<1x128xf32> to vector<10240x128xf32>
    %add3A_26 = arith.addf %mul3A_21, %add3A_25 : vector<10240x128xf32>
    %swap3A = arith.constant 0 : index
    %swap3A_27 = arith.constant 0 : index
    %swap3A_28 = vector.load %arg4[%swap3A, %swap3A_27] : memref<10240x128xf32, #tpu.memory_space<vmem>>, vector<10240x128xf32>
    tpu.vector_store %arg4[%swap3A, %swap3A_27], %add3A_26 {strides = array<i32>} : memref<10240x128xf32, #tpu.memory_space<vmem>>, vector<10240x128xf32>,
    return
  }
}

</mosaic_0001>

<sc_bundles>
// kernel: kernel.6.cloned.1.call-start
scs
__scs_entry_jumppad:
0x0: {  	(pc) =	sbr.rel $0x88, $3  }
0x1: {  	(tag) =	ssettag $0x0;
	lr =	simm.s32 $0x1  }
0x2: {  	[smem:$0x3F99] =	sst lr;
	_ =	strace $0xD0000000  }
0x3: {  	_ = 	snop  }
0x4: {  	_ = 	snop  }
0x5: {  	_ = 	snop  }
0x6: {  	_ = 	snop  }
0x7: {  	_ = 	snop  }
__scs_overlays_trampoline_lowered:
0x8: {  	[smem:$0x3FA8] =	sst s0  }
0x9: {  	[smem:$0x3FA9] =	sst s1  }
0xa: {  	[smem:$0x3FAA] =	sst s2  }
0xb: {  	[smem:$0x3FAB] =	sst s3  }
0xc: {  	[smem:$0x3FAC] =	sst s4  }
0xd: {  	[smem:$0x3FAD] =	sst s5  }
0xe: {  	[smem:$0x3FAE] =	sst s6  }
0xf: {  	[smem:$0x3FAF] =	sst s7  }
0x10: {  	[smem:$0x3FB0] =	sst s8  }
0x11: {  	[smem:$0x3FB1] =	sst s9;
	s0 =	simm.s32 @!p0 $0x0  }
0x12: {  	s1 =	sld [smem:$0x3F97];
	s0 =	simm.s32 @p0 $0x1  }
0x13: {  	[smem:$0x3FB2] =	sst s0;
	s0 =	simm.s32 @!p1 $0x0  }
0x14: {  	s2 =	sld [smem:$0x3F96];
	s0 =	simm.s32 @p1 $0x1  }
0x15: {  	[smem:$0x3FB3] =	sst s0;
	s0 =	simm.s32 @!p2 $0x0  }
0x16: {  	s3 =	sld [smem:$0x3FDB];
	s0 =	simm.s32 @p2 $0x1  }
0x17: {  	s4 =	simm.s32 $0x1BF5;
	[smem:$0x3FB5] =	sst s0  }
0x18: {  	s0 =	sld [smem:$0x3F98];
	_ =	swait.ge [sflag:s4], $0x0  }
0x19: {  	s7 =	sld [smem:$0x3F99]  }
0x1a: {  	s8 =	sadd.s32 $0xFFFFE003, lr  }
0x1b: {  	s9 =	sadd.s32 $0xFFFFFEF7, lr;
	s5 =	simm.s32 $0xFFFFFFFF;
	p2 =	slt.u32 s8, $0xFFFFF086  }
0x1c: {  	p1 =	slt.u32 s9, $0xF7A;
	s5 =	simm.s32 @!p2 $0x0  }
0x1d: {  	s5 =	simm.s32 @p1 $0x1;
	p0 =	seq.s32 s7, s2  }
0x1e: {  	s7 =	smul.u32 @!p0 $0xF7A, s2;
	p2 =	seq.s32 @!p0 s5, $0x0  }
0x1f: {  	s9 =	smul.u32 $0xF7A, s1;
	s8 =	simm.s32 @!p0 $0x1BF5;
	p2 =	por !p2, p0  }
0x20: {  	[sflag:s8] =	ssyncset.s32 @!p0 $0xFFFFF086;
	s6 =	sadd.s32 @!p0 s3, s7;
	s7 =	simm.s32 @!p0 $0x108  }
0x21: {  	s3 =	sadd.s32 s3, s9;
	s6 =	sadd.s32 @!p0 $0x88, s6;
	s7 =	simm.s32 @p2 $0x1082  }
0x22: {  	[simem:s7], [sflag:s8] =	dma.local @!p0 [hbm:s6], $0xF7A  }
0x23: {  	s9 =	sor.u32 $0xD0000000, s2;
	s6 =	simm.s32 $0x108;
	_ =	swait.ge @!p0 [sflag:s8], $0x0  }
0x24: {  	s3 =	sadd.s32 $0x88, s3;
	s6 =	simm.s32 @!p1 $0x1082;
	[sflag:s4] =	ssyncset.s32 $0xFFFFF086  }
0x25: {  	[simem:s6], [sflag:s4] =	dma.local [hbm:s3], $0xF7A  }
0x26: {  	[smem:$0x3F99] =	sst s1;
	(tag) =	ssettag s2;
	_ =	strace s9  }
0x27: {  	s1 =	sld [smem:$0x3FA9]  }
0x28: {  	s2 =	sld [smem:$0x3FAA]  }
0x29: {  	s4 =	sld [smem:$0x3FAC]  }
0x2a: {  	p0 =	seq.s32 s5, $0x0;
	s5 =	sld [smem:$0x3FAD]  }
0x2b: {  	s6 =	sld [smem:$0x3FAE]  }
0x2c: {  	s7 =	sld [smem:$0x3FAF]  }
0x2d: {  	s3 =	simm.s32 $0x108;
	s8 =	sld [smem:$0x3FB0]  }
0x2e: {  	s3 =	simm.s32 @!p0 $0x1082;
	s9 =	sld [smem:$0x3FB1]  }
0x2f: {  	lr =	sadd.s32 s0, s3;
	s0 =	sld [smem:$0x3FA8]  }
0x30: {  	s3 =	sld [smem:$0x3FAB]  }
0x31: {  	[smem:$0x3FB4] =	sst s10  }
0x32: {  	s10 =	sld [smem:$0x3FB2];
	_ =	sdelay $0x3  }
0x33: {  	p0 =	seq.s32 s10, $0x1;
	s10 =	sld [smem:$0x3FB4];
	_ =	sdelay $0x3  }
0x34: {  	[smem:$0x3FB4] =	sst s10  }
0x35: {  	s10 =	sld [smem:$0x3FB3];
	_ =	sdelay $0x3  }
0x36: {  	p1 =	seq.s32 s10, $0x1;
	s10 =	sld [smem:$0x3FB4];
	_ =	sdelay $0x3  }
0x37: {  	[smem:$0x3FB4] =	sst s10  }
0x38: {  	s10 =	sld [smem:$0x3FB5]  }
0x39: {  	_ = 	snop;
	(pc) =	sbr.ind lr, $3  }
0x3a: {  	_ = 	snop  }
0x3b: {  	_ = 	snop  }
0x3c: {  	p2 =	seq.s32 s10, $0x1;
	s10 =	sld [smem:$0x3FB4]  }
0x3d: {  	_ =	shalt  }
0x3e: {  	_ =	shalt  }
0x3f: {  	_ =	shalt  }
0x40: {  	_ =	shalt  }
0x41: {  	_ =	shalt  }
0x42: {  	_ =	shalt  }
0x43: {  	_ =	shalt  }
0x44: {  	_ =	shalt  }
0x45: {  	_ =	shalt  }
0x46: {  	_ =	shalt  }
0x47: {  	_ =	shalt  }
0x48: {  	_ =	shalt  }
0x49: {  	_ =	shalt  }
0x4a: {  	_ =	shalt  }
0x4b: {  	_ =	shalt  }
0x4c: {  	_ =	shalt  }
0x4d: {  	_ =	shalt  }
0x4e: {  	_ =	shalt  }
0x4f: {  	_ =	shalt  }
0x50: {  	_ =	shalt  }
0x51: {  	_ =	shalt  }
0x52: {  	_ =	shalt  }
0x53: {  	_ =	shalt  }
0x54: {  	_ =	shalt  }
0x55: {  	_ =	shalt  }
0x56: {  	_ =	shalt  }
0x57: {  	_ =	shalt  }
0x58: {  	_ =	shalt  }
0x59: {  	_ =	shalt  }
0x5a: {  	_ =	shalt  }
0x5b: {  	_ =	shalt  }
0x5c: {  	_ =	shalt  }
0x5d: {  	_ =	shalt  }
0x5e: {  	_ =	shalt  }
0x5f: {  	_ =	shalt  }
0x60: {  	_ =	shalt  }
0x61: {  	_ =	shalt  }
0x62: {  	_ =	shalt  }
0x63: {  	_ =	shalt  }
0x64: {  	_ =	shalt  }
0x65: {  	_ =	shalt  }
0x66: {  	_ =	shalt  }
0x67: {  	_ =	shalt  }
0x68: {  	_ =	shalt  }
0x69: {  	_ =	shalt  }
0x6a: {  	_ =	shalt  }
0x6b: {  	_ =	shalt  }
0x6c: {  	_ =	shalt  }
0x6d: {  	_ =	shalt  }
0x6e: {  	_ =	shalt  }
0x6f: {  	_ =	shalt  }
0x70: {  	_ =	shalt  }
0x71: {  	_ =	shalt  }
0x72: {  	_ =	shalt  }
0x73: {  	_ =	shalt  }
0x74: {  	_ =	shalt  }
0x75: {  	_ =	shalt  }
0x76: {  	_ =	shalt  }
0x77: {  	_ =	shalt  }
0x78: {  	_ =	shalt  }
0x79: {  	_ =	shalt  }
0x7a: {  	_ =	shalt  }
0x7b: {  	_ =	shalt  }
0x7c: {  	_ =	shalt  }
0x7d: {  	_ =	shalt  }
0x7e: {  	_ =	shalt  }
0x7f: {  	_ =	shalt  }
0x80: {  	_ =	shalt  }
0x81: {  	_ =	shalt  }
0x82: {  	_ =	shalt  }
0x83: {  	_ =	shalt  }
0x84: {  	_ =	shalt  }
0x85: {  	_ =	shalt  }
0x86: {  	_ =	shalt  }
0x87: {  	_ =	shalt  }
.Lfunc_end0:
.L_simem_size_0:
called_computation_lowered:
.L_overlay_start_0:
0x88: {  	s2 =	sld [smem:$0x3FD9]  }
0x89: {  	s3 =	sld [smem:$0x3FFE];
	_ =	sdelay $0x1  }
0x8a: {  	s1 =	srdreg.scid  }
0x8b: {  	s0 =	sand.u32 $0x1, s1  }
0x8c: {  	s16 =	sshll.u32 s0, $0xA;
	s2 =	sadd.s32 s3, s2  }
0x8d: {  	s2 =	sadd.s32 s2, s16  }
0x8e: {  	[smem:$0x3FC0] =	sst s2  }
0x8f: {  	_ = 	snop  }
0x90: {  	(tm) =	ssettm $0x1  }
0x91: {  	s17 =	sld [smem:$0x3FFB];
	_ =	sdelay $0x3  }
0x92: {  	_ =	strace s17  }
0x93: {  	s2 =	sld [smem:$0x3FFC];
	_ =	sdelay $0x3  }
0x94: {  	_ =	strace s2  }
0x95: {  	s2 =	sld [smem:$0x3FFD];
	_ =	sdelay $0x3  }
0x96: {  	_ =	strace s2  }
0x97: {  	_ =	strace $0x8FFFFFFF  }
0x98: {  	s18 =	sld [smem:$0x3FDB];
	_ =	sdelay $0x1  }
0x99: {  	s19 =	simm.s32 $_scs_section_size  }
0x9a: {  	s4 =	simm.s32 $_size__tile_overlayer_lowered;
	s5 =	simm.s32 $_tile_overlayer_lowered  }
0x9b: {  	s22 =	simm.s32 $0x1BFF;
	s21 =	sshll.u32 s5, $0x1;
	s2 =	sadd.s32 s19, s18  }
0x9c: {  	s6 =	simm.s32 $0x0;
	s20 =	sshll.u32 s4, $0x1;
	s4 =	sadd.s32 s21, s2  }
0x9d: {  	[timem:s6], [sflag:s22] =	dma.local [hbm:s4], s20  }
0x9e: {  	_ =	swait.ge [sflag:s22], s20  }
0x9f: {  	s3 =	ssub.s32 $0x0, s20;
	[sflag:s22] =	ssyncset.done $0x0  }
0xa0: {  	[sflag:s22] =	ssyncadd.s32 s3;
	_ =	sdelay $0x1  }
0xa1: {  	s23 =	simm.s32 $0x1B8B  }
0xa2: {  	_ =	swait.ge [sflag:s23], $0x1  }
0xa3: {  	[sflag:s23] =	ssyncset.done $0x0  }
0xa4: {  	s25 =	simm.s32 $0x1B8E;
	s24 =	sld [smem:$0x3FFE];
	[sflag:s23] =	ssyncadd.s32 $0xFFFFFFFF  }
0xa5: {  	s26 =	simm.s32 $execute0_lowered;
	[smem:$0x3FD2] =	sst s25  }
0xa6: {  	s4 =	sshll.u32 s26, $0x1;
	_ =	strace $0x80000046;
	[dreg:$0x1] =	wrdreg $0xFFFFFFFF  }
0xa7: {  	s28 =	simm.s32 $_size_execute0_lowered;
	s2 =	sadd.s32 s2, s4;
	[dreg:$0x0] =	wrdreg $0x0  }
0xa8: {  	s4 =	sshll.u32 s28, $0x1;
	[dreg:$0x2] =	wrdreg s2  }
0xa9: {  	[dreg:$0x3] =	wrdreg s4  }
0xaa: {  	[dreg:$0x4] =	wrdreg $0xC0  }
0xab: {  	_ =	task [dreg:s6], $0x5FFFF  }
0xac: {  	[dreg:$0x1] =	wrdreg $0xFFFFFFFF  }
0xad: {  	[dreg:$0x0] =	wrdreg $0x60  }
0xae: {  	[dreg:$0x2] =	wrdreg s24  }
0xaf: {  	[dreg:$0x3] =	wrdreg $0x11A000  }
0xb0: {  	[dreg:$0x4] =	wrdreg $0x9  }
0xb1: {  	_ =	task.clear_ibuf [dreg:s6], $0x5FFFF;
	_ =	strace $0x90000046  }
0xb2: {  	s29 =	simm.s32 $0x9;
	_ =	strace $0x80000048  }
0xb3: {  	_ =	swait.ge [sflag:s29], $0x1  }
0xb4: {  	[sflag:s29] =	ssyncadd.s32 $0xFFFFFFFF  }
0xb5: {  	_ =	strace $0x90000048  }
0xb6: {  	_ =	sfence  }
0xb7: {  	s30 =	sld [smem:$0x0];
	_ =	sdelay $0x2  }
0xb8: {  	s31 =	sshll.u32 s1, $0xD;
	s1 =	sshrl.u32 s1, $0x2  }
0xb9: {  	s3 =	sand.u32 $0x4000, s31;
	s1 =	sadd.s32 s1, s30  }
0xba: {  	s0 =	sor.u32 s3, s0;
	s1 =	sshll.u32 s1, $0x11  }
0xbb: {  	s0 =	sor.u32 s1, s0  }
0xbc: {  	s0 =	sadd.s32 $0x8F2B, s0  }
0xbd: {  	[sflag:s0] =	ssyncadd.remote.s32 $0x1  }
0xbe: {  	_ =	sfence.sel $0xFFFF  }
0xbf: {  	[dreg:$0x0] =	wrdreg $0xFFFFFFFF;
	(pc) =	sbr.abs _section_cstart, $3  }
0xc0: {  	[dreg:$0x1] =	wrdreg $0xFFFFFFFF  }
0xc1: {  	_ =	task.clear_ibuf [dreg:s6], $0x2FFFF;
	_ =	strace $0x9FFFFFFF  }
0xc2: {  	(tm) =	ssettm $0x7FFFFFFF  }
0xc3: {  	_ =	shalt  }
tec
execute0_lowered:
.L_overlay_start_1:
0x0: {  	(tag) =	ssettag $0x1  }
0x1: {  	s0 =	rddreg [dreg:$0x0]  }
0x2: {  	s10 =	rddreg [dreg:$0x1]  }
0x3: {  	s3 =	srdreg.scid;
	s1 =	stileid.u32;
	s2 =	simm.s32 $0x0  }
0x4: {  	s16 =	simm.s32 $0x5000;
	s17 =	simm.s32 $0x7880;
	s18 =	simm.s32 $0xF180  }
0x5: {  	s19 =	simm.s32 $0xC980;
	s20 =	simm.s32 $0xA100;
	s21 =	simm.s32 $0x80  }
0x6: {  	s22 =	simm.s32 $0x400;
	s28 =	simm.s32 $0x0;
	s11 =	sand.u32 $0x1, s3  }
0x7: {  	s23 =	sshll.u32 s1, $0x1;
	[smem:$0x7FF] =	sst s2;
	s7 =	smul.u32 $0x500, s1  }
0x8: {  	s4 =	sadd.s32 $0x16C00, s0;
	s5 =	sadd.s32 $0x17200, s0;
	s14 =	smul.u32 $0x5000, s1  }
0x9: {  	s12 =	sshrl.u32 s1, $0x3;
	s29 =	sshll.u32 s1, $0x7;
	s15 =	smul.u32 $0x5100, s1  }
0xa: {  	s3 =	sor.u32 s11, s23;
	_ =	strace $0x80000047;
	s12 =	smul.u32 $0x50000, s12  }
0xb: {  	s8 =	sshll.u32 s11, $0x7;
	s25 =	ssub.s32 $0x2, s11;
	s31 =	smul.u32 $0x2880, s11  }
0xc: {  	s23 =	simm.s32 $0x1400;
	s6 =	smul.u32 $0x2880, s3;
	s3 =	sadd.s32 $0x16600, s0  }
0xd: {  	s24 =	sor.u32 s8, s7;
	s26 =	sshrl.u32 s25, $0x1;
	s30 =	sshrl.u32 s14, $0x2  }
0xe: {  	s14 =	simm.s32 $0x1;
	s13 =	ssub.s32 s25, s26;
	s12 =	sshrl.u32 s12, $0x2  }
0xf: {  	s25 =	simm.s32 $0xF200;
	s26 =	simm.s32 $0x100;
	s6 =	sshrl.u32 s6, $0x3  }
0x10: {  	s12 =	sadd.s32 s12, s10;
	s9 =	sadd.s32 s6, s0;
	s6 =	sshrl.u32 s24, $0x3  }
0x11: {  	s10 =	sadd.s32 s30, s10;
	s0 =	sadd.s32 s6, s0;
	s6 =	sadd.s32 $0x2200, s9  }
0x12: {  	s7 =	sadd.s32 $0xC400, s9;
	s8 =	sadd.s32 $0x3F400, s9;
	s9 =	sand.u32 $0x380, s29  }
0x13: {  	s24 =	simm.s32 $0x14000;
	s9 =	sadd.s32 s9, s12;
	s11 =	sadd.s32 $0x49600, s0  }
0x14: {  	v0 =	vimm.f32 $0.0e+00;
	s12 =	smax.u32 s13, $0x1;
	s13 =	sadd.s32 s31, s15;
	s15 =	simm.s32 $0x2800  }
.LBB2_1:
0x15: {  	[tilespmem:s2], [sflag:$0x1] =	stream.linear.gather [hbm4b:s3+s2], $0x2800, $0x38;
	[tilespmem:$0x14200] =	vst v63  }
0x16: {  	_ =	swait.ge [sflag:s14], $0x2800  }
0x17: {  	[sflag:s14] =	ssyncset.done $0x0  }
0x18: {  	[sflag:s14] =	ssyncadd.s32 $0xFFFFD800  }
0x19: {  	[tilespmem:s15], [sflag:$0x1] =	stream.linear.gather [hbm4b:s4+s2], $0x2800, $0x38;
	[tilespmem:$0x14200] =	vst v63  }
0x1a: {  	_ =	swait.ge [sflag:s14], $0x2800  }
0x1b: {  	[sflag:s14] =	ssyncset.done $0x0  }
0x1c: {  	[sflag:s14] =	ssyncadd.s32 $0xFFFFD800  }
0x1d: {  	[tilespmem:s16], [sflag:$0x1] =	stream.linear.gather [hbm4b:s6+s2], $0x2880, $0x38;
	[tilespmem:$0x14200] =	vst v63  }
0x1e: {  	_ =	swait.ge [sflag:s14], $0x2880  }
0x1f: {  	[sflag:s14] =	ssyncset.done $0x0  }
0x20: {  	[sflag:s14] =	ssyncadd.s32 $0xFFFFD780  }
0x21: {  	[tilespmem:s17], [sflag:$0x1] =	stream.linear.gather [hbm4b:s7+s2], $0x2880, $0x38;
	[tilespmem:$0x14200] =	vst v63  }
0x22: {  	_ =	swait.ge [sflag:s14], $0x2880  }
0x23: {  	[sflag:s14] =	ssyncset.done $0x0  }
0x24: {  	[sflag:s14] =	ssyncadd.s32 $0xFFFFD780  }
0x25: {  	[tilespmem:s18], [sflag:$0x1] =	stream.linear.gather [hbm4b:s5+s2], $0x80, $0x38;
	[tilespmem:$0x14200] =	vst v63  }
0x26: {  	_ =	swait.ge [sflag:s14], $0x80  }
0x27: {  	[sflag:s14] =	ssyncset.done $0x0  }
0x28: {  	[sflag:s14] =	ssyncadd.s32 $0xFFFFFF80  }
0x29: {  	s0 =	simm.s32 $0x0;
	v1 =	vld.msk [tilespmem:s18+$0x0], $0xffff  }
.LBB2_2:
0x2a: {  	p0 =	sne.s32 s0, $0x9FC0  }
.Ltmp0:
0x2b: {  	_ = 	snop;
	(pc) =	sbr.rel @p0 .LBB2_2-.Ltmp0, $3  }
0x2c: {  	_ =	sdelay $0x1  }
0x2d: {  	s29 =	sshra.s32 s0, $0x2  }
0x2e: {  	s0 =	sadd.s32 $0x40, s0;
	[tilespmem:s29+$0xC980] =	vst v0  }
0x2f: {  	s0 =	simm.s32 $0x0  }
0x30: {  	v2 =	vld [tilespmem:s0+$0x7880]  }
0x31: {  	v3 =	vld [tilespmem:s0+$0x5000];
	_ =	sdelay $0x6  }
0x32: {  	v4 =	vld.idx.msk [tilespmem:v2+s15+$0x0], $0xffff  }
0x33: {  	v3 =	vld.idx.msk [tilespmem:v3+s2+$0x0], $0xffff;
	_ =	sdelay $0x4  }
0x34: {  	v3 =	vadd.f32 v4, v3;
	_ =	sdelay $0x1  }
0x35: {  	v4 =	vmul.f32 $2.000000030e-01, v3  }
0x36: {  	vm0 =	vgt.f32 v3, $0.0e+00  }
0x37: {  	v3 =	vsel vm0, v3, v4  }
0x38: {  	v3 =	vsub.f32 v3, v1;
	_ =	sdelay $0x1  }
0x39: {  	v3 =	vmul.f32 $1.442695020e+00, v3;
	_ =	sdelay $0x1  }
0x3a: {  	(erf) = vpow2.f32 v3;
	_ =	sdelay $0x8  }
0x3b: {  	p0 =	slt.u32 s13, $0x50910;
	v3 =	vpop (erf)  }
0x3c: {  	v3 =	vpsel !p0, $0x0, v3  }
0x3d: {  	[tilespmem:s0+$0xA100] =	vst v3  }
0x3e: {  	s0 =	simm.s32 $0x10;
	[tilespmem:v2+s19+$0x0] =	vst.idx.add.f32.msk $0xffff, v3  }
0x3f: {  	v2 =	vld [tilespmem:s0+$0x7880]  }
0x40: {  	s30 =	simm.s32 $0x80;
	s29 =	smov.u32 s13;
	v3 =	vld [tilespmem:s0+$0x5000]  }
.LBB2_4:
0x41: {  	p0 =	sne.s32 s30, $0xA1C0;
	_ =	sdelay $0x5  }
0x42: {  	v4 =	vld.idx.msk [tilespmem:v2+s15+$0x0], $0xffff  }
0x43: {  	v3 =	vld.idx.msk [tilespmem:v3+s2+$0x0], $0xffff;
	_ =	sdelay $0x5  }
0x44: {  	v3 =	vadd.f32 v4, v3;
	_ =	sdelay $0x1  }
0x45: {  	v4 =	vmul.f32 $2.000000030e-01, v3  }
0x46: {  	vm0 =	vgt.f32 v3, $0.0e+00  }
0x47: {  	v3 =	vsel vm0, v3, v4  }
0x48: {  	v3 =	vsub.f32 v3, v1;
	_ =	sdelay $0x1  }
0x49: {  	v3 =	vmul.f32 $1.442695020e+00, v3;
	_ =	sdelay $0x1  }
0x4a: {  	(erf) = vpow2.f32 v3;
	_ =	sdelay $0x7  }
0x4b: {  	s29 =	sadd.s32 $0x10, s29  }
0x4c: {  	p1 =	slt.u32 s29, $0x50910;
	v3 =	vpop (erf)  }
.Ltmp1:
0x4d: {  	v3 =	vpsel !p1, $0x0, v3;
	(pc) =	sbr.rel @p0 .LBB2_4-.Ltmp1, $4  }
0x4e: {  	[tilespmem:s0+$0xA100] =	vst v3  }
0x4f: {  	s0 =	sshra.s32 s30, $0x2;
	[tilespmem:v2+s19+$0x0] =	vst.idx.add.f32.msk $0xffff, v3  }
0x50: {  	v2 =	vld [tilespmem:s0+$0x7880]  }
0x51: {  	s30 =	sadd.s32 $0x40, s30;
	v3 =	vld [tilespmem:s0+$0x5000]  }
0x52: {  	_ =	sdelay $0x6  }
0x53: {  	v4 =	vld.idx.msk [tilespmem:v2+s15+$0x0], $0xffff  }
0x54: {  	v3 =	vld.idx.msk [tilespmem:v3+s2+$0x0], $0xffff;
	_ =	sdelay $0x4  }
0x55: {  	v3 =	vadd.f32 v4, v3;
	_ =	sdelay $0x1  }
0x56: {  	v4 =	vmul.f32 $2.000000030e-01, v3  }
0x57: {  	vm0 =	vgt.f32 v3, $0.0e+00  }
0x58: {  	v3 =	vsel vm0, v3, v4  }
0x59: {  	v1 =	vsub.f32 v3, v1;
	_ =	sdelay $0x1  }
0x5a: {  	v1 =	vmul.f32 $1.442695020e+00, v1;
	_ =	sdelay $0x1  }
0x5b: {  	(erf) = vpow2.f32 v1;
	_ =	sdelay $0x7  }
0x5c: {  	s29 =	sadd.s32 $0x10, s29  }
0x5d: {  	p0 =	slt.u32 s29, $0x50910;
	v1 =	vpop (erf)  }
0x5e: {  	v1 =	vpsel !p0, $0x0, v1  }
0x5f: {  	[tilespmem:s0+$0xA100] =	vst v1  }
0x60: {  	s1 =	simm.s32 $0x0;
	[tilespmem:v2+s19+$0x0] =	vst.idx.add.f32.msk $0xffff, v1  }
0x61: {  	[hbm4b:s8+s1] =	stream.linear.scatter [tilespmem:s20], [sflag:$0x1], $0x2880, $0x38;
	[tilespmem:$0x14200] =	vst v63  }
0x62: {  	_ =	swait.ge [sflag:s14], $0x2880  }
0x63: {  	[sflag:s14] =	ssyncset.done $0x0  }
0x64: {  	s29 =	simm.s32 $0xC980;
	[sflag:s14] =	ssyncadd.s32 $0xFFFFD780  }
0x65: {  	[spmem:s9] =	stream.strided.scatter [tilespmem:s29], [sflag:$0x1], $0x2800, s22, s21, $0x38;
	[tilespmem:$0x14200] =	vst v63  }
0x66: {  	_ =	swait.ge [sflag:s14], $0x2800  }
0x67: {  	[sflag:s14] =	ssyncset.done $0x0  }
0x68: {  	[sflag:s14] =	ssyncadd.s32 $0xFFFFD800  }
0x69: {  	[bflag:$0x0] =	sbarrier.arrive $0xFFFF  }
0x6a: {  	[tilespmem:s25], [sflag:$0x1] =	stream.strided.gather [spmem:s10], $0x2800, s24, s23, $0x38;
	[tilespmem:$0x14200] =	vst v63  }
0x6b: {  	_ =	swait.ge [sflag:s14], $0x2800  }
0x6c: {  	s30 =	sand.u32 $0x70, s1;
	s0 =	sand.u32 $0x1C00, s1;
	[sflag:s14] =	ssyncset.done $0x0  }
0x6d: {  	s0 =	sor.u32 s30, s0;
	[sflag:s14] =	ssyncadd.s32 $0xFFFFD800  }
0x6e: {  	v1 =	vld [tilespmem:s0+$0xF280]  }
0x6f: {  	v2 =	vld [tilespmem:s0+$0xF200];
	_ =	sdelay $0x1  }
0x70: {  	v3 =	vld [tilespmem:s0+$0xF300];
	_ =	sdelay $0x1  }
0x71: {  	v59 =	vld [tilespmem:s0+$0xF380]  }
0x72: {  	v1 =	vadd.f32 v1, v2  }
0x73: {  	v2 =	vld [tilespmem:s0+$0xF400]  }
0x74: {  	v1 =	vadd.f32 v3, v1  }
0x75: {  	v3 =	vld [tilespmem:s0+$0xF480]  }
0x76: {  	v1 =	vadd.f32 v59, v1  }
0x77: {  	v60 =	vld [tilespmem:s0+$0xF500]  }
0x78: {  	v1 =	vadd.f32 v2, v1  }
0x79: {  	v2 =	vld [tilespmem:s0+$0xF580]  }
0x7a: {  	v1 =	vadd.f32 v3, v1  }
0x7b: {  	v3 =	vld [tilespmem:s0+$0x10600]  }
0x7c: {  	v1 =	vadd.f32 v60, v1  }
0x7d: {  	v61 =	vld [tilespmem:s0+$0x10680]  }
0x7e: {  	v1 =	vadd.f32 v2, v1  }
0x7f: {  	v2 =	vld [tilespmem:s0+$0x10700]  }
0x80: {  	v1 =	vadd.f32 v3, v1  }
0x81: {  	v3 =	vld [tilespmem:s0+$0x10780]  }
0x82: {  	v1 =	vadd.f32 v61, v1  }
0x83: {  	v62 =	vld [tilespmem:s0+$0x10800]  }
0x84: {  	v1 =	vadd.f32 v2, v1  }
0x85: {  	v2 =	vld [tilespmem:s0+$0x10880]  }
0x86: {  	v1 =	vadd.f32 v3, v1  }
0x87: {  	v3 =	vld [tilespmem:s0+$0x10900]  }
0x88: {  	v1 =	vadd.f32 v62, v1  }
0x89: {  	v63 =	vld [tilespmem:s0+$0x10980]  }
0x8a: {  	v1 =	vadd.f32 v2, v1;
	_ =	sdelay $0x1  }
0x8b: {  	v1 =	vadd.f32 v3, v1;
	_ =	sdelay $0x1  }
0x8c: {  	s31 =	simm.s32 $0x80;
	s1 =	simm.s32 $0x10;
	v1 =	vadd.f32 v63, v1  }
0x8d: {  	s30 =	sand.u32 $0x1C00, s31;
	s0 =	sand.u32 $0x70, s1  }
0x8e: {  	s30 =	sor.u32 s0, s30;
	s0 =	simm.s32 $0x20;
	[tilespmem:s29+$0x0] =	vst v1  }
.LBB2_6:
0x8f: {  	p0 =	sne.s32 s0, $0x270;
	v1 =	vld [tilespmem:s30+$0xF280]  }
0x90: {  	v2 =	vld [tilespmem:s30+$0xF200];
	_ =	sdelay $0x1  }
0x91: {  	v3 =	vld [tilespmem:s30+$0xF300];
	_ =	sdelay $0x1  }
0x92: {  	v4 =	vld [tilespmem:s30+$0xF380]  }
0x93: {  	v1 =	vadd.f32 v1, v2  }
0x94: {  	v2 =	vld [tilespmem:s30+$0xF400]  }
0x95: {  	v1 =	vadd.f32 v3, v1  }
0x96: {  	v3 =	vld [tilespmem:s30+$0xF480]  }
0x97: {  	v1 =	vadd.f32 v4, v1  }
0x98: {  	v4 =	vld [tilespmem:s30+$0xF500]  }
0x99: {  	v1 =	vadd.f32 v2, v1  }
0x9a: {  	v2 =	vld [tilespmem:s30+$0xF580]  }
0x9b: {  	v1 =	vadd.f32 v3, v1  }
0x9c: {  	v3 =	vld [tilespmem:s30+$0x10600]  }
0x9d: {  	v1 =	vadd.f32 v4, v1  }
0x9e: {  	v4 =	vld [tilespmem:s30+$0x10680]  }
0x9f: {  	v1 =	vadd.f32 v2, v1  }
0xa0: {  	v2 =	vld [tilespmem:s30+$0x10700]  }
0xa1: {  	v1 =	vadd.f32 v3, v1  }
0xa2: {  	v3 =	vld [tilespmem:s30+$0x10780]  }
0xa3: {  	v1 =	vadd.f32 v4, v1  }
0xa4: {  	v4 =	vld [tilespmem:s30+$0x10800]  }
0xa5: {  	v1 =	vadd.f32 v2, v1  }
0xa6: {  	v2 =	vld [tilespmem:s30+$0x10880]  }
0xa7: {  	v1 =	vadd.f32 v3, v1  }
0xa8: {  	v3 =	vld [tilespmem:s30+$0x10900]  }
0xa9: {  	v1 =	vadd.f32 v4, v1  }
0xaa: {  	v4 =	vld [tilespmem:s30+$0x10980]  }
0xab: {  	v1 =	vadd.f32 v2, v1;
	_ =	sdelay $0x1  }
.Ltmp2:
0xac: {  	v1 =	vadd.f32 v3, v1;
	(pc) =	sbr.rel @p0 .LBB2_6-.Ltmp2, $4  }
0xad: {  	_ = 	snop  }
0xae: {  	s31 =	sadd.s32 $0x80, s31;
	v1 =	vadd.f32 v4, v1  }
0xaf: {  	s29 =	sadd.s32 $0x10, s29;
	s1 =	sand.u32 $0x1C00, s31;
	s30 =	sand.u32 $0x70, s0  }
0xb0: {  	s0 =	sadd.s32 $0x10, s0;
	s30 =	sor.u32 s30, s1;
	[tilespmem:s29+$0x0] =	vst v1  }
0xb1: {  	v1 =	vld [tilespmem:s30+$0xF280]  }
0xb2: {  	v2 =	vld [tilespmem:s30+$0xF200];
	_ =	sdelay $0x1  }
0xb3: {  	v3 =	vld [tilespmem:s30+$0xF300];
	_ =	sdelay $0x1  }
0xb4: {  	v4 =	vld [tilespmem:s30+$0xF380]  }
0xb5: {  	v1 =	vadd.f32 v1, v2  }
0xb6: {  	v2 =	vld [tilespmem:s30+$0xF400]  }
0xb7: {  	v1 =	vadd.f32 v3, v1  }
0xb8: {  	v3 =	vld [tilespmem:s30+$0xF480]  }
0xb9: {  	v1 =	vadd.f32 v4, v1  }
0xba: {  	v60 =	vld [tilespmem:s30+$0xF500]  }
0xbb: {  	v1 =	vadd.f32 v2, v1  }
0xbc: {  	v2 =	vld [tilespmem:s30+$0xF580]  }
0xbd: {  	v1 =	vadd.f32 v3, v1  }
0xbe: {  	v3 =	vld [tilespmem:s30+$0x10600]  }
0xbf: {  	v1 =	vadd.f32 v60, v1  }
0xc0: {  	v61 =	vld [tilespmem:s30+$0x10680]  }
0xc1: {  	v1 =	vadd.f32 v2, v1  }
0xc2: {  	v2 =	vld [tilespmem:s30+$0x10700]  }
0xc3: {  	v1 =	vadd.f32 v3, v1  }
0xc4: {  	v3 =	vld [tilespmem:s30+$0x10780]  }
0xc5: {  	v1 =	vadd.f32 v61, v1  }
0xc6: {  	v62 =	vld [tilespmem:s30+$0x10800]  }
0xc7: {  	v1 =	vadd.f32 v2, v1  }
0xc8: {  	v2 =	vld [tilespmem:s30+$0x10880]  }
0xc9: {  	v1 =	vadd.f32 v3, v1  }
0xca: {  	v3 =	vld [tilespmem:s30+$0x10900]  }
0xcb: {  	v1 =	vadd.f32 v62, v1  }
0xcc: {  	v63 =	vld [tilespmem:s30+$0x10980]  }
0xcd: {  	v1 =	vadd.f32 v2, v1;
	_ =	sdelay $0x1  }
0xce: {  	v1 =	vadd.f32 v3, v1;
	_ =	sdelay $0x1  }
0xcf: {  	s28 =	sadd.s32 $0x1, s28;
	v1 =	vadd.f32 v63, v1  }
0xd0: {  	s0 =	sadd.s32 $0x10, s29;
	p0 =	sne.s32 s28, s12  }
.Ltmp3:
0xd1: {  	[tilespmem:s0+$0x0] =	vst v1;
	(pc) =	sbr.rel @p0 .LBB2_1-.Ltmp3, $4  }
0xd2: {  	[hbm4b:s11+s21] =	stream.strided.scatter [tilespmem:s19], [sflag:$0x1], $0x280, s26, s21, $0x38;
	[tilespmem:$0x14200] =	vst v63  }
0xd3: {  	_ =	swait.ge [sflag:s14], $0x280  }
0xd4: {  	[sflag:s14] =	ssyncset.done $0x0  }
0xd5: {  	[sflag:s14] =	ssyncadd.s32 $0xFFFFFD80  }
0xd6: {  	_ =	sfence.sel $0x180000  }
0xd7: {  	[bflag:$0x0] =	sbarrier.arrive $0xFFFF  }
0xd8: {  	_ =	strace $0x90000047  }
0xd9: {  	s0 =	stileid.u32;
	[bflag:$0x2] =	sbarrier.arrive $0xFFFF  }
0xda: {  	p0 =	sne.s32 s0, $0x0;
	s0 =	rddreg [dreg:$0x2]  }
0xdb: {  	s0 =	sadd.s32 @!p0 $0x100000, s0  }
0xdc: {  	[sflag:s0] =	ssyncadd.tile.s32 @!p0 $0x1;
	_ =	shalt  }
.Lfunc_end2:
_tile_overlayer_lowered:
.L_overlay_start_2:
0xdd: {  	(tag) =	ssettag $0x2  }
0xde: {  	s0 =	rddreg [dreg:$0x0];
	s2 =	stileid.u32  }
0xdf: {  	s1 =	rddreg [dreg:$0x1];
	p0 =	sne.s32 s2, $0x0  }
0xe0: {  	s3 =	rddreg [dreg:$0x2];
	[bflag:$0x3] =	sbarrier.arrive $0xFFFF;
	s2 =	simm.s32 @!p0 $0x1C01  }
0xe1: {  	[timem:s3], [sflag:s2] =	dma.local @!p0 [hbm:s0], s1  }
0xe2: {  	s0 =	simm.s32 @!p0 $0x1  }
0xe3: {  	_ =	swait.ge @!p0 [sflag:s0], s1  }
0xe4: {  	s1 =	ssub.s32 @!p0 $0x0, s1;
	[sflag:s0] =	ssyncset.done @!p0 $0x0  }
0xe5: {  	[sflag:s0] =	ssyncadd.s32 @!p0 s1  }
0xe6: {  	[bflag:$0x3] =	sbarrier.arrive $0xFFFF  }
0xe7: {  	_ =	shalt  }

// kernel: kernel.9.cloned.1.call-start
scs
__scs_entry_jumppad:
0x0: {  	(pc) =	sbr.rel $0x88, $3  }
0x1: {  	(tag) =	ssettag $0x0;
	lr =	simm.s32 $0x1  }
0x2: {  	[smem:$0x3F99] =	sst lr;
	_ =	strace $0xD0000000  }
0x3: {  	_ = 	snop  }
0x4: {  	_ = 	snop  }
0x5: {  	_ = 	snop  }
0x6: {  	_ = 	snop  }
0x7: {  	_ = 	snop  }
__scs_overlays_trampoline_lowered:
0x8: {  	[smem:$0x3FA8] =	sst s0  }
0x9: {  	[smem:$0x3FA9] =	sst s1  }
0xa: {  	[smem:$0x3FAA] =	sst s2  }
0xb: {  	[smem:$0x3FAB] =	sst s3  }
0xc: {  	[smem:$0x3FAC] =	sst s4  }
0xd: {  	[smem:$0x3FAD] =	sst s5  }
0xe: {  	[smem:$0x3FAE] =	sst s6  }
0xf: {  	[smem:$0x3FAF] =	sst s7  }
0x10: {  	[smem:$0x3FB0] =	sst s8  }
0x11: {  	[smem:$0x3FB1] =	sst s9;
	s0 =	simm.s32 @!p0 $0x0  }
0x12: {  	s1 =	sld [smem:$0x3F97];
	s0 =	simm.s32 @p0 $0x1  }
0x13: {  	[smem:$0x3FB2] =	sst s0;
	s0 =	simm.s32 @!p1 $0x0  }
0x14: {  	s2 =	sld [smem:$0x3F96];
	s0 =	simm.s32 @p1 $0x1  }
0x15: {  	[smem:$0x3FB3] =	sst s0;
	s0 =	simm.s32 @!p2 $0x0  }
0x16: {  	s3 =	sld [smem:$0x3FDB];
	s0 =	simm.s32 @p2 $0x1  }
0x17: {  	s4 =	simm.s32 $0x1BF5;
	[smem:$0x3FB5] =	sst s0  }
0x18: {  	s0 =	sld [smem:$0x3F98];
	_ =	swait.ge [sflag:s4], $0x0  }
0x19: {  	s7 =	sld [smem:$0x3F99]  }
0x1a: {  	s8 =	sadd.s32 $0xFFFFE003, lr  }
0x1b: {  	s9 =	sadd.s32 $0xFFFFFEF7, lr;
	s5 =	simm.s32 $0xFFFFFFFF;
	p2 =	slt.u32 s8, $0xFFFFF086  }
0x1c: {  	p1 =	slt.u32 s9, $0xF7A;
	s5 =	simm.s32 @!p2 $0x0  }
0x1d: {  	s5 =	simm.s32 @p1 $0x1;
	p0 =	seq.s32 s7, s2  }
0x1e: {  	s7 =	smul.u32 @!p0 $0xF7A, s2;
	p2 =	seq.s32 @!p0 s5, $0x0  }
0x1f: {  	s9 =	smul.u32 $0xF7A, s1;
	s8 =	simm.s32 @!p0 $0x1BF5;
	p2 =	por !p2, p0  }
0x20: {  	[sflag:s8] =	ssyncset.s32 @!p0 $0xFFFFF086;
	s6 =	sadd.s32 @!p0 s3, s7;
	s7 =	simm.s32 @!p0 $0x108  }
0x21: {  	s3 =	sadd.s32 s3, s9;
	s6 =	sadd.s32 @!p0 $0x88, s6;
	s7 =	simm.s32 @p2 $0x1082  }
0x22: {  	[simem:s7], [sflag:s8] =	dma.local @!p0 [hbm:s6], $0xF7A  }
0x23: {  	s9 =	sor.u32 $0xD0000000, s2;
	s6 =	simm.s32 $0x108;
	_ =	swait.ge @!p0 [sflag:s8], $0x0  }
0x24: {  	s3 =	sadd.s32 $0x88, s3;
	s6 =	simm.s32 @!p1 $0x1082;
	[sflag:s4] =	ssyncset.s32 $0xFFFFF086  }
0x25: {  	[simem:s6], [sflag:s4] =	dma.local [hbm:s3], $0xF7A  }
0x26: {  	[smem:$0x3F99] =	sst s1;
	(tag) =	ssettag s2;
	_ =	strace s9  }
0x27: {  	s1 =	sld [smem:$0x3FA9]  }
0x28: {  	s2 =	sld [smem:$0x3FAA]  }
0x29: {  	s4 =	sld [smem:$0x3FAC]  }
0x2a: {  	p0 =	seq.s32 s5, $0x0;
	s5 =	sld [smem:$0x3FAD]  }
0x2b: {  	s6 =	sld [smem:$0x3FAE]  }
0x2c: {  	s7 =	sld [smem:$0x3FAF]  }
0x2d: {  	s3 =	simm.s32 $0x108;
	s8 =	sld [smem:$0x3FB0]  }
0x2e: {  	s3 =	simm.s32 @!p0 $0x1082;
	s9 =	sld [smem:$0x3FB1]  }
0x2f: {  	lr =	sadd.s32 s0, s3;
	s0 =	sld [smem:$0x3FA8]  }
0x30: {  	s3 =	sld [smem:$0x3FAB]  }
0x31: {  	[smem:$0x3FB4] =	sst s10  }
0x32: {  	s10 =	sld [smem:$0x3FB2];
	_ =	sdelay $0x3  }
0x33: {  	p0 =	seq.s32 s10, $0x1;
	s10 =	sld [smem:$0x3FB4];
	_ =	sdelay $0x3  }
0x34: {  	[smem:$0x3FB4] =	sst s10  }
0x35: {  	s10 =	sld [smem:$0x3FB3];
	_ =	sdelay $0x3  }
0x36: {  	p1 =	seq.s32 s10, $0x1;
	s10 =	sld [smem:$0x3FB4];
	_ =	sdelay $0x3  }
0x37: {  	[smem:$0x3FB4] =	sst s10  }
0x38: {  	s10 =	sld [smem:$0x3FB5]  }
0x39: {  	_ = 	snop;
	(pc) =	sbr.ind lr, $3  }
0x3a: {  	_ = 	snop  }
0x3b: {  	_ = 	snop  }
0x3c: {  	p2 =	seq.s32 s10, $0x1;
	s10 =	sld [smem:$0x3FB4]  }
0x3d: {  	_ =	shalt  }
0x3e: {  	_ =	shalt  }
0x3f: {  	_ =	shalt  }
0x40: {  	_ =	shalt  }
0x41: {  	_ =	shalt  }
0x42: {  	_ =	shalt  }
0x43: {  	_ =	shalt  }
0x44: {  	_ =	shalt  }
0x45: {  	_ =	shalt  }
0x46: {  	_ =	shalt  }
0x47: {  	_ =	shalt  }
0x48: {  	_ =	shalt  }
0x49: {  	_ =	shalt  }
0x4a: {  	_ =	shalt  }
0x4b: {  	_ =	shalt  }
0x4c: {  	_ =	shalt  }
0x4d: {  	_ =	shalt  }
0x4e: {  	_ =	shalt  }
0x4f: {  	_ =	shalt  }
0x50: {  	_ =	shalt  }
0x51: {  	_ =	shalt  }
0x52: {  	_ =	shalt  }
0x53: {  	_ =	shalt  }
0x54: {  	_ =	shalt  }
0x55: {  	_ =	shalt  }
0x56: {  	_ =	shalt  }
0x57: {  	_ =	shalt  }
0x58: {  	_ =	shalt  }
0x59: {  	_ =	shalt  }
0x5a: {  	_ =	shalt  }
0x5b: {  	_ =	shalt  }
0x5c: {  	_ =	shalt  }
0x5d: {  	_ =	shalt  }
0x5e: {  	_ =	shalt  }
0x5f: {  	_ =	shalt  }
0x60: {  	_ =	shalt  }
0x61: {  	_ =	shalt  }
0x62: {  	_ =	shalt  }
0x63: {  	_ =	shalt  }
0x64: {  	_ =	shalt  }
0x65: {  	_ =	shalt  }
0x66: {  	_ =	shalt  }
0x67: {  	_ =	shalt  }
0x68: {  	_ =	shalt  }
0x69: {  	_ =	shalt  }
0x6a: {  	_ =	shalt  }
0x6b: {  	_ =	shalt  }
0x6c: {  	_ =	shalt  }
0x6d: {  	_ =	shalt  }
0x6e: {  	_ =	shalt  }
0x6f: {  	_ =	shalt  }
0x70: {  	_ =	shalt  }
0x71: {  	_ =	shalt  }
0x72: {  	_ =	shalt  }
0x73: {  	_ =	shalt  }
0x74: {  	_ =	shalt  }
0x75: {  	_ =	shalt  }
0x76: {  	_ =	shalt  }
0x77: {  	_ =	shalt  }
0x78: {  	_ =	shalt  }
0x79: {  	_ =	shalt  }
0x7a: {  	_ =	shalt  }
0x7b: {  	_ =	shalt  }
0x7c: {  	_ =	shalt  }
0x7d: {  	_ =	shalt  }
0x7e: {  	_ =	shalt  }
0x7f: {  	_ =	shalt  }
0x80: {  	_ =	shalt  }
0x81: {  	_ =	shalt  }
0x82: {  	_ =	shalt  }
0x83: {  	_ =	shalt  }
0x84: {  	_ =	shalt  }
0x85: {  	_ =	shalt  }
0x86: {  	_ =	shalt  }
0x87: {  	_ =	shalt  }
.Lfunc_end0:
.L_simem_size_0:
called_computation.1_lowered:
.L_overlay_start_0:
0x88: {  	s2 =	sld [smem:$0x3FD9]  }
0x89: {  	s3 =	sld [smem:$0x3FFE];
	_ =	sdelay $0x1  }
0x8a: {  	s1 =	srdreg.scid  }
0x8b: {  	s0 =	sand.u32 $0x1, s1  }
0x8c: {  	s17 =	sshll.u32 s0, $0xA;
	s2 =	sadd.s32 s3, s2  }
0x8d: {  	s2 =	sadd.s32 s2, s17  }
0x8e: {  	[smem:$0x3FC0] =	sst s2  }
0x8f: {  	_ = 	snop  }
0x90: {  	s2 =	sld [smem:$0x3FD0];
	(tm) =	ssettm $0x1  }
0x91: {  	s18 =	sld [smem:$0x3FFB];
	_ =	sdelay $0x3  }
0x92: {  	_ =	strace s18  }
0x93: {  	s3 =	sld [smem:$0x3FFC];
	_ =	sdelay $0x3  }
0x94: {  	_ =	strace s3  }
0x95: {  	s3 =	sld [smem:$0x3FFD];
	_ =	sdelay $0x3  }
0x96: {  	_ =	strace s3  }
0x97: {  	_ =	strace $0x8FFFFFFF  }
0x98: {  	s19 =	sld [smem:$0x3FDB];
	_ =	sdelay $0x1  }
0x99: {  	s4 =	simm.s32 $_scs_section_size  }
0x9a: {  	s5 =	simm.s32 $_size__tile_overlayer_lowered;
	s6 =	simm.s32 $_tile_overlayer_lowered  }
0x9b: {  	s22 =	simm.s32 $0x1BFF;
	s21 =	sshll.u32 s6, $0x1;
	s3 =	sadd.s32 s4, s19  }
0x9c: {  	s7 =	simm.s32 $0x0;
	s20 =	sshll.u32 s5, $0x1;
	s5 =	sadd.s32 s21, s3  }
0x9d: {  	[timem:s7], [sflag:s22] =	dma.local [hbm:s5], s20  }
0x9e: {  	_ =	swait.ge [sflag:s22], s20  }
0x9f: {  	s4 =	ssub.s32 $0x0, s20;
	[sflag:s22] =	ssyncset.done $0x0  }
0xa0: {  	[sflag:s22] =	ssyncadd.s32 s4;
	_ =	sdelay $0x1  }
0xa1: {  	s23 =	simm.s32 $0x1B8B  }
0xa2: {  	_ =	swait.ge [sflag:s23], $0x1  }
0xa3: {  	[sflag:s23] =	ssyncset.done $0x0  }
0xa4: {  	s25 =	simm.s32 $0x1B8E;
	s24 =	sld [smem:$0x3FFE];
	[sflag:s23] =	ssyncadd.s32 $0xFFFFFFFF  }
0xa5: {  	s26 =	simm.s32 $execute0_lowered;
	[smem:$0x3FD2] =	sst s25  }
0xa6: {  	s5 =	sshll.u32 s26, $0x1;
	_ =	strace $0x80000049;
	[dreg:$0x1] =	wrdreg $0xFFFFFFFF  }
0xa7: {  	s28 =	simm.s32 $_size_execute0_lowered;
	s3 =	sadd.s32 s3, s5;
	[dreg:$0x0] =	wrdreg $0x0  }
0xa8: {  	s5 =	sshll.u32 s28, $0x1;
	[dreg:$0x2] =	wrdreg s3  }
0xa9: {  	[dreg:$0x3] =	wrdreg s5  }
0xaa: {  	[dreg:$0x4] =	wrdreg $0xC0  }
0xab: {  	_ =	task [dreg:s7], $0x5FFFF  }
0xac: {  	[dreg:$0x1] =	wrdreg $0xFFFFFFFF  }
0xad: {  	[dreg:$0x0] =	wrdreg $0x60  }
0xae: {  	[dreg:$0x2] =	wrdreg s2  }
0xaf: {  	[dreg:$0x3] =	wrdreg s24  }
0xb0: {  	[dreg:$0x4] =	wrdreg $0xB4000  }
0xb1: {  	[dreg:$0x5] =	wrdreg $0x9  }
0xb2: {  	_ =	task.clear_ibuf [dreg:s7], $0x6FFFF;
	_ =	strace $0x90000049  }
0xb3: {  	s29 =	simm.s32 $0x9;
	_ =	strace $0x8000004B  }
0xb4: {  	_ =	swait.ge [sflag:s29], $0x1  }
0xb5: {  	[sflag:s29] =	ssyncadd.s32 $0xFFFFFFFF  }
0xb6: {  	_ =	strace $0x9000004B  }
0xb7: {  	_ =	sfence  }
0xb8: {  	s30 =	sld [smem:$0x0];
	_ =	sdelay $0x2  }
0xb9: {  	s31 =	sshll.u32 s1, $0xD;
	s1 =	sshrl.u32 s1, $0x2  }
0xba: {  	s3 =	sand.u32 $0x4000, s31;
	s1 =	sadd.s32 s1, s30  }
0xbb: {  	s0 =	sor.u32 s3, s0;
	s1 =	sshll.u32 s1, $0x11  }
0xbc: {  	s0 =	sor.u32 s1, s0  }
0xbd: {  	s0 =	sadd.s32 $0x8F2B, s0  }
0xbe: {  	[sflag:s0] =	ssyncadd.remote.s32 $0x1  }
0xbf: {  	_ =	sfence.sel $0xFFFF  }
0xc0: {  	[dreg:$0x0] =	wrdreg $0xFFFFFFFF;
	(pc) =	sbr.abs _section_cstart, $3  }
0xc1: {  	[dreg:$0x1] =	wrdreg $0xFFFFFFFF  }
0xc2: {  	_ =	task.clear_ibuf [dreg:s7], $0x2FFFF;
	_ =	strace $0x9FFFFFFF  }
0xc3: {  	(tm) =	ssettm $0x7FFFFFFF  }
tec
execute0_lowered:
.L_overlay_start_1:
0x0: {  	(tag) =	ssettag $0x1  }
0x1: {  	s1 =	rddreg [dreg:$0x0]  }
0x2: {  	s0 =	rddreg [dreg:$0x1]  }
0x3: {  	s2 =	rddreg [dreg:$0x2]  }
0x4: {  	s3 =	simm.s32 $0x0;
	s4 =	srdreg.scid;
	s12 =	stileid.u32  }
0x5: {  	s28 =	simm.s32 $0x8400;
	s29 =	simm.s32 $0x9;
	s30 =	simm.s32 $0x400  }
0x6: {  	s31 =	simm.s32 $0x300;
	[smem:$0x7FF] =	sst s3;
	s4 =	sand.u32 $0x1, s4  }
0x7: {  	s5 =	sadd.s32 $0x2200, s0;
	s7 =	sadd.s32 $0x49600, s0;
	s8 =	smul.u32 $0x14000, s12  }
0x8: {  	s9 =	sshll.u32 s12, $0x1;
	s10 =	smul.u32 $0x50000, s12;
	s13 =	sadd.s32 $0x49610, s0  }
0x9: {  	s20 =	sadd.s32 $0x49810, s0;
	_ =	strace $0x8000004A;
	[dreg:$0x4] =	wrdreg s7  }
0xa: {  	s21 =	sadd.s32 $0x49A10, s0;
	s22 =	sadd.s32 $0x49C10, s0;
	[dreg:$0x5] =	wrdreg s13  }
0xb: {  	s6 =	smul.u32 $0x140000, s4;
	s7 =	sadd.s32 $0x17400, s0;
	[dreg:$0xc] =	wrdreg s20  }
0xc: {  	s9 =	sor.u32 s4, s9;
	s4 =	ssub.s32 $0x2, s4;
	[dreg:$0xd] =	wrdreg s21  }
0xd: {  	[dreg:$0xe] =	wrdreg s22;
	s20 =	simm.s32 $0x0;
	s11 =	smul.u32 $0x5100, s9  }
0xe: {  	s12 =	sshrl.u32 s4, $0x1;
	s14 =	sshrl.u32 s10, $0x2;
	s6 =	sadd.s32 s8, s6  }
0xf: {  	s8 =	smul.u32 $0x2C00, s9;
	s4 =	ssub.s32 s4, s12;
	s10 =	sadd.s32 s14, s2  }
0x10: {  	s9 =	simm.s32 $0x7;
	s12 =	simm.s32 $0x380;
	s6 =	sshrl.u32 s6, $0x3  }
0x11: {  	s15 =	sshrl.u32 s11, $0x3;
	s19 =	smax.u32 s4, $0x1;
	[dreg:$0x6] =	wrdreg s10  }
0x12: {  	s14 =	sadd.s32 $0x200, s11;
	s23 =	sadd.s32 $0x4000, s10;
	[dreg:$0xb] =	wrdreg s19  }
0x13: {  	s24 =	sadd.s32 $0x8000, s10;
	s25 =	sadd.s32 $0xC000, s10;
	[dreg:$0x10] =	wrdreg s23  }
0x14: {  	s26 =	sadd.s32 $0x10000, s10;
	s4 =	simm.s32 $0x4;
	[dreg:$0x11] =	wrdreg s24  }
0x15: {  	s6 =	sadd.s32 s6, s0;
	s13 =	sshrl.u32 s8, $0x3;
	[dreg:$0x12] =	wrdreg s25  }
0x16: {  	s16 =	sadd.s32 s1, s15;
	s0 =	sadd.s32 $0x49E10, s0;
	[dreg:$0x13] =	wrdreg s26  }
0x17: {  	s25 =	simm.s32 $0x80;
	s26 =	simm.s32 $0x100;
	s15 =	simm.s32 $0x4400  }
.Ltmp0:
0x18: {  	s19 =	simm.s32 $0x2;
	[dreg:$0x7] =	wrdreg s16;
	(pc) =	sbr.rel .LBB2_1-.Ltmp0, $4  }
0x19: {  	s17 =	sadd.s32 s5, s13;
	s3 =	sadd.s32 $0x20, s16;
	[dreg:$0xf] =	wrdreg s0  }
0x1a: {  	s18 =	sadd.s32 $0x4A000, s6;
	s6 =	simm.s32 $0x6;
	[dreg:$0x8] =	wrdreg s17  }
0x1b: {  	s13 =	simm.s32 $0x280;
	s16 =	simm.s32 $0x3;
	[dreg:$0x9] =	wrdreg s3  }
0x1c: {  	v0 =	vimm.f32 $0.0e+00;
	[dreg:$0xa] =	wrdreg s18;
	s17 =	simm.s32 $0x5;
	s18 =	simm.s32 $0x200  }
.LBB2_22:
0x1d: {  	_ =	swait.ge [sflag:s9], $0x4000  }
0x1e: {  	[sflag:s9] =	ssyncset.done $0x0  }
0x1f: {  	[sflag:s9] =	ssyncadd.s32 $0xFFFFC000  }
0x20: {  	s0 =	stileid.u32;
	[bflag:$0x0] =	sbarrier.arrive $0xFFFF  }
0x21: {  	s0 =	sshll.u32 s0, $0x6;
	s10 =	rddreg [dreg:$0x6]  }
0x22: {  	s0 =	sor.u32 $0x1C09, s0;
	s11 =	rddreg [dreg:$0xa];
	s3 =	sshrl.u32 s10, $0x3  }
0x23: {  	[hbm:s11], [sflag:s0] =	dma.local [spmem:s3], $0x2800  }
0x24: {  	_ =	swait.ge [sflag:s29], $0x2800  }
0x25: {  	s20 =	sadd.s32 $0x1, s20;
	s24 =	rddreg [dreg:$0xb]  }
0x26: {  	p0 =	sne.s32 s20, s24  }
.Ltmp1:
0x27: {  	_ = 	snop;
	(pc) =	sbr.rel @!p0 .LBB2_23-.Ltmp1, $3  }
0x28: {  	_ =	sdelay $0x1  }
0x29: {  	[sflag:s29] =	ssyncset.done $0x0  }
0x2a: {  	[sflag:s29] =	ssyncadd.s32 $0xFFFFD800  }
.LBB2_1:
0x2b: {  	s0 =	rddreg [dreg:$0x4]  }
0x2c: {  	[tilespmem:s28], [sflag:$0x9] =	stream.strided.gather [hbm4b:s0+s25], $0x2800, s26, s25, $0x38;
	[tilespmem:$0x1F400] =	vst v63  }
0x2d: {  	_ =	swait.ge [sflag:s29], $0x2800  }
0x2e: {  	[sflag:s29] =	ssyncset.done $0x0  }
0x2f: {  	s0 =	simm.s32 $0xAC00;
	s3 =	rddreg [dreg:$0x5];
	[sflag:s29] =	ssyncadd.s32 $0xFFFFD800  }
0x30: {  	[tilespmem:s0], [sflag:$0x9] =	stream.strided.gather [hbm4b:s3+s25], $0x800, s26, s25, $0x38;
	[tilespmem:$0x1F400] =	vst v63  }
0x31: {  	_ =	swait.ge [sflag:s29], $0x800  }
0x32: {  	[sflag:s29] =	ssyncset.done $0x0  }
0x33: {  	s24 =	simm.s32 $0x0;
	[sflag:s29] =	ssyncadd.s32 $0xFFFFF800  }
0x34: {  	s21 =	simm.s32 $0x10;
	s11 =	sand.u32 $0x7F0, s24;
	v1 =	vld [tilespmem:s0+$0x0]  }
.LBB2_2:
0x35: {  	p0 =	sne.s32 s21, $0x7F0;
	v2 =	vld [tilespmem:s11+$0x8400];
	_ =	sdelay $0x3  }
.Ltmp2:
0x36: {  	(pc) =	sbr.rel @p0 .LBB2_2-.Ltmp2, $3  }
0x37: {  	v1 =	vadd.f32 v1, v2;
	_ =	sdelay $0x1  }
0x38: {  	s0 =	sadd.s32 $0x10, s0;
	[tilespmem:s11+$0x8400] =	vst v1  }
0x39: {  	s11 =	sand.u32 $0x7F0, s21;
	s21 =	sadd.s32 $0x10, s21;
	v1 =	vld [tilespmem:s0+$0x0]  }
0x3a: {  	v2 =	vld [tilespmem:s11+$0x8400];
	_ =	sdelay $0x4  }
0x3b: {  	v1 =	vadd.f32 v1, v2;
	_ =	sdelay $0x1  }
0x3c: {  	s0 =	simm.s32 $0xAC00;
	s3 =	rddreg [dreg:$0xc];
	[tilespmem:s11+$0x8400] =	vst v1  }
0x3d: {  	[tilespmem:s0], [sflag:$0x9] =	stream.strided.gather [hbm4b:s3+s25], $0x800, s26, s25, $0x38;
	[tilespmem:$0x1F400] =	vst v63  }
0x3e: {  	_ =	swait.ge [sflag:s29], $0x800  }
0x3f: {  	[sflag:s29] =	ssyncset.done $0x0  }
0x40: {  	s24 =	simm.s32 $0x0;
	[sflag:s29] =	ssyncadd.s32 $0xFFFFF800  }
0x41: {  	s21 =	simm.s32 $0x10;
	s11 =	sand.u32 $0x7F0, s24;
	v1 =	vld [tilespmem:s0+$0x0]  }
.LBB2_4:
0x42: {  	p0 =	sne.s32 s21, $0x7F0;
	v2 =	vld [tilespmem:s11+$0x8C00];
	_ =	sdelay $0x3  }
.Ltmp3:
0x43: {  	(pc) =	sbr.rel @p0 .LBB2_4-.Ltmp3, $3  }
0x44: {  	v1 =	vadd.f32 v1, v2;
	_ =	sdelay $0x1  }
0x45: {  	s0 =	sadd.s32 $0x10, s0;
	[tilespmem:s11+$0x8C00] =	vst v1  }
0x46: {  	s11 =	sand.u32 $0x7F0, s21;
	s21 =	sadd.s32 $0x10, s21;
	v1 =	vld [tilespmem:s0+$0x0]  }
0x47: {  	v2 =	vld [tilespmem:s11+$0x8C00];
	_ =	sdelay $0x4  }
0x48: {  	v1 =	vadd.f32 v1, v2;
	_ =	sdelay $0x1  }
0x49: {  	s0 =	simm.s32 $0xAC00;
	s3 =	rddreg [dreg:$0xd];
	[tilespmem:s11+$0x8C00] =	vst v1  }
0x4a: {  	[tilespmem:s0], [sflag:$0x9] =	stream.strided.gather [hbm4b:s3+s25], $0x800, s26, s25, $0x38;
	[tilespmem:$0x1F400] =	vst v63  }
0x4b: {  	_ =	swait.ge [sflag:s29], $0x800  }
0x4c: {  	[sflag:s29] =	ssyncset.done $0x0  }
0x4d: {  	s24 =	simm.s32 $0x0;
	[sflag:s29] =	ssyncadd.s32 $0xFFFFF800  }
0x4e: {  	s21 =	simm.s32 $0x10;
	s11 =	sand.u32 $0x7F0, s24;
	v1 =	vld [tilespmem:s0+$0x0]  }
.LBB2_6:
0x4f: {  	p0 =	sne.s32 s21, $0x7F0;
	v2 =	vld [tilespmem:s11+$0x9400];
	_ =	sdelay $0x3  }
.Ltmp4:
0x50: {  	(pc) =	sbr.rel @p0 .LBB2_6-.Ltmp4, $3  }
0x51: {  	v1 =	vadd.f32 v1, v2;
	_ =	sdelay $0x1  }
0x52: {  	s0 =	sadd.s32 $0x10, s0;
	[tilespmem:s11+$0x9400] =	vst v1  }
0x53: {  	s11 =	sand.u32 $0x7F0, s21;
	s21 =	sadd.s32 $0x10, s21;
	v1 =	vld [tilespmem:s0+$0x0]  }
0x54: {  	v2 =	vld [tilespmem:s11+$0x9400];
	_ =	sdelay $0x4  }
0x55: {  	v1 =	vadd.f32 v1, v2;
	_ =	sdelay $0x1  }
0x56: {  	s0 =	simm.s32 $0xAC00;
	s3 =	rddreg [dreg:$0xe];
	[tilespmem:s11+$0x9400] =	vst v1  }
0x57: {  	[tilespmem:s0], [sflag:$0x9] =	stream.strided.gather [hbm4b:s3+s25], $0x800, s26, s25, $0x38;
	[tilespmem:$0x1F400] =	vst v63  }
0x58: {  	_ =	swait.ge [sflag:s29], $0x800  }
0x59: {  	[sflag:s29] =	ssyncset.done $0x0  }
0x5a: {  	s24 =	simm.s32 $0x0;
	[sflag:s29] =	ssyncadd.s32 $0xFFFFF800  }
0x5b: {  	s21 =	simm.s32 $0x10;
	s11 =	sand.u32 $0x7F0, s24;
	v1 =	vld [tilespmem:s0+$0x0]  }
.LBB2_8:
0x5c: {  	p0 =	sne.s32 s21, $0x7F0;
	v2 =	vld [tilespmem:s11+$0x9C00];
	_ =	sdelay $0x3  }
.Ltmp5:
0x5d: {  	(pc) =	sbr.rel @p0 .LBB2_8-.Ltmp5, $3  }
0x5e: {  	v1 =	vadd.f32 v1, v2;
	_ =	sdelay $0x1  }
0x5f: {  	s0 =	sadd.s32 $0x10, s0;
	[tilespmem:s11+$0x9C00] =	vst v1  }
0x60: {  	s11 =	sand.u32 $0x7F0, s21;
	s21 =	sadd.s32 $0x10, s21;
	v1 =	vld [tilespmem:s0+$0x0]  }
0x61: {  	v2 =	vld [tilespmem:s11+$0x9C00];
	_ =	sdelay $0x4  }
0x62: {  	v1 =	vadd.f32 v1, v2;
	_ =	sdelay $0x1  }
0x63: {  	s0 =	simm.s32 $0xAC00;
	s3 =	rddreg [dreg:$0xf];
	[tilespmem:s11+$0x9C00] =	vst v1  }
0x64: {  	[tilespmem:s0], [sflag:$0x9] =	stream.strided.gather [hbm4b:s3+s25], $0x800, s26, s25, $0x38;
	[tilespmem:$0x1F400] =	vst v63  }
0x65: {  	_ =	swait.ge [sflag:s29], $0x800  }
0x66: {  	[sflag:s29] =	ssyncset.done $0x0  }
0x67: {  	s24 =	simm.s32 $0x0;
	[sflag:s29] =	ssyncadd.s32 $0xFFFFF800  }
0x68: {  	s21 =	simm.s32 $0x10;
	s11 =	sand.u32 $0x7F0, s24;
	v1 =	vld [tilespmem:s0+$0x0]  }
.LBB2_10:
0x69: {  	p0 =	sne.s32 s21, $0x7F0;
	v2 =	vld [tilespmem:s11+$0xA400];
	_ =	sdelay $0x3  }
.Ltmp6:
0x6a: {  	(pc) =	sbr.rel @p0 .LBB2_10-.Ltmp6, $3  }
0x6b: {  	v1 =	vadd.f32 v1, v2;
	_ =	sdelay $0x1  }
0x6c: {  	s0 =	sadd.s32 $0x10, s0;
	[tilespmem:s11+$0xA400] =	vst v1  }
0x6d: {  	s11 =	sand.u32 $0x7F0, s21;
	s21 =	sadd.s32 $0x10, s21;
	v1 =	vld [tilespmem:s0+$0x0]  }
0x6e: {  	v2 =	vld [tilespmem:s11+$0xA400];
	_ =	sdelay $0x4  }
0x6f: {  	v1 =	vadd.f32 v1, v2;
	_ =	sdelay $0x1  }
0x70: {  	s0 =	simm.s32 $0x0;
	[tilespmem:s11+$0xA400] =	vst v1;
	s11 =	simm.s32 $0x200  }
.LBB2_12:
0x71: {  	p0 =	sne.s32 s11, $0xFE00;
	[tilespmem:s0+$0x470] =	vst v0  }
0x72: {  	[tilespmem:s0+$0x400] =	vst v0  }
0x73: {  	[tilespmem:s0+$0x410] =	vst v0  }
.Ltmp7:
0x74: {  	[tilespmem:s0+$0x420] =	vst v0;
	(pc) =	sbr.rel @p0 .LBB2_12-.Ltmp7, $4  }
0x75: {  	[tilespmem:s0+$0x430] =	vst v0  }
0x76: {  	[tilespmem:s0+$0x440] =	vst v0  }
0x77: {  	[tilespmem:s0+$0x450] =	vst v0  }
0x78: {  	[tilespmem:s0+$0x460] =	vst v0;
	s0 =	sshra.s32 s11, $0x2;
	s11 =	sadd.s32 $0x200, s11  }
0x79: {  	[tilespmem:s0+$0x470] =	vst v0  }
0x7a: {  	[tilespmem:s0+$0x400] =	vst v0  }
0x7b: {  	[tilespmem:s0+$0x410] =	vst v0  }
0x7c: {  	[tilespmem:s0+$0x420] =	vst v0  }
0x7d: {  	[tilespmem:s0+$0x430] =	vst v0  }
0x7e: {  	[tilespmem:s0+$0x440] =	vst v0  }
0x7f: {  	[tilespmem:s0+$0x450] =	vst v0  }
0x80: {  	[tilespmem:s0+$0x460] =	vst v0  }
0x81: {  	[spmem:s10] =	stream.linear.scatter [tilespmem:s30], [sflag:$0x9], $0x4000, $0x38;
	[tilespmem:$0x1F400] =	vst v63  }
0x82: {  	_ =	swait.ge [sflag:s29], $0x4000  }
0x83: {  	[sflag:s29] =	ssyncset.done $0x0  }
0x84: {  	s23 =	rddreg [dreg:$0x10];
	[sflag:s29] =	ssyncadd.s32 $0xFFFFC000  }
0x85: {  	[spmem:s23] =	stream.linear.scatter [tilespmem:s30], [sflag:$0x9], $0x4000, $0x38;
	[tilespmem:$0x1F400] =	vst v63  }
0x86: {  	_ =	swait.ge [sflag:s29], $0x4000  }
0x87: {  	[sflag:s29] =	ssyncset.done $0x0  }
0x88: {  	s24 =	rddreg [dreg:$0x11];
	[sflag:s29] =	ssyncadd.s32 $0xFFFFC000  }
0x89: {  	[spmem:s24] =	stream.linear.scatter [tilespmem:s30], [sflag:$0x9], $0x4000, $0x38;
	[tilespmem:$0x1F400] =	vst v63  }
0x8a: {  	_ =	swait.ge [sflag:s29], $0x4000  }
0x8b: {  	[sflag:s29] =	ssyncset.done $0x0  }
0x8c: {  	s3 =	rddreg [dreg:$0x12];
	[sflag:s29] =	ssyncadd.s32 $0xFFFFC000  }
0x8d: {  	[spmem:s3] =	stream.linear.scatter [tilespmem:s30], [sflag:$0x9], $0x4000, $0x38;
	[tilespmem:$0x1F400] =	vst v63  }
0x8e: {  	_ =	swait.ge [sflag:s29], $0x4000  }
0x8f: {  	[sflag:s29] =	ssyncset.done $0x0  }
0x90: {  	s10 =	rddreg [dreg:$0x13];
	[sflag:s29] =	ssyncadd.s32 $0xFFFFC000  }
0x91: {  	[spmem:s10] =	stream.linear.scatter [tilespmem:s30], [sflag:$0x9], $0x4000, $0x38;
	[tilespmem:$0x1F400] =	vst v63  }
0x92: {  	_ =	swait.ge [sflag:s29], $0x4000  }
0x93: {  	[sflag:s29] =	ssyncset.done $0x0  }
0x94: {  	[sflag:s29] =	ssyncadd.s32 $0xFFFFC000  }
0x95: {  	[bflag:$0x0] =	sbarrier.arrive $0xFFFF  }
0x96: {  	s21 =	simm.s32 $0x0;
	s11 =	rddreg [dreg:$0x7]  }
0x97: {  	[tilespmem:s21], [sflag:$0x1] =	stream.linear.gather [hbm4b:s11+s21], $0x100, $0x38;
	[tilespmem:$0x1F400] =	vst v63  }
0x98: {  	s22 =	rddreg [dreg:$0x8]  }
0x99: {  	[tilespmem:s31], [sflag:$0x3] =	stream.linear.gather [hbm4b:s22+s21], $0x80, $0x38;
	[tilespmem:$0x1F400] =	vst v63  }
0x9a: {  	s23 =	rddreg [dreg:$0x9]  }
0x9b: {  	[tilespmem:s26], [sflag:$0x2] =	stream.linear.gather [hbm4b:s23+s21], $0x100, $0x38;
	[tilespmem:$0x1F400] =	vst v63  }
.Ltmp8:
0x9c: {  	s24 =	simm.s32 $0x1;
	(pc) =	sbr.rel .LBB2_14-.Ltmp8, $4  }
0x9d: {  	_ =	swait.ge [sflag:s24], $0x100  }
0x9e: {  	[sflag:s24] =	ssyncset.done $0x0  }
0x9f: {  	[sflag:s24] =	ssyncadd.s32 $0xFFFFFF00  }
0xa0: {  	[tilespmem:s30], [sflag:$0x5] =	stream.indirect.gather [hbm4b:s7+s25], $0x80, s21, s25, $0xb8;
	[tilespmem:$0x1F400] =	vst v63  }
.LBB2_21:
0xa1: {  	s21 =	sadd.s32 $0x1, s21  }
0xa2: {  	p0 =	sne.s32 s21, $0x51  }
.Ltmp9:
0xa3: {  	_ = 	snop;
	(pc) =	sbr.rel @!p0 .LBB2_22-.Ltmp9, $1  }
0xa4: {  	_ =	sdelay $0x3  }
.LBB2_14:
0xa5: {  	s22 =	sand.u32 $0x1, s21  }
0xa6: {  	p0 =	seq.s32 s22, $0x1  }
.Ltmp10:
0xa7: {  	_ = 	snop;
	(pc) =	sbr.rel @p0 .LBB2_18-.Ltmp10, $1  }
0xa8: {  	_ =	sdelay $0x3  }
0xa9: {  	_ =	swait.ge [sflag:s16], $0x80  }
0xaa: {  	[sflag:s16] =	ssyncset.done $0x0  }
0xab: {  	[sflag:s16] =	ssyncadd.s32 $0xFFFFFF80  }
0xac: {  	v1 =	vld [tilespmem:$0x80];
	_ =	sdelay $0x6  }
0xad: {  	[tilespmem:$0x200] =	vst v1  }
0xae: {  	v1 =	vld.idx.msk [tilespmem:v1+s28+$0x0], $0xffff;
	_ =	sdelay $0x4  }
0xaf: {  	v1 =	vadd.f32 $1.000000020e-16, v1;
	_ =	sdelay $0x1  }
0xb0: {  	(erf) = vrcp.f32 v1;
	_ =	sdelay $0x3  }
0xb1: {  	v2 =	vld [tilespmem:$0x90]  }
0xb2: {  	v1 =	vld [tilespmem:$0x300];
	_ =	sdelay $0x3  }
0xb3: {  	v3 =	vpop (erf)  }
0xb4: {  	v1 =	vmul.f32 v3, v1  }
0xb5: {  	[tilespmem:$0x210] =	vst v2  }
0xb6: {  	[tilespmem:$0x300] =	vst v1  }
0xb7: {  	v1 =	vld.idx.msk [tilespmem:v2+s28+$0x0], $0xffff;
	_ =	sdelay $0x4  }
0xb8: {  	v1 =	vadd.f32 $1.000000020e-16, v1;
	_ =	sdelay $0x1  }
0xb9: {  	(erf) = vrcp.f32 v1;
	_ =	sdelay $0x3  }
0xba: {  	v2 =	vld [tilespmem:$0xA0]  }
0xbb: {  	v1 =	vld [tilespmem:$0x310];
	_ =	sdelay $0x3  }
0xbc: {  	v3 =	vpop (erf)  }
0xbd: {  	v1 =	vmul.f32 v3, v1  }
0xbe: {  	[tilespmem:$0x220] =	vst v2  }
0xbf: {  	[tilespmem:$0x310] =	vst v1  }
0xc0: {  	v1 =	vld.idx.msk [tilespmem:v2+s28+$0x0], $0xffff;
	_ =	sdelay $0x4  }
0xc1: {  	v1 =	vadd.f32 $1.000000020e-16, v1;
	_ =	sdelay $0x1  }
0xc2: {  	(erf) = vrcp.f32 v1;
	_ =	sdelay $0x3  }
0xc3: {  	v2 =	vld [tilespmem:$0xB0]  }
0xc4: {  	v1 =	vld [tilespmem:$0x320];
	_ =	sdelay $0x3  }
0xc5: {  	v3 =	vpop (erf)  }
0xc6: {  	v1 =	vmul.f32 v3, v1  }
0xc7: {  	[tilespmem:$0x230] =	vst v2  }
0xc8: {  	[tilespmem:$0x320] =	vst v1  }
0xc9: {  	v1 =	vld.idx.msk [tilespmem:v2+s28+$0x0], $0xffff;
	_ =	sdelay $0x4  }
0xca: {  	v1 =	vadd.f32 $1.000000020e-16, v1;
	_ =	sdelay $0x1  }
0xcb: {  	(erf) = vrcp.f32 v1;
	_ =	sdelay $0x3  }
0xcc: {  	v2 =	vld [tilespmem:$0xC0]  }
0xcd: {  	v1 =	vld [tilespmem:$0x330];
	_ =	sdelay $0x3  }
0xce: {  	v3 =	vpop (erf)  }
0xcf: {  	v1 =	vmul.f32 v3, v1  }
0xd0: {  	[tilespmem:$0x240] =	vst v2  }
0xd1: {  	[tilespmem:$0x330] =	vst v1  }
0xd2: {  	v1 =	vld.idx.msk [tilespmem:v2+s28+$0x0], $0xffff;
	_ =	sdelay $0x4  }
0xd3: {  	v1 =	vadd.f32 $1.000000020e-16, v1;
	_ =	sdelay $0x1  }
0xd4: {  	(erf) = vrcp.f32 v1;
	_ =	sdelay $0x3  }
0xd5: {  	v2 =	vld [tilespmem:$0xD0]  }
0xd6: {  	v1 =	vld [tilespmem:$0x340];
	_ =	sdelay $0x3  }
0xd7: {  	v3 =	vpop (erf)  }
0xd8: {  	v1 =	vmul.f32 v3, v1  }
0xd9: {  	[tilespmem:$0x250] =	vst v2  }
0xda: {  	[tilespmem:$0x340] =	vst v1  }
0xdb: {  	v1 =	vld.idx.msk [tilespmem:v2+s28+$0x0], $0xffff;
	_ =	sdelay $0x4  }
0xdc: {  	v1 =	vadd.f32 $1.000000020e-16, v1;
	_ =	sdelay $0x1  }
0xdd: {  	(erf) = vrcp.f32 v1;
	_ =	sdelay $0x3  }
0xde: {  	v2 =	vld [tilespmem:$0xE0]  }
0xdf: {  	v1 =	vld [tilespmem:$0x350];
	_ =	sdelay $0x3  }
0xe0: {  	v3 =	vpop (erf)  }
0xe1: {  	v1 =	vmul.f32 v3, v1  }
0xe2: {  	[tilespmem:$0x260] =	vst v2  }
0xe3: {  	[tilespmem:$0x350] =	vst v1  }
0xe4: {  	v1 =	vld.idx.msk [tilespmem:v2+s28+$0x0], $0xffff;
	_ =	sdelay $0x4  }
0xe5: {  	v1 =	vadd.f32 $1.000000020e-16, v1;
	_ =	sdelay $0x1  }
0xe6: {  	(erf) = vrcp.f32 v1;
	_ =	sdelay $0x3  }
0xe7: {  	v2 =	vld [tilespmem:$0xF0]  }
0xe8: {  	v1 =	vld [tilespmem:$0x360];
	_ =	sdelay $0x3  }
0xe9: {  	v3 =	vpop (erf)  }
0xea: {  	v1 =	vmul.f32 v3, v1  }
0xeb: {  	[tilespmem:$0x270] =	vst v2  }
0xec: {  	[tilespmem:$0x360] =	vst v1  }
0xed: {  	v1 =	vld.idx.msk [tilespmem:v2+s28+$0x0], $0xffff;
	_ =	sdelay $0x4  }
0xee: {  	v1 =	vadd.f32 $1.000000020e-16, v1;
	_ =	sdelay $0x1  }
0xef: {  	(erf) = vrcp.f32 v1;
	_ =	sdelay $0x4  }
0xf0: {  	v1 =	vld [tilespmem:$0x370];
	_ =	sdelay $0x3  }
0xf1: {  	v2 =	vpop (erf)  }
0xf2: {  	v1 =	vmul.f32 v2, v1  }
0xf3: {  	p0 =	sgt.u32 s21, $0x4E  }
0xf4: {  	s0 =	sshll.u32 @!p0 s21, $0x8;
	[tilespmem:$0x370] =	vst v1  }
0xf5: {  	s0 =	sadd.s32 @!p0 s0, s14;
	_ =	swait.ge [sflag:s17], $0x4000  }
0xf6: {  	s11 =	simm.s32 @!p0 $0x0;
	s0 =	sshrl.u32 @!p0 s0, $0x3;
	[sflag:s17] =	ssyncset.done $0x0  }
0xf7: {  	p1 =	seq.s32 @!p0 s21, $0x0;
	s0 =	sadd.s32 @!p0 s1, s0;
	[sflag:s17] =	ssyncadd.s32 $0xFFFFC000  }
0xf8: {  	[tilespmem:s11], [sflag:$0x1] =	stream.linear.gather @!p0 [hbm4b:s0+s11], $0x100, $0x38;
	[tilespmem:$0x1F400] =	vst v63  }
0xf9: {  	p0 =	por p0, !p1  }
0xfa: {  	s0 =	simm.s32 @p0 $0x8  }
0xfb: {  	p1 =	seq.s32 @p0 s21, $0x50;
	_ =	swait.ge @p0 [sflag:s0], $0x4000  }
0xfc: {  	p1 =	por !p0, !p1;
	[sflag:s0] =	ssyncset.done @p0 $0x0  }
0xfd: {  	[sflag:s0] =	ssyncadd.s32 @p0 $0xFFFFC000;
	s0 =	sshll.u32 @p1 s21, $0x7  }
0xfe: {  	s24 =	simm.s32 $0x0;
	_ =	swait.ge @p1 [sflag:s19], $0x100;
	s11 =	sand.u32 @p1 $0x3C00, s0  }
0xff: {  	v1 =	vmov s24;
	s0 =	sand.u32 @p1 $0x300, s0;
	[sflag:s19] =	ssyncset.done @p1 $0x0;
	s11 =	sadd.s32 @p1 s8, s11  }
0x100: {  	v1 =	vand.u32 $0xFFFFFFFC, v1;
	[sflag:s19] =	ssyncadd.s32 @p1 $0xFFFFFF00;
	s0 =	sor.u32 @p1 s11, s0  }
0x101: {  	v1 =	vbroadcast v1, $0x0;
	[tilespmem:s15], [sflag:$0x6] =	stream.indirect.gather @p1 [hbm4b:s7+s25], $0x80, s26, s25, $0xb8;
	[tilespmem:$0x1F400] =	vst v63  }
0x102: {  	s0 =	sor.u32 @p1 $0x80, s0  }
0x103: {  	s0 =	sshrl.u32 @p1 s0, $0x3  }
0x104: {  	s23 =	simm.s32 $0x500;
	s3 =	simm.s32 @p1 $0x0;
	s0 =	sadd.s32 @p1 s5, s0  }
0x105: {  	[tilespmem:s12], [sflag:$0x4] =	stream.linear.gather @p1 [hbm4b:s0+s3], $0x80, $0x38;
	[tilespmem:$0x1F400] =	vst v63  }
0x106: {  	v2 =	vld [tilespmem:s23+$0xFFFFFF70]  }
0x107: {  	v1 =	vld.idx.msk [tilespmem:v1+s31+$0x0], $0xffff  }
0x108: {  	v3 =	vld [tilespmem:s23+$0xFFFFFF00]  }
0x109: {  	v4 =	vld [tilespmem:s23+$0xFFFFFF20]  }
0x10a: {  	v5 =	vld [tilespmem:s23+$0xFFFFFF50]  }
0x10b: {  	v6 =	vld [tilespmem:s23+$0xFFFFFF40]  }
0x10c: {  	v7 =	vld [tilespmem:s23+$0xFFFFFF60];
	v2 =	vmul.f32 v2, v1  }
0x10d: {  	s10 =	simm.s32 $0x1;
	v8 =	vld [tilespmem:s23+$0xFFFFFF30];
	v3 =	vmul.f32 v3, v1  }
0x10e: {  	v9 =	vld [tilespmem:s23+$0xFFFFFF10];
	v4 =	vmul.f32 v4, v1;
	[tilespmem:s23+$0xFFFFFF70] =	vst v2;
	v2 =	vmov s10  }
0x10f: {  	v5 =	vmul.f32 v5, v1;
	[tilespmem:s23+$0xFFFFFF00] =	vst v3;
	v2 =	vand.u32 $0xFFFFFFFD, v2  }
0x110: {  	v3 =	vmul.f32 v6, v1;
	[tilespmem:s23+$0xFFFFFF20] =	vst v4;
	v2 =	vbroadcast v2, $0x0  }
0x111: {  	v4 =	vmul.f32 v7, v1;
	[tilespmem:s23+$0xFFFFFF50] =	vst v5  }
0x112: {  	v5 =	vmul.f32 v8, v1;
	[tilespmem:s23+$0xFFFFFF40] =	vst v3  }
0x113: {  	v1 =	vmul.f32 v9, v1;
	[tilespmem:s23+$0xFFFFFF60] =	vst v4  }
0x114: {  	[tilespmem:s23+$0xFFFFFF30] =	vst v5  }
0x115: {  	[tilespmem:s23+$0xFFFFFF10] =	vst v1;
	v1 =	vld [tilespmem:s23+$0xFFFFFF90]  }
0x116: {  	v3 =	vld.idx.msk [tilespmem:v2+s31+$0x0], $0xffff  }
0x117: {  	v2 =	vld [tilespmem:s23+$0xFFFFFFA0]  }
0x118: {  	v4 =	vld [tilespmem:s23+$0xFFFFFF80]  }
0x119: {  	v5 =	vld [tilespmem:s23+$0xFFFFFFB0]  }
0x11a: {  	v6 =	vld [tilespmem:s23+$0xFFFFFFC0]  }
0x11b: {  	v7 =	vld [tilespmem:s23+$0xFFFFFFD0];
	v1 =	vmul.f32 v1, v3  }
0x11c: {  	s11 =	simm.s32 $0x2;
	v8 =	vld [tilespmem:s23+$0xFFFFFFF0];
	v2 =	vmul.f32 v2, v3  }
0x11d: {  	v63 =	vld [tilespmem:s23+$0xFFFFFFE0];
	v4 =	vmul.f32 v4, v3;
	[tilespmem:s23+$0xFFFFFF90] =	vst v1;
	v1 =	vmov s11  }
0x11e: {  	v5 =	vmul.f32 v5, v3;
	[tilespmem:s23+$0xFFFFFFA0] =	vst v2;
	v1 =	vand.u32 $0xFFFFFFFE, v1  }
0x11f: {  	v2 =	vmul.f32 v6, v3;
	[tilespmem:s23+$0xFFFFFF80] =	vst v4;
	v6 =	vld [tilespmem:s23+$0x60];
	v10 =	vbroadcast v1, $0x0  }
0x120: {  	v4 =	vmul.f32 v7, v3;
	[tilespmem:s23+$0xFFFFFFB0] =	vst v5;
	v7 =	vld [tilespmem:s23+$0x0]  }
0x121: {  	v5 =	vmul.f32 v8, v3;
	v1 =	vld [tilespmem:s23+$0x20];
	[tilespmem:s23+$0xFFFFFFC0] =	vst v2  }
0x122: {  	v3 =	vmul.f32 v63, v3;
	v2 =	vld [tilespmem:s23+$0x30];
	[tilespmem:s23+$0xFFFFFFD0] =	vst v4  }
0x123: {  	[tilespmem:s23+$0xFFFFFFF0] =	vst v5;
	v4 =	vld [tilespmem:s23+$0x40]  }
0x124: {  	[tilespmem:s23+$0xFFFFFFE0] =	vst v3;
	v5 =	vld [tilespmem:s23+$0x10]  }
0x125: {  	s0 =	simm.s32 $0x500;
	s11 =	simm.s32 $0x4;
	v3 =	vld.idx.msk [tilespmem:v10+s31+$0x0], $0xffff  }
.LBB2_16:
0x126: {  	p0 =	slt.u32 s11, $0x7C  }
0x127: {  	v8 =	vld [tilespmem:s23+$0x50];
	s0 =	sadd.s32 $0x200, s0;
	s10 =	smov.u32 s11;
	s11 =	sadd.s32 $0x4, s11  }
0x128: {  	v9 =	vld [tilespmem:s23+$0x70];
	_ =	sdelay $0x1  }
0x129: {  	v6 =	vmul.f32 v6, v3;
	v7 =	vmul.f32 v7, v3  }
0x12a: {  	v4 =	vmul.f32 v4, v3;
	v5 =	vmul.f32 v5, v3  }
0x12b: {  	v1 =	vmul.f32 v1, v3;
	v2 =	vmul.f32 v2, v3;
	[tilespmem:s23+$0x60] =	vst v6  }
0x12c: {  	[tilespmem:s23+$0x40] =	vst v4;
	v4 =	vmul.f32 v8, v3;
	v3 =	vmul.f32 v9, v3  }
0x12d: {  	s3 =	sadd.s32 $0x3, s24;
	s24 =	smov.u32 s10;
	[tilespmem:s23+$0x20] =	vst v1;
	v6 =	vld [tilespmem:s23+$0x80]  }
0x12e: {  	v1 =	vld [tilespmem:s0+$0x20];
	[tilespmem:s23+$0x0] =	vst v7;
	v7 =	vmov s3  }
0x12f: {  	[tilespmem:s23+$0x50] =	vst v4;
	v4 =	vld [tilespmem:s23+$0xE0]  }
0x130: {  	[tilespmem:s23+$0x30] =	vst v2;
	v8 =	vld [tilespmem:s23+$0xC0]  }
0x131: {  	v2 =	vld [tilespmem:s0+$0x30];
	[tilespmem:s23+$0x10] =	vst v5  }
0x132: {  	[tilespmem:s23+$0x70] =	vst v3;
	v3 =	vld [tilespmem:s23+$0xA0]  }
0x133: {  	v5 =	vld.idx.msk [tilespmem:v7+s31+$0x0], $0xffff  }
0x134: {  	v7 =	vld [tilespmem:s23+$0x90]  }
0x135: {  	v9 =	vld [tilespmem:s23+$0xB0]  }
0x136: {  	v10 =	vld [tilespmem:s23+$0xD0]  }
0x137: {  	v11 =	vld [tilespmem:s23+$0xF0];
	_ =	sdelay $0x1  }
0x138: {  	v6 =	vmul.f32 v6, v5;
	v7 =	vmul.f32 v7, v5  }
0x139: {  	v3 =	vmul.f32 v3, v5;
	v9 =	vmul.f32 v9, v5  }
0x13a: {  	v12 =	vmov s24;
	[tilespmem:s23+$0x80] =	vst v6;
	v6 =	vmul.f32 v8, v5;
	v8 =	vmul.f32 v10, v5  }
0x13b: {  	v10 =	vand.u32 $0xFFFFFFFC, v12;
	[tilespmem:s23+$0xA0] =	vst v3;
	v3 =	vmul.f32 v4, v5;
	v4 =	vmul.f32 v11, v5  }
0x13c: {  	v5 =	vbroadcast v10, $0x0;
	[tilespmem:s23+$0xC0] =	vst v6  }
0x13d: {  	[tilespmem:s23+$0xF0] =	vst v4  }
0x13e: {  	v4 =	vld [tilespmem:s0+$0xFFFFFF40];
	[tilespmem:s23+$0xE0] =	vst v3  }
0x13f: {  	v3 =	vld [tilespmem:s0+$0xFFFFFF50];
	[tilespmem:s23+$0x90] =	vst v7  }
0x140: {  	v6 =	vld [tilespmem:s0+$0xFFFFFF60];
	[tilespmem:s23+$0xB0] =	vst v9  }
0x141: {  	v7 =	vld [tilespmem:s0+$0xFFFFFF70];
	[tilespmem:s23+$0xD0] =	vst v8;
	s23 =	smov.u32 s0  }
0x142: {  	v5 =	vld.idx.msk [tilespmem:v5+s31+$0x0], $0xffff  }
0x143: {  	v8 =	vld [tilespmem:s0+$0xFFFFFF00]  }
0x144: {  	v9 =	vld [tilespmem:s0+$0xFFFFFF20]  }
0x145: {  	v10 =	vld [tilespmem:s0+$0xFFFFFF10]  }
0x146: {  	v11 =	vld [tilespmem:s0+$0xFFFFFF30];
	_ =	sdelay $0x1  }
0x147: {  	v7 =	vmul.f32 v7, v5;
	v8 =	vmul.f32 v8, v5  }
0x148: {  	s3 =	sadd.s32 $0x1, s24;
	v6 =	vmul.f32 v6, v5;
	v9 =	vmul.f32 v9, v5  }
0x149: {  	v3 =	vmul.f32 v3, v5;
	v10 =	vmul.f32 v10, v5;
	[tilespmem:s0+$0xFFFFFF70] =	vst v7;
	v7 =	vmov s3  }
0x14a: {  	v4 =	vmul.f32 v4, v5;
	[tilespmem:s0+$0xFFFFFF00] =	vst v8;
	v8 =	vmul.f32 v11, v5;
	v5 =	vand.u32 $0xFFFFFFFD, v7  }
0x14b: {  	[tilespmem:s0+$0xFFFFFF20] =	vst v9;
	v5 =	vbroadcast v5, $0x0  }
0x14c: {  	[tilespmem:s0+$0xFFFFFF50] =	vst v3  }
0x14d: {  	[tilespmem:s0+$0xFFFFFF40] =	vst v4;
	v3 =	vld [tilespmem:s0+$0xFFFFFFF0]  }
0x14e: {  	[tilespmem:s0+$0xFFFFFF60] =	vst v6;
	v4 =	vld [tilespmem:s0+$0xFFFFFFC0]  }
0x14f: {  	[tilespmem:s0+$0xFFFFFF30] =	vst v8;
	v6 =	vld [tilespmem:s0+$0xFFFFFFD0]  }
0x150: {  	[tilespmem:s0+$0xFFFFFF10] =	vst v10;
	v7 =	vld [tilespmem:s0+$0xFFFFFF90]  }
0x151: {  	v5 =	vld.idx.msk [tilespmem:v5+s31+$0x0], $0xffff  }
0x152: {  	v8 =	vld [tilespmem:s0+$0xFFFFFF80]  }
0x153: {  	v9 =	vld [tilespmem:s0+$0xFFFFFFA0]  }
0x154: {  	v10 =	vld [tilespmem:s0+$0xFFFFFFB0]  }
0x155: {  	v11 =	vld [tilespmem:s0+$0xFFFFFFE0];
	_ =	sdelay $0x1  }
0x156: {  	v7 =	vmul.f32 v7, v5;
	v8 =	vmul.f32 v8, v5  }
0x157: {  	s3 =	sadd.s32 $0x2, s24;
	v6 =	vmul.f32 v6, v5;
	v9 =	vmul.f32 v9, v5  }
0x158: {  	v4 =	vmul.f32 v4, v5;
	[tilespmem:s0+$0xFFFFFF90] =	vst v7;
	v7 =	vmul.f32 v10, v5;
	v10 =	vmov s3  }
0x159: {  	v3 =	vmul.f32 v3, v5;
	[tilespmem:s0+$0xFFFFFFA0] =	vst v9;
	v9 =	vmul.f32 v11, v5;
	v5 =	vand.u32 $0xFFFFFFFE, v10  }
0x15a: {  	[tilespmem:s0+$0xFFFFFF80] =	vst v8;
	v5 =	vbroadcast v5, $0x0  }
0x15b: {  	[tilespmem:s0+$0xFFFFFFB0] =	vst v7  }
0x15c: {  	[tilespmem:s0+$0xFFFFFFC0] =	vst v4  }
0x15d: {  	[tilespmem:s0+$0xFFFFFFD0] =	vst v6  }
.Ltmp11:
0x15e: {  	[tilespmem:s0+$0xFFFFFFF0] =	vst v3;
	v4 =	vld [tilespmem:s0+$0x40];
	(pc) =	sbr.rel @p0 .LBB2_16-.Ltmp11, $4  }
0x15f: {  	[tilespmem:s0+$0xFFFFFFE0] =	vst v9;
	v6 =	vld [tilespmem:s0+$0x60]  }
0x160: {  	v3 =	vld.idx.msk [tilespmem:v5+s31+$0x0], $0xffff  }
0x161: {  	v7 =	vld [tilespmem:s0+$0x0]  }
0x162: {  	v5 =	vld [tilespmem:s0+$0x10]  }
0x163: {  	_ =	sdelay $0x1  }
0x164: {  	v6 =	vmul.f32 v6, v3  }
0x165: {  	v8 =	vld [tilespmem:s23+$0x50];
	v4 =	vmul.f32 v4, v3  }
0x166: {  	v9 =	vld [tilespmem:s23+$0x70];
	v1 =	vmul.f32 v1, v3;
	[tilespmem:s23+$0x60] =	vst v6  }
0x167: {  	v54 =	vmul.f32 v7, v3;
	[tilespmem:s23+$0x40] =	vst v4  }
0x168: {  	s0 =	sadd.s32 $0x3, s24;
	[tilespmem:s23+$0x20] =	vst v1;
	v1 =	vmul.f32 v2, v3  }
0x169: {  	v56 =	vmov s0;
	v5 =	vmul.f32 v5, v3;
	[tilespmem:s23+$0x0] =	vst v54  }
0x16a: {  	v55 =	vmul.f32 v8, v3;
	[tilespmem:s23+$0x30] =	vst v1  }
0x16b: {  	v3 =	vmul.f32 v9, v3;
	[tilespmem:s23+$0x10] =	vst v5  }
0x16c: {  	[tilespmem:s23+$0x50] =	vst v55  }
0x16d: {  	v2 =	vld [tilespmem:s23+$0x80];
	[tilespmem:s23+$0x70] =	vst v3  }
0x16e: {  	v1 =	vld.idx.msk [tilespmem:v56+s31+$0x0], $0xffff  }
0x16f: {  	v3 =	vld [tilespmem:s23+$0xA0]  }
0x170: {  	v59 =	vld [tilespmem:s23+$0xE0]  }
0x171: {  	v57 =	vld [tilespmem:s23+$0xC0]  }
0x172: {  	v58 =	vld [tilespmem:s23+$0xF0]  }
0x173: {  	v60 =	vld [tilespmem:s23+$0x90];
	v2 =	vmul.f32 v2, v1  }
0x174: {  	v61 =	vld [tilespmem:s23+$0xB0];
	v3 =	vmul.f32 v3, v1  }
0x175: {  	v62 =	vld [tilespmem:s23+$0xD0];
	v63 =	vmul.f32 v59, v1;
	[tilespmem:s23+$0x80] =	vst v2  }
0x176: {  	v2 =	vmul.f32 v57, v1;
	[tilespmem:s23+$0xA0] =	vst v3  }
0x177: {  	v3 =	vmul.f32 v58, v1;
	[tilespmem:s23+$0xE0] =	vst v63  }
0x178: {  	p0 =	seq.s32 s22, $0x0;
	[tilespmem:s23+$0xC0] =	vst v2;
	v2 =	vmul.f32 v60, v1  }
.Ltmp12:
0x179: {  	[tilespmem:s23+$0xF0] =	vst v3;
	v3 =	vmul.f32 v61, v1;
	(pc) =	sbr.rel @p0 .LBB2_21-.Ltmp12, $4  }
0x17a: {  	v1 =	vmul.f32 v62, v1;
	[tilespmem:s23+$0x90] =	vst v2  }
0x17b: {  	[tilespmem:s23+$0xB0] =	vst v3  }
0x17c: {  	[tilespmem:s23+$0xD0] =	vst v1  }
0x17d: {  	[spmem:s2] =	stream.indirect.scatter.add.f32 [tilespmem:s30], [sflag:$0x7], $0x80, s18, s25, $0xb8;
	[tilespmem:$0x1F400] =	vst v63  }
.LBB2_18:
0x17e: {  	_ =	swait.ge [sflag:s4], $0x80  }
0x17f: {  	[sflag:s4] =	ssyncset.done $0x0  }
0x180: {  	[sflag:s4] =	ssyncadd.s32 $0xFFFFFF80  }
0x181: {  	v1 =	vld [tilespmem:$0x180];
	_ =	sdelay $0x6  }
0x182: {  	[tilespmem:$0x280] =	vst v1  }
0x183: {  	v1 =	vld.idx.msk [tilespmem:v1+s28+$0x0], $0xffff;
	_ =	sdelay $0x4  }
0x184: {  	v1 =	vadd.f32 $1.000000020e-16, v1;
	_ =	sdelay $0x1  }
0x185: {  	(erf) = vrcp.f32 v1;
	_ =	sdelay $0x3  }
0x186: {  	v2 =	vld [tilespmem:$0x190]  }
0x187: {  	v1 =	vld [tilespmem:$0x380];
	_ =	sdelay $0x3  }
0x188: {  	v3 =	vpop (erf)  }
0x189: {  	v1 =	vmul.f32 v3, v1  }
0x18a: {  	[tilespmem:$0x290] =	vst v2  }
0x18b: {  	[tilespmem:$0x380] =	vst v1  }
0x18c: {  	v1 =	vld.idx.msk [tilespmem:v2+s28+$0x0], $0xffff;
	_ =	sdelay $0x4  }
0x18d: {  	v1 =	vadd.f32 $1.000000020e-16, v1;
	_ =	sdelay $0x1  }
0x18e: {  	(erf) = vrcp.f32 v1;
	_ =	sdelay $0x3  }
0x18f: {  	v2 =	vld [tilespmem:$0x1A0]  }
0x190: {  	v1 =	vld [tilespmem:$0x390];
	_ =	sdelay $0x3  }
0x191: {  	v3 =	vpop (erf)  }
0x192: {  	v1 =	vmul.f32 v3, v1  }
0x193: {  	[tilespmem:$0x2A0] =	vst v2  }
0x194: {  	[tilespmem:$0x390] =	vst v1  }
0x195: {  	v1 =	vld.idx.msk [tilespmem:v2+s28+$0x0], $0xffff;
	_ =	sdelay $0x4  }
0x196: {  	v1 =	vadd.f32 $1.000000020e-16, v1;
	_ =	sdelay $0x1  }
0x197: {  	(erf) = vrcp.f32 v1;
	_ =	sdelay $0x3  }
0x198: {  	v2 =	vld [tilespmem:$0x1B0]  }
0x199: {  	v1 =	vld [tilespmem:$0x3A0];
	_ =	sdelay $0x3  }
0x19a: {  	v3 =	vpop (erf)  }
0x19b: {  	v1 =	vmul.f32 v3, v1  }
0x19c: {  	[tilespmem:$0x2B0] =	vst v2  }
0x19d: {  	[tilespmem:$0x3A0] =	vst v1  }
0x19e: {  	v1 =	vld.idx.msk [tilespmem:v2+s28+$0x0], $0xffff;
	_ =	sdelay $0x4  }
0x19f: {  	v1 =	vadd.f32 $1.000000020e-16, v1;
	_ =	sdelay $0x1  }
0x1a0: {  	(erf) = vrcp.f32 v1;
	_ =	sdelay $0x3  }
0x1a1: {  	v2 =	vld [tilespmem:$0x1C0]  }
0x1a2: {  	v1 =	vld [tilespmem:$0x3B0];
	_ =	sdelay $0x3  }
0x1a3: {  	v3 =	vpop (erf)  }
0x1a4: {  	v1 =	vmul.f32 v3, v1  }
0x1a5: {  	[tilespmem:$0x2C0] =	vst v2  }
0x1a6: {  	[tilespmem:$0x3B0] =	vst v1  }
0x1a7: {  	v1 =	vld.idx.msk [tilespmem:v2+s28+$0x0], $0xffff;
	_ =	sdelay $0x4  }
0x1a8: {  	v1 =	vadd.f32 $1.000000020e-16, v1;
	_ =	sdelay $0x1  }
0x1a9: {  	(erf) = vrcp.f32 v1;
	_ =	sdelay $0x3  }
0x1aa: {  	v2 =	vld [tilespmem:$0x1D0]  }
0x1ab: {  	v1 =	vld [tilespmem:$0x3C0];
	_ =	sdelay $0x3  }
0x1ac: {  	v3 =	vpop (erf)  }
0x1ad: {  	v1 =	vmul.f32 v3, v1  }
0x1ae: {  	[tilespmem:$0x2D0] =	vst v2  }
0x1af: {  	[tilespmem:$0x3C0] =	vst v1  }
0x1b0: {  	v1 =	vld.idx.msk [tilespmem:v2+s28+$0x0], $0xffff;
	_ =	sdelay $0x4  }
0x1b1: {  	v1 =	vadd.f32 $1.000000020e-16, v1;
	_ =	sdelay $0x1  }
0x1b2: {  	(erf) = vrcp.f32 v1;
	_ =	sdelay $0x3  }
0x1b3: {  	v2 =	vld [tilespmem:$0x1E0]  }
0x1b4: {  	v1 =	vld [tilespmem:$0x3D0];
	_ =	sdelay $0x3  }
0x1b5: {  	v3 =	vpop (erf)  }
0x1b6: {  	v1 =	vmul.f32 v3, v1  }
0x1b7: {  	[tilespmem:$0x2E0] =	vst v2  }
0x1b8: {  	[tilespmem:$0x3D0] =	vst v1  }
0x1b9: {  	v1 =	vld.idx.msk [tilespmem:v2+s28+$0x0], $0xffff;
	_ =	sdelay $0x4  }
0x1ba: {  	v1 =	vadd.f32 $1.000000020e-16, v1;
	_ =	sdelay $0x1  }
0x1bb: {  	(erf) = vrcp.f32 v1;
	_ =	sdelay $0x3  }
0x1bc: {  	v2 =	vld [tilespmem:$0x1F0]  }
0x1bd: {  	v1 =	vld [tilespmem:$0x3E0];
	_ =	sdelay $0x3  }
0x1be: {  	v3 =	vpop (erf)  }
0x1bf: {  	v1 =	vmul.f32 v3, v1  }
0x1c0: {  	[tilespmem:$0x2F0] =	vst v2  }
0x1c1: {  	[tilespmem:$0x3E0] =	vst v1  }
0x1c2: {  	v1 =	vld.idx.msk [tilespmem:v2+s28+$0x0], $0xffff;
	_ =	sdelay $0x4  }
0x1c3: {  	v1 =	vadd.f32 $1.000000020e-16, v1;
	_ =	sdelay $0x1  }
0x1c4: {  	(erf) = vrcp.f32 v1;
	_ =	sdelay $0x4  }
0x1c5: {  	v1 =	vld [tilespmem:$0x3F0];
	_ =	sdelay $0x3  }
0x1c6: {  	v2 =	vpop (erf)  }
0x1c7: {  	v1 =	vmul.f32 v2, v1  }
0x1c8: {  	p0 =	sgt.u32 s21, $0x4E  }
0x1c9: {  	s0 =	sshll.u32 @!p0 s21, $0x8;
	[tilespmem:$0x3F0] =	vst v1  }
0x1ca: {  	s0 =	sadd.s32 @!p0 s0, s14;
	_ =	swait.ge [sflag:s6], $0x4000  }
0x1cb: {  	s3 =	simm.s32 @!p0 $0x0;
	s0 =	sshrl.u32 @!p0 s0, $0x3;
	[sflag:s6] =	ssyncset.done $0x0  }
0x1cc: {  	s10 =	simm.s32 @!p0 $0x100;
	s0 =	sadd.s32 @!p0 s1, s0;
	[sflag:s6] =	ssyncadd.s32 $0xFFFFC000  }
0x1cd: {  	[tilespmem:s10], [sflag:$0x2] =	stream.linear.gather @!p0 [hbm4b:s0+s3], $0x100, $0x38;
	[tilespmem:$0x1F400] =	vst v63  }
0x1ce: {  	_ =	swait.ge [sflag:s9], $0x4000  }
0x1cf: {  	p0 =	seq.s32 s21, $0x50;
	[sflag:s9] =	ssyncset.done $0x0  }
0x1d0: {  	s0 =	simm.s32 @!p0 $0x1;
	[sflag:s9] =	ssyncadd.s32 $0xFFFFC000  }
0x1d1: {  	_ =	swait.ge @!p0 [sflag:s0], $0x100  }
0x1d2: {  	s3 =	simm.s32 @!p0 $0x0;
	[sflag:s0] =	ssyncset.done @!p0 $0x0  }
0x1d3: {  	s10 =	simm.s32 @!p0 $0x400;
	[sflag:s0] =	ssyncadd.s32 @!p0 $0xFFFFFF00;
	s0 =	simm.s32 @!p0 $0x80  }
0x1d4: {  	[tilespmem:s10], [sflag:$0x5] =	stream.indirect.gather @!p0 [hbm4b:s7+s0], $0x80, s3, s0, $0xb8;
	[tilespmem:$0x1F400] =	vst v63  }
0x1d5: {  	s23 =	simm.s32 $0x0;
	s0 =	sshll.u32 @!p0 s21, $0x7  }
0x1d6: {  	v1 =	vmov s23;
	s0 =	sadd.s32 @!p0 $0x80, s0  }
0x1d7: {  	v1 =	vand.u32 $0xFFFFFFFC, v1;
	s10 =	sand.u32 @!p0 $0x7C00, s0  }
0x1d8: {  	v1 =	vbroadcast v1, $0x0;
	s0 =	sand.u32 @!p0 $0x380, s0;
	s10 =	sadd.s32 @!p0 s8, s10  }
0x1d9: {  	s0 =	sor.u32 @!p0 s0, s10  }
0x1da: {  	s0 =	sshrl.u32 @!p0 s0, $0x3  }
0x1db: {  	s22 =	simm.s32 $0x4500;
	s10 =	simm.s32 @!p0 $0x300;
	s0 =	sadd.s32 @!p0 s5, s0  }
0x1dc: {  	[tilespmem:s10], [sflag:$0x3] =	stream.linear.gather @!p0 [hbm4b:s0+s3], $0x80, $0x38;
	[tilespmem:$0x1F400] =	vst v63  }
0x1dd: {  	v2 =	vld [tilespmem:s22+$0xFFFFFF70]  }
0x1de: {  	v1 =	vld.idx.msk [tilespmem:v1+s12+$0x0], $0xffff  }
0x1df: {  	v3 =	vld [tilespmem:s22+$0xFFFFFF00]  }
0x1e0: {  	v4 =	vld [tilespmem:s22+$0xFFFFFF20]  }
0x1e1: {  	v5 =	vld [tilespmem:s22+$0xFFFFFF50]  }
0x1e2: {  	v6 =	vld [tilespmem:s22+$0xFFFFFF40]  }
0x1e3: {  	v7 =	vld [tilespmem:s22+$0xFFFFFF60];
	v2 =	vmul.f32 v2, v1  }
0x1e4: {  	s11 =	simm.s32 $0x1;
	v8 =	vld [tilespmem:s22+$0xFFFFFF30];
	v3 =	vmul.f32 v3, v1  }
0x1e5: {  	v9 =	vld [tilespmem:s22+$0xFFFFFF10];
	v4 =	vmul.f32 v4, v1;
	[tilespmem:s22+$0xFFFFFF70] =	vst v2;
	v2 =	vmov s11  }
0x1e6: {  	v5 =	vmul.f32 v5, v1;
	[tilespmem:s22+$0xFFFFFF00] =	vst v3;
	v2 =	vand.u32 $0xFFFFFFFD, v2  }
0x1e7: {  	v3 =	vmul.f32 v6, v1;
	[tilespmem:s22+$0xFFFFFF20] =	vst v4;
	v2 =	vbroadcast v2, $0x0  }
0x1e8: {  	v4 =	vmul.f32 v7, v1;
	[tilespmem:s22+$0xFFFFFF50] =	vst v5  }
0x1e9: {  	v5 =	vmul.f32 v8, v1;
	[tilespmem:s22+$0xFFFFFF40] =	vst v3  }
0x1ea: {  	v1 =	vmul.f32 v9, v1;
	[tilespmem:s22+$0xFFFFFF60] =	vst v4  }
0x1eb: {  	[tilespmem:s22+$0xFFFFFF30] =	vst v5  }
0x1ec: {  	[tilespmem:s22+$0xFFFFFF10] =	vst v1;
	v1 =	vld [tilespmem:s22+$0xFFFFFF90]  }
0x1ed: {  	v3 =	vld.idx.msk [tilespmem:v2+s12+$0x0], $0xffff  }
0x1ee: {  	v2 =	vld [tilespmem:s22+$0xFFFFFFA0]  }
0x1ef: {  	v4 =	vld [tilespmem:s22+$0xFFFFFF80]  }
0x1f0: {  	v5 =	vld [tilespmem:s22+$0xFFFFFFB0]  }
0x1f1: {  	v6 =	vld [tilespmem:s22+$0xFFFFFFC0]  }
0x1f2: {  	v7 =	vld [tilespmem:s22+$0xFFFFFFD0];
	v1 =	vmul.f32 v1, v3  }
0x1f3: {  	s24 =	simm.s32 $0x2;
	v8 =	vld [tilespmem:s22+$0xFFFFFFF0];
	v2 =	vmul.f32 v2, v3  }
0x1f4: {  	v63 =	vld [tilespmem:s22+$0xFFFFFFE0];
	v4 =	vmul.f32 v4, v3;
	[tilespmem:s22+$0xFFFFFF90] =	vst v1;
	v1 =	vmov s24  }
0x1f5: {  	v5 =	vmul.f32 v5, v3;
	[tilespmem:s22+$0xFFFFFFA0] =	vst v2;
	v1 =	vand.u32 $0xFFFFFFFE, v1  }
0x1f6: {  	v2 =	vmul.f32 v6, v3;
	[tilespmem:s22+$0xFFFFFF80] =	vst v4;
	v6 =	vld [tilespmem:s22+$0x60];
	v10 =	vbroadcast v1, $0x0  }
0x1f7: {  	v4 =	vmul.f32 v7, v3;
	[tilespmem:s22+$0xFFFFFFB0] =	vst v5;
	v7 =	vld [tilespmem:s22+$0x0]  }
0x1f8: {  	v5 =	vmul.f32 v8, v3;
	v1 =	vld [tilespmem:s22+$0x20];
	[tilespmem:s22+$0xFFFFFFC0] =	vst v2  }
0x1f9: {  	v3 =	vmul.f32 v63, v3;
	v2 =	vld [tilespmem:s22+$0x30];
	[tilespmem:s22+$0xFFFFFFD0] =	vst v4  }
0x1fa: {  	[tilespmem:s22+$0xFFFFFFF0] =	vst v5;
	v4 =	vld [tilespmem:s22+$0x40]  }
0x1fb: {  	[tilespmem:s22+$0xFFFFFFE0] =	vst v3;
	v5 =	vld [tilespmem:s22+$0x10]  }
0x1fc: {  	s0 =	simm.s32 $0x4500;
	s11 =	simm.s32 $0x4;
	v3 =	vld.idx.msk [tilespmem:v10+s12+$0x0], $0xffff  }
.LBB2_19:
0x1fd: {  	p0 =	slt.u32 s11, $0x7C  }
0x1fe: {  	v8 =	vld [tilespmem:s22+$0x50];
	s0 =	sadd.s32 $0x200, s0;
	s3 =	smov.u32 s11;
	s11 =	sadd.s32 $0x4, s11  }
0x1ff: {  	v9 =	vld [tilespmem:s22+$0x70];
	_ =	sdelay $0x1  }
0x200: {  	v6 =	vmul.f32 v6, v3;
	v7 =	vmul.f32 v7, v3  }
0x201: {  	v4 =	vmul.f32 v4, v3;
	v5 =	vmul.f32 v5, v3  }
0x202: {  	v1 =	vmul.f32 v1, v3;
	v2 =	vmul.f32 v2, v3;
	[tilespmem:s22+$0x60] =	vst v6  }
0x203: {  	[tilespmem:s22+$0x40] =	vst v4;
	v4 =	vmul.f32 v8, v3;
	v3 =	vmul.f32 v9, v3  }
0x204: {  	s10 =	sadd.s32 $0x3, s23;
	s23 =	smov.u32 s3;
	[tilespmem:s22+$0x20] =	vst v1;
	v6 =	vld [tilespmem:s22+$0x80]  }
0x205: {  	v1 =	vld [tilespmem:s0+$0x20];
	[tilespmem:s22+$0x0] =	vst v7;
	v7 =	vmov s10  }
0x206: {  	[tilespmem:s22+$0x50] =	vst v4;
	v4 =	vld [tilespmem:s22+$0xE0]  }
0x207: {  	[tilespmem:s22+$0x30] =	vst v2;
	v8 =	vld [tilespmem:s22+$0xC0]  }
0x208: {  	v2 =	vld [tilespmem:s0+$0x30];
	[tilespmem:s22+$0x10] =	vst v5  }
0x209: {  	[tilespmem:s22+$0x70] =	vst v3;
	v3 =	vld [tilespmem:s22+$0xA0]  }
0x20a: {  	v5 =	vld.idx.msk [tilespmem:v7+s12+$0x0], $0xffff  }
0x20b: {  	v7 =	vld [tilespmem:s22+$0x90]  }
0x20c: {  	v9 =	vld [tilespmem:s22+$0xB0]  }
0x20d: {  	v10 =	vld [tilespmem:s22+$0xD0]  }
0x20e: {  	v11 =	vld [tilespmem:s22+$0xF0];
	_ =	sdelay $0x1  }
0x20f: {  	v6 =	vmul.f32 v6, v5;
	v7 =	vmul.f32 v7, v5  }
0x210: {  	v3 =	vmul.f32 v3, v5;
	v9 =	vmul.f32 v9, v5  }
0x211: {  	v12 =	vmov s23;
	[tilespmem:s22+$0x80] =	vst v6;
	v6 =	vmul.f32 v8, v5;
	v8 =	vmul.f32 v10, v5  }
0x212: {  	v10 =	vand.u32 $0xFFFFFFFC, v12;
	[tilespmem:s22+$0xA0] =	vst v3;
	v3 =	vmul.f32 v4, v5;
	v4 =	vmul.f32 v11, v5  }
0x213: {  	v5 =	vbroadcast v10, $0x0;
	[tilespmem:s22+$0xC0] =	vst v6  }
0x214: {  	[tilespmem:s22+$0xF0] =	vst v4  }
0x215: {  	v4 =	vld [tilespmem:s0+$0xFFFFFF40];
	[tilespmem:s22+$0xE0] =	vst v3  }
0x216: {  	v3 =	vld [tilespmem:s0+$0xFFFFFF50];
	[tilespmem:s22+$0x90] =	vst v7  }
0x217: {  	v6 =	vld [tilespmem:s0+$0xFFFFFF60];
	[tilespmem:s22+$0xB0] =	vst v9  }
0x218: {  	v7 =	vld [tilespmem:s0+$0xFFFFFF70];
	[tilespmem:s22+$0xD0] =	vst v8;
	s22 =	smov.u32 s0  }
0x219: {  	v5 =	vld.idx.msk [tilespmem:v5+s12+$0x0], $0xffff  }
0x21a: {  	v8 =	vld [tilespmem:s0+$0xFFFFFF00]  }
0x21b: {  	v9 =	vld [tilespmem:s0+$0xFFFFFF20]  }
0x21c: {  	v10 =	vld [tilespmem:s0+$0xFFFFFF10]  }
0x21d: {  	v11 =	vld [tilespmem:s0+$0xFFFFFF30];
	_ =	sdelay $0x1  }
0x21e: {  	v7 =	vmul.f32 v7, v5;
	v8 =	vmul.f32 v8, v5  }
0x21f: {  	s3 =	sadd.s32 $0x1, s23;
	v6 =	vmul.f32 v6, v5;
	v9 =	vmul.f32 v9, v5  }
0x220: {  	v3 =	vmul.f32 v3, v5;
	v10 =	vmul.f32 v10, v5;
	[tilespmem:s0+$0xFFFFFF70] =	vst v7;
	v7 =	vmov s3  }
0x221: {  	v4 =	vmul.f32 v4, v5;
	[tilespmem:s0+$0xFFFFFF00] =	vst v8;
	v8 =	vmul.f32 v11, v5;
	v5 =	vand.u32 $0xFFFFFFFD, v7  }
0x222: {  	[tilespmem:s0+$0xFFFFFF20] =	vst v9;
	v5 =	vbroadcast v5, $0x0  }
0x223: {  	[tilespmem:s0+$0xFFFFFF50] =	vst v3  }
0x224: {  	[tilespmem:s0+$0xFFFFFF40] =	vst v4;
	v3 =	vld [tilespmem:s0+$0xFFFFFFF0]  }
0x225: {  	[tilespmem:s0+$0xFFFFFF60] =	vst v6;
	v4 =	vld [tilespmem:s0+$0xFFFFFFC0]  }
0x226: {  	[tilespmem:s0+$0xFFFFFF30] =	vst v8;
	v6 =	vld [tilespmem:s0+$0xFFFFFFD0]  }
0x227: {  	[tilespmem:s0+$0xFFFFFF10] =	vst v10;
	v7 =	vld [tilespmem:s0+$0xFFFFFF90]  }
0x228: {  	v5 =	vld.idx.msk [tilespmem:v5+s12+$0x0], $0xffff  }
0x229: {  	v8 =	vld [tilespmem:s0+$0xFFFFFF80]  }
0x22a: {  	v9 =	vld [tilespmem:s0+$0xFFFFFFA0]  }
0x22b: {  	v10 =	vld [tilespmem:s0+$0xFFFFFFB0]  }
0x22c: {  	v11 =	vld [tilespmem:s0+$0xFFFFFFE0];
	_ =	sdelay $0x1  }
0x22d: {  	v7 =	vmul.f32 v7, v5;
	v8 =	vmul.f32 v8, v5  }
0x22e: {  	s3 =	sadd.s32 $0x2, s23;
	v6 =	vmul.f32 v6, v5;
	v9 =	vmul.f32 v9, v5  }
0x22f: {  	v4 =	vmul.f32 v4, v5;
	[tilespmem:s0+$0xFFFFFF90] =	vst v7;
	v7 =	vmul.f32 v10, v5;
	v10 =	vmov s3  }
0x230: {  	v3 =	vmul.f32 v3, v5;
	[tilespmem:s0+$0xFFFFFFA0] =	vst v9;
	v9 =	vmul.f32 v11, v5;
	v5 =	vand.u32 $0xFFFFFFFE, v10  }
0x231: {  	[tilespmem:s0+$0xFFFFFF80] =	vst v8;
	v5 =	vbroadcast v5, $0x0  }
0x232: {  	[tilespmem:s0+$0xFFFFFFB0] =	vst v7  }
0x233: {  	[tilespmem:s0+$0xFFFFFFC0] =	vst v4  }
0x234: {  	[tilespmem:s0+$0xFFFFFFD0] =	vst v6  }
.Ltmp13:
0x235: {  	[tilespmem:s0+$0xFFFFFFF0] =	vst v3;
	v4 =	vld [tilespmem:s0+$0x40];
	(pc) =	sbr.rel @p0 .LBB2_19-.Ltmp13, $4  }
0x236: {  	[tilespmem:s0+$0xFFFFFFE0] =	vst v9;
	v6 =	vld [tilespmem:s0+$0x60]  }
0x237: {  	v3 =	vld.idx.msk [tilespmem:v5+s12+$0x0], $0xffff  }
0x238: {  	v7 =	vld [tilespmem:s0+$0x0]  }
0x239: {  	v5 =	vld [tilespmem:s0+$0x10]  }
0x23a: {  	_ =	sdelay $0x1  }
0x23b: {  	v6 =	vmul.f32 v6, v3  }
0x23c: {  	v8 =	vld [tilespmem:s22+$0x50];
	v4 =	vmul.f32 v4, v3  }
0x23d: {  	v9 =	vld [tilespmem:s22+$0x70];
	v1 =	vmul.f32 v1, v3;
	[tilespmem:s22+$0x60] =	vst v6  }
0x23e: {  	v54 =	vmul.f32 v7, v3;
	[tilespmem:s22+$0x40] =	vst v4  }
0x23f: {  	s0 =	sadd.s32 $0x3, s23;
	[tilespmem:s22+$0x20] =	vst v1;
	v1 =	vmul.f32 v2, v3  }
0x240: {  	v56 =	vmov s0;
	v5 =	vmul.f32 v5, v3;
	[tilespmem:s22+$0x0] =	vst v54  }
0x241: {  	v55 =	vmul.f32 v8, v3;
	[tilespmem:s22+$0x30] =	vst v1  }
0x242: {  	v3 =	vmul.f32 v9, v3;
	[tilespmem:s22+$0x10] =	vst v5  }
0x243: {  	[tilespmem:s22+$0x50] =	vst v55  }
0x244: {  	v2 =	vld [tilespmem:s22+$0x80];
	[tilespmem:s22+$0x70] =	vst v3  }
0x245: {  	v1 =	vld.idx.msk [tilespmem:v56+s12+$0x0], $0xffff  }
0x246: {  	v3 =	vld [tilespmem:s22+$0xA0]  }
0x247: {  	v59 =	vld [tilespmem:s22+$0xE0]  }
0x248: {  	v57 =	vld [tilespmem:s22+$0xC0]  }
0x249: {  	v58 =	vld [tilespmem:s22+$0xF0]  }
0x24a: {  	v60 =	vld [tilespmem:s22+$0x90];
	v2 =	vmul.f32 v2, v1  }
0x24b: {  	v61 =	vld [tilespmem:s22+$0xB0];
	v3 =	vmul.f32 v3, v1  }
0x24c: {  	v62 =	vld [tilespmem:s22+$0xD0];
	v63 =	vmul.f32 v59, v1;
	[tilespmem:s22+$0x80] =	vst v2  }
0x24d: {  	v2 =	vmul.f32 v57, v1;
	[tilespmem:s22+$0xA0] =	vst v3  }
0x24e: {  	v3 =	vmul.f32 v58, v1;
	[tilespmem:s22+$0xE0] =	vst v63  }
0x24f: {  	[tilespmem:s22+$0xC0] =	vst v2;
	v2 =	vmul.f32 v60, v1  }
.Ltmp14:
0x250: {  	[tilespmem:s22+$0xF0] =	vst v3;
	v3 =	vmul.f32 v61, v1;
	(pc) =	sbr.rel .LBB2_21-.Ltmp14, $4  }
0x251: {  	v1 =	vmul.f32 v62, v1;
	[tilespmem:s22+$0x90] =	vst v2  }
0x252: {  	[tilespmem:s22+$0xB0] =	vst v3  }
0x253: {  	[tilespmem:s22+$0xD0] =	vst v1  }
0x254: {  	[spmem:s2] =	stream.indirect.scatter.add.f32 [tilespmem:s15], [sflag:$0x8], $0x80, s13, s25, $0xb8;
	[tilespmem:$0x1F400] =	vst v63  }
.LBB2_23:
0x255: {  	_ =	sfence.sel $0x180000  }
0x256: {  	[bflag:$0x0] =	sbarrier.arrive $0xFFFF  }
0x257: {  	_ =	strace $0x9000004A  }
0x258: {  	s0 =	stileid.u32;
	[bflag:$0x2] =	sbarrier.arrive $0xFFFF  }
0x259: {  	p0 =	sne.s32 s0, $0x0;
	s0 =	rddreg [dreg:$0x3]  }
0x25a: {  	s0 =	sadd.s32 @!p0 $0x100000, s0  }
0x25b: {  	[sflag:s0] =	ssyncadd.tile.s32 @!p0 $0x1;
	_ =	shalt  }
.Lfunc_end2:
_tile_overlayer_lowered:
.L_overlay_start_2:
0x25c: {  	(tag) =	ssettag $0x2  }
0x25d: {  	s0 =	rddreg [dreg:$0x0];
	s2 =	stileid.u32  }
0x25e: {  	s1 =	rddreg [dreg:$0x1];
	p0 =	sne.s32 s2, $0x0  }
0x25f: {  	s3 =	rddreg [dreg:$0x2];
	[bflag:$0x3] =	sbarrier.arrive $0xFFFF;
	s2 =	simm.s32 @!p0 $0x1C09  }
0x260: {  	[timem:s3], [sflag:s2] =	dma.local @!p0 [hbm:s0], s1  }
0x261: {  	s0 =	simm.s32 @!p0 $0x9  }
0x262: {  	_ =	swait.ge @!p0 [sflag:s0], s1  }
0x263: {  	s1 =	ssub.s32 @!p0 $0x0, s1;
	[sflag:s0] =	ssyncset.done @!p0 $0x0  }
0x264: {  	[sflag:s0] =	ssyncadd.s32 @!p0 s1  }
0x265: {  	[bflag:$0x3] =	sbarrier.arrive $0xFFFF  }
0x266: {  	_ =	shalt  }

</sc_bundles>
